<compile_context>
chip_gen: v7x
topology: tpu7x:2x2x1
jax: 0.10.2.dev20260603
libtpu: 0.0.44.dev20260713+nightly
codegen_flags: <defaults>
</compile_context>

<pallas_src>
import functools

import numpy as np
import jax
import jax.numpy as jnp
from jax import lax
from jax.experimental import pallas as pl
from jax.experimental.pallas import tpu as pltpu
from jax.experimental.pallas import tpu_sc as plsc

K_IMAGE = 5
LAYER_WEIGHTS = (0.5, 0.5)
RESIZE_MASK = 224
ANOMALY_THRESHOLD = 2.0
SCORE_MEAN = 0.3
SCORE_STD = 0.1
_EPS = 1e-12


def _gauss_np(kernel_size=5, sigma=1.0):
    k = np.array([[i * j for j in range(kernel_size)] for i in range(kernel_size)],
                 dtype=np.float32)
    k = np.exp(-k / (2.0 * sigma ** 2))
    return k / k.sum()


def _resize_mat(out_size, in_size):
    R = np.zeros((out_size, in_size), np.float64)
    sc = in_size / out_size
    for o in range(out_size):
        x = (o + 0.5) * sc - 0.5
        lo = int(np.floor(x))
        w = x - lo
        for i, wi in ((lo, 1 - w), (lo + 1, w)):
            R[o, min(max(i, 0), in_size - 1)] += wi
    return R.astype(np.float32)


def _shift_mat(g, a):
    S = np.zeros((g, g), np.float32)
    for p in range(g):
        if 0 <= p + a < g:
            S[p, p + a] = 1.0
    return S


def _conv_resize_mats(g, out_size):
    gk = _gauss_np(5, 1.0)
    R = _resize_mat(out_size, g)
    A = np.zeros((5, out_size, g), np.float32)
    B = np.zeros((5, g, out_size), np.float32)
    for ky in range(5):
        Gk = sum(gk[ky, kx] * _shift_mat(g, kx - 2) for kx in range(5))
        A[ky] = R @ _shift_mat(g, ky - 2)
        B[ky] = Gk.T @ R.T
    return A, B


_A_MAT, _B_MAT = _conv_resize_mats(16, RESIZE_MASK)


def _sim_kernel(cq_ref, cb_ref, sim_ref, *, n):
    for li in range(cq_ref.shape[0]):
        cq = cq_ref[li]
        cb = cb_ref[li]
        cqn = cq / (jnp.sqrt(jnp.sum(cq * cq, axis=-1, keepdims=True)) + _EPS)
        cbn = cb / (jnp.sqrt(jnp.sum(cb * cb, axis=-1, keepdims=True)) + _EPS)
        sim = jax.lax.dot_general(cqn, cbn, (((1,), (1,)), ((), ())),
                                  preferred_element_type=jnp.float32)
        b = sim.shape[0]
        pad = jnp.full((b, sim_ref.shape[2] - n), -jnp.inf, jnp.float32)
        sim_ref[li] = jnp.concatenate([sim, pad], axis=1)


_SC_NC, _SC_NS, _SC_L = 2, 16, 16


def _sc_topk_body(sim_hbm, out_hbm, row_v, idx_v, *, k, nchunks):
    wid = lax.axis_index("s") * _SC_NC + lax.axis_index("c")
    pltpu.sync_copy(sim_hbm.at[wid], row_v)
    regs = [row_v[pl.ds(c * _SC_L, _SC_L)] for c in range(nchunks)]
    iota = lax.iota(jnp.int32, _SC_L)
    neg = jnp.full((_SC_L,), -jnp.inf, jnp.float32)
    idxv = jnp.zeros((_SC_L,), jnp.int32)
    for j in range(k):
        vm = regs[0]
        for c in range(1, nchunks):
            vm = jnp.maximum(vm, regs[c])
        for sh in (8, 4, 2, 1):
            vm = jnp.maximum(vm, vm.at[iota ^ sh].get(mode='promise_in_bounds'))
        best = vm
        cand = None
        for c in range(nchunks):
            cc = jnp.where(regs[c] == best, iota + c * _SC_L,
                           jnp.full((_SC_L,), 2 ** 30, jnp.int32))
            cand = cc if cand is None else jnp.minimum(cand, cc)
        for sh in (8, 4, 2, 1):
            cand = jnp.minimum(cand,
                               cand.at[iota ^ sh].get(mode='promise_in_bounds'))
        g = cand
        idxv = jnp.where(iota == j, g, idxv)
        for c in range(nchunks):
            regs[c] = jnp.where(iota + c * _SC_L == g, neg, regs[c])
    idx_v[...] = idxv
    pltpu.sync_copy(idx_v, out_hbm.at[wid])


def _norm_bf16(x):
    return (x / (jnp.sqrt(jnp.sum(x * x, axis=-1, keepdims=True)) + _EPS)
            ).astype(jnp.bfloat16)


def _main_kernel(idx_ref, *refs, k_image, num_layers, g):
    bi = pl.program_id(0)
    pq_refs = refs[:num_layers]
    pb_refs = refs[num_layers:num_layers + num_layers * k_image]
    a_ref, b_ref, amap_ref, score_ref, flag_ref = refs[num_layers + num_layers * k_image:]

    fused = jnp.zeros((g, g), jnp.float32)
    for li in range(num_layers):
        pqn = _norm_bf16(pq_refs[li][0])
        ms = None
        for ki in range(k_image):
            pbn = _norm_bf16(pb_refs[li * k_image + ki][0])
            s = jax.lax.dot_general(pqn, pbn, (((1,), (1,)), ((), ())),
                                    preferred_element_type=jnp.float32)
            m = jnp.max(s.reshape(g, g, s.shape[1]), axis=2)
            ms = m if ms is None else jnp.maximum(ms, m)
        fused = fused + LAYER_WEIGHTS[li] * (1.0 - ms)

    amap = jnp.zeros((amap_ref.shape[1], amap_ref.shape[2]), jnp.float32)
    for ky in range(a_ref.shape[0]):
        t = jax.lax.dot_general(fused, b_ref[ky], (((1,), (0,)), ((), ())),
                                preferred_element_type=jnp.float32)
        amap = amap + jax.lax.dot_general(
            a_ref[ky], t, (((1,), (0,)), ((), ())),
            preferred_element_type=jnp.float32)
    amap_ref[0] = amap
    sc = jnp.max(amap)
    z = (sc - SCORE_MEAN) / SCORE_STD
    lane = jax.lax.broadcasted_iota(jnp.int32, score_ref.shape, 1)
    score_ref[...] = jnp.where(lane == bi, sc, score_ref[...])
    flag_ref[...] = jnp.where(lane == bi,
                              (z > ANOMALY_THRESHOLD).astype(jnp.float32),
                              flag_ref[...])


def kernel(cls_q, patch_q, cls_bank, patch_bank):
    num_layers, b, l, d = patch_q.shape
    n = cls_bank.shape[1]
    g = int(round(l ** 0.5))
    k = K_IMAGE

    lanes = 256
    sim = pl.pallas_call(
        functools.partial(_sim_kernel, n=n),
        out_shape=jax.ShapeDtypeStruct((num_layers, b, lanes), jnp.float32),
    )(cls_q, cls_bank)
    sim2d = sim.reshape(num_layers * b, lanes)

    sc_topk = functools.partial(
        pl.kernel,
        out_type=jax.ShapeDtypeStruct((num_layers * b, _SC_L), jnp.int32),
        mesh=plsc.VectorSubcoreMesh(core_axis_name="c", subcore_axis_name="s"),
        scratch_types=[
            pltpu.VMEM((lanes,), jnp.float32),
            pltpu.VMEM((_SC_L,), jnp.int32),
        ],
    )(functools.partial(_sc_topk_body, k=k, nchunks=lanes // _SC_L))
    idx32 = sc_topk(sim2d)
    idx_flat = idx32.reshape(-1)

    a_mat = jnp.asarray(_A_MAT)
    b_mat = jnp.asarray(_B_MAT)

    pq_flat = patch_q.reshape(num_layers * b, l, d)
    pb_flat = patch_bank.reshape(num_layers * n, l, d)

    pq_specs = [
        pl.BlockSpec((1, l, d), lambda bi, idx_r, li=li: (li * b + bi, 0, 0))
        for li in range(num_layers)
    ]
    pb_specs = [
        pl.BlockSpec((1, l, d),
                     lambda bi, idx_r, li=li, ki=ki:
                     (li * n + idx_r[(li * b + bi) * _SC_L + ki], 0, 0))
        for li in range(num_layers) for ki in range(k)
    ]

    amap, score, flag = pl.pallas_call(
        functools.partial(_main_kernel, k_image=k, num_layers=num_layers, g=g),
        grid_spec=pltpu.PrefetchScalarGridSpec(
            num_scalar_prefetch=1,
            grid=(b,),
            in_specs=pq_specs + pb_specs + [
                pl.BlockSpec((5, RESIZE_MASK, g), lambda bi, idx_r: (0, 0, 0)),
                pl.BlockSpec((5, g, RESIZE_MASK), lambda bi, idx_r: (0, 0, 0)),
            ],
            out_specs=[
                pl.BlockSpec((1, RESIZE_MASK, RESIZE_MASK),
                             lambda bi, idx_r: (bi, 0, 0)),
                pl.BlockSpec((1, b), lambda bi, idx_r: (0, 0)),
                pl.BlockSpec((1, b), lambda bi, idx_r: (0, 0)),
            ],
        ),
        out_shape=[
            jax.ShapeDtypeStruct((b, RESIZE_MASK, RESIZE_MASK), jnp.float32),
            jax.ShapeDtypeStruct((1, b), jnp.float32),
            jax.ShapeDtypeStruct((1, b), jnp.float32),
        ],
    )(idx_flat, *([pq_flat] * num_layers), *([pb_flat] * (num_layers * k)),
      a_mat, b_mat)

    return score.reshape(b), flag.reshape(b), amap

# --- scband reference (transcript-rebuilt; emitter-appended) ---
"""Pipeline reference for scband-radanomaly-head-34583076667656 (READ-ONLY COPY).

The authoritative reference and input builder live on the scoring server;
editing this copy changes nothing except your own understanding.
"""

import jax, jax.numpy as jnp
import numpy as np

K_IMAGE = 5
LAYER_WEIGHTS = (0.5, 0.5)
RESIZE_MASK = 224
ANOMALY_THRESHOLD = 2.0
SCORE_MEAN = 0.3
SCORE_STD = 0.1


def _gauss_kernel(kernel_size=5, sigma=1.0):
    # Faithful reproduction of get_gaussian_kernel: k[i,j] = exp(-(i*j)/(2*sigma^2)), normalized
    k = np.array([[i * j for j in range(kernel_size)] for i in range(kernel_size)], dtype=np.float32)
    k = np.exp(-k / (2.0 * sigma ** 2))
    k = k / k.sum()
    return jnp.asarray(k.reshape(1, 1, kernel_size, kernel_size))


def _normalize(x):
    return x / (jnp.linalg.norm(x, axis=-1, keepdims=True) + 1e-12)


def setup_inputs(seed: int = 0) -> dict:
    key = jax.random.key(seed)
    k1, k2, k3, k4 = jax.random.split(key, 4)
    num_layers, B, L, d, N = 2, 16, 256, 384, 200
    return {
        'cls_q': jax.random.normal(k1, (num_layers, B, d), dtype=jnp.float32),
        'patch_q': jax.random.normal(k2, (num_layers, B, L, d), dtype=jnp.float32),
        'cls_bank': jax.random.normal(k3, (num_layers, N, d), dtype=jnp.float32),
        'patch_bank': jax.random.normal(k4, (num_layers, N, L, d), dtype=jnp.float32),
    }


def reference(cls_q, patch_q, cls_bank, patch_bank):
    num_layers, B, L, d = patch_q.shape
    fused = jnp.zeros((B, L), dtype=jnp.float32)
    for li in range(num_layers):
        # 1) image-level retrieval: CLS cosine similarity -> top-k nearest bank images
        cq = _normalize(cls_q[li])            # [B, d]
        cb = _normalize(cls_bank[li])         # [N, d]
        sim = cq @ cb.T                       # [B, N]
        _, idx = jax.lax.top_k(sim, K_IMAGE)  # [B, k]
        # 2) patch-level KNN: cosine sim of query patches vs retrieved bank patches
        nb = jnp.take(patch_bank[li], idx, axis=0)   # [B, k, L, d] gather
        pq = _normalize(patch_q[li])                 # [B, L, d]
        nbn = _normalize(nb)                         # [B, k, L, d]
        ps = jnp.einsum('bld,bkmd->blkm', pq, nbn)   # [B, L, k, L]
        max_sim = jnp.max(ps.reshape(B, L, -1), axis=-1)  # [B, L]
        fused = fused + LAYER_WEIGHTS[li] * (1.0 - max_sim)
    # 3) spatial map + gaussian smoothing + resize
    g = int(round(L ** 0.5))
    amap = fused.reshape(B, 1, g, g)
    gk = _gauss_kernel(5, 1.0)
    amap = jax.lax.conv_general_dilated(
        amap, gk, window_strides=(1, 1), padding=[(2, 2), (2, 2)],
        dimension_numbers=('NCHW', 'OIHW', 'NCHW'))
    amap = jax.image.resize(amap[:, 0], (B, RESIZE_MASK, RESIZE_MASK), method='bilinear')
    # 4) per-sample score + z-score thresholding for unknown-defect flag
    anomaly_score = jnp.max(amap.reshape(B, -1), axis=-1)
    z = (anomaly_score - SCORE_MEAN) / SCORE_STD
    is_unknown = (z > ANOMALY_THRESHOLD).astype(jnp.float32)
    return anomaly_score, is_unknown, amap

if __name__ == "__main__":
    import jax
    _d = setup_inputs()
    print(jax.jit(kernel)(*tuple(_d.values())))

</pallas_src>

<mosaic_0001>
#map = affine_map<(d0, d1) -> (0, 0)>
module attributes {stable_mosaic.version = 14 : i64} {
  func.func @_sc_topk_body(%arg0: i32, %arg1: i32, %arg2: memref<32x256xf32, #tpu.memory_space<hbm>>, %arg3: memref<32x16xi32, #tpu.memory_space<hbm>>, %arg4: memref<256xf32, #tpu.memory_space<vmem>>, %arg5: memref<16xi32, #tpu.memory_space<vmem>>) attributes {dimension_semantics = [#tpu.dimension_semantics<core_parallel>, #tpu.dimension_semantics<subcore_parallel>], iteration_bounds = array<i64: 2, 16>, scalar_prefetch = 0 : i64, scratch_operands = 2 : i64, tpu.core_type = #tpu.core_type<sc_vector_subcore>, window_params = [{transform_indices = #map}, {transform_indices = #map}]} {
    %mul3A = arith.constant 2 : i32
    %mul3A_0 = arith.muli %arg1, %mul3A : i32
    %add3A = arith.addi %mul3A_0, %arg0 : i32
    "tpu.region"() ({
      %run_scoped3A = tpu.sem_alloc : memref<!tpu.dma_semaphore, #tpu.memory_space<semaphore_mem>>
      %dma_start3A = arith.constant 0 : i32
      %dma_start3A_1737 = tpu.memref_slice %arg2[%add3A, %dma_start3A] : memref<32x256xf32, #tpu.memory_space<hbm>> -> memref<1x256xf32, #tpu.memory_space<hbm>>
      %dma_start3A_1738 = tpu.memref_squeeze %dma_start3A_1737 : memref<1x256xf32, #tpu.memory_space<hbm>> -> memref<256xf32, #tpu.memory_space<hbm>>
      %dma_start3A_1739 = arith.constant 0 : i32
      %dma_start3A_1740 = tpu.memref_slice %arg2[%add3A, %dma_start3A_1739] : memref<32x256xf32, #tpu.memory_space<hbm>> -> memref<1x256xf32, #tpu.memory_space<hbm>>
      %dma_start3A_1741 = tpu.memref_squeeze %dma_start3A_1740 : memref<1x256xf32, #tpu.memory_space<hbm>> -> memref<256xf32, #tpu.memory_space<hbm>>
      tpu.enqueue_dma source(%dma_start3A_1741 : memref<256xf32, #tpu.memory_space<hbm>>) target(%arg4 : memref<256xf32, #tpu.memory_space<vmem>>) target_semaphore(%run_scoped3A : memref<!tpu.dma_semaphore, #tpu.memory_space<semaphore_mem>>)
      %dma_wait3A = arith.constant 0 : i32
      %dma_wait3A_1742 = tpu.memref_slice %arg2[%add3A, %dma_wait3A] : memref<32x256xf32, #tpu.memory_space<hbm>> -> memref<1x256xf32, #tpu.memory_space<hbm>>
      %dma_wait3A_1743 = tpu.memref_squeeze %dma_wait3A_1742 : memref<1x256xf32, #tpu.memory_space<hbm>> -> memref<256xf32, #tpu.memory_space<hbm>>
      %dma_wait3A_1744 = arith.constant 0 : i32
      %dma_wait3A_1745 = tpu.memref_slice %arg2[%add3A, %dma_wait3A_1744] : memref<32x256xf32, #tpu.memory_space<hbm>> -> memref<1x256xf32, #tpu.memory_space<hbm>>
      %dma_wait3A_1746 = tpu.memref_squeeze %dma_wait3A_1745 : memref<1x256xf32, #tpu.memory_space<hbm>> -> memref<256xf32, #tpu.memory_space<hbm>>
      tpu.wait_dma2 semaphore(%run_scoped3A : memref<!tpu.dma_semaphore, #tpu.memory_space<semaphore_mem>>) src(%dma_wait3A_1746 : memref<256xf32, #tpu.memory_space<hbm>>) dst(%arg4 : memref<256xf32, #tpu.memory_space<vmem>>)
      tpu.yield
    }) : () -> ()
    %get3A = arith.constant 0 : index
    %get3A_1 = tpu.vector_load %arg4[%get3A] {strides = array<i32>} : memref<256xf32, #tpu.memory_space<vmem>>, vector<16xf32>,
    %get3A_2 = vector.shape_cast %get3A_1 : vector<16xf32> to vector<16xf32>
    %get3A_3 = arith.constant 16 : index
    %get3A_4 = tpu.vector_load %arg4[%get3A_3] {strides = array<i32>} : memref<256xf32, #tpu.memory_space<vmem>>, vector<16xf32>,
    %get3A_5 = vector.shape_cast %get3A_4 : vector<16xf32> to vector<16xf32>
    %get3A_6 = arith.constant 32 : index
    %get3A_7 = tpu.vector_load %arg4[%get3A_6] {strides = array<i32>} : memref<256xf32, #tpu.memory_space<vmem>>, vector<16xf32>,
    %get3A_8 = vector.shape_cast %get3A_7 : vector<16xf32> to vector<16xf32>
    %get3A_9 = arith.constant 48 : index
    %get3A_10 = tpu.vector_load %arg4[%get3A_9] {strides = array<i32>} : memref<256xf32, #tpu.memory_space<vmem>>, vector<16xf32>,
    %get3A_11 = vector.shape_cast %get3A_10 : vector<16xf32> to vector<16xf32>
    %get3A_12 = arith.constant 64 : index
    %get3A_13 = tpu.vector_load %arg4[%get3A_12] {strides = array<i32>} : memref<256xf32, #tpu.memory_space<vmem>>, vector<16xf32>,
    %get3A_14 = vector.shape_cast %get3A_13 : vector<16xf32> to vector<16xf32>
    %get3A_15 = arith.constant 80 : index
    %get3A_16 = tpu.vector_load %arg4[%get3A_15] {strides = array<i32>} : memref<256xf32, #tpu.memory_space<vmem>>, vector<16xf32>,
    %get3A_17 = vector.shape_cast %get3A_16 : vector<16xf32> to vector<16xf32>
    %get3A_18 = arith.constant 96 : index
    %get3A_19 = tpu.vector_load %arg4[%get3A_18] {strides = array<i32>} : memref<256xf32, #tpu.memory_space<vmem>>, vector<16xf32>,
    %get3A_20 = vector.shape_cast %get3A_19 : vector<16xf32> to vector<16xf32>
    %get3A_21 = arith.constant 112 : index
    %get3A_22 = tpu.vector_load %arg4[%get3A_21] {strides = array<i32>} : memref<256xf32, #tpu.memory_space<vmem>>, vector<16xf32>,
    %get3A_23 = vector.shape_cast %get3A_22 : vector<16xf32> to vector<16xf32>
    %get3A_24 = arith.constant 128 : index
    %get3A_25 = tpu.vector_load %arg4[%get3A_24] {strides = array<i32>} : memref<256xf32, #tpu.memory_space<vmem>>, vector<16xf32>,
    %get3A_26 = vector.shape_cast %get3A_25 : vector<16xf32> to vector<16xf32>
    %get3A_27 = arith.constant 144 : index
    %get3A_28 = tpu.vector_load %arg4[%get3A_27] {strides = array<i32>} : memref<256xf32, #tpu.memory_space<vmem>>, vector<16xf32>,
    %get3A_29 = vector.shape_cast %get3A_28 : vector<16xf32> to vector<16xf32>
    %get3A_30 = arith.constant 160 : index
    %get3A_31 = tpu.vector_load %arg4[%get3A_30] {strides = array<i32>} : memref<256xf32, #tpu.memory_space<vmem>>, vector<16xf32>,
    %get3A_32 = vector.shape_cast %get3A_31 : vector<16xf32> to vector<16xf32>
    %get3A_33 = arith.constant 176 : index
    %get3A_34 = tpu.vector_load %arg4[%get3A_33] {strides = array<i32>} : memref<256xf32, #tpu.memory_space<vmem>>, vector<16xf32>,
    %get3A_35 = vector.shape_cast %get3A_34 : vector<16xf32> to vector<16xf32>
    %get3A_36 = arith.constant 192 : index
    %get3A_37 = tpu.vector_load %arg4[%get3A_36] {strides = array<i32>} : memref<256xf32, #tpu.memory_space<vmem>>, vector<16xf32>,
    %get3A_38 = vector.shape_cast %get3A_37 : vector<16xf32> to vector<16xf32>
    %get3A_39 = arith.constant 208 : index
    %get3A_40 = tpu.vector_load %arg4[%get3A_39] {strides = array<i32>} : memref<256xf32, #tpu.memory_space<vmem>>, vector<16xf32>,
    %get3A_41 = vector.shape_cast %get3A_40 : vector<16xf32> to vector<16xf32>
    %get3A_42 = arith.constant 224 : index
    %get3A_43 = tpu.vector_load %arg4[%get3A_42] {strides = array<i32>} : memref<256xf32, #tpu.memory_space<vmem>>, vector<16xf32>,
    %get3A_44 = vector.shape_cast %get3A_43 : vector<16xf32> to vector<16xf32>
    %get3A_45 = arith.constant 240 : index
    %get3A_46 = tpu.vector_load %arg4[%get3A_45] {strides = array<i32>} : memref<256xf32, #tpu.memory_space<vmem>>, vector<16xf32>,
    %get3A_47 = vector.shape_cast %get3A_46 : vector<16xf32> to vector<16xf32>
    %iota3A = tpu.iota {dimensions = array<i32: 0>} : vector<16xi32>
    %broadcast_in_dim3A = arith.constant 0xFF800000 : f32
    %broadcast_in_dim3A_48 = vector.broadcast %broadcast_in_dim3A : f32 to vector<16xf32>
    %broadcast_in_dim3A_49 = arith.constant 0 : i32
    %broadcast_in_dim3A_50 = vector.broadcast %broadcast_in_dim3A_49 : i32 to vector<16xi32>
    %max3A = arith.maximumf %get3A_2, %get3A_5 : vector<16xf32>
    %max3A_51 = arith.maximumf %max3A, %get3A_8 : vector<16xf32>
    %max3A_52 = arith.maximumf %max3A_51, %get3A_11 : vector<16xf32>
    %max3A_53 = arith.maximumf %max3A_52, %get3A_14 : vector<16xf32>
    %max3A_54 = arith.maximumf %max3A_53, %get3A_17 : vector<16xf32>
    %max3A_55 = arith.maximumf %max3A_54, %get3A_20 : vector<16xf32>
    %max3A_56 = arith.maximumf %max3A_55, %get3A_23 : vector<16xf32>
    %max3A_57 = arith.maximumf %max3A_56, %get3A_26 : vector<16xf32>
    %max3A_58 = arith.maximumf %max3A_57, %get3A_29 : vector<16xf32>
    %max3A_59 = arith.maximumf %max3A_58, %get3A_32 : vector<16xf32>
    %max3A_60 = arith.maximumf %max3A_59, %get3A_35 : vector<16xf32>
    %max3A_61 = arith.maximumf %max3A_60, %get3A_38 : vector<16xf32>
    %max3A_62 = arith.maximumf %max3A_61, %get3A_41 : vector<16xf32>
    %max3A_63 = arith.maximumf %max3A_62, %get3A_44 : vector<16xf32>
    %max3A_64 = arith.maximumf %max3A_63, %get3A_47 : vector<16xf32>
    %xor3A = arith.constant 8 : i32
    %xor3A_65 = vector.broadcast %xor3A : i32 to vector<16xi32>
    %xor3A_66 = arith.xori %iota3A, %xor3A_65 : vector<16xi32>
    %lt3A = arith.constant 0 : i32
    %lt3A_67 = vector.broadcast %lt3A : i32 to vector<16xi32>
    %lt3A_68 = arith.cmpi slt, %xor3A_66, %lt3A_67 : vector<16xi32>
    %add3A_69 = arith.constant 16 : i32
    %add3A_70 = vector.broadcast %add3A_69 : i32 to vector<16xi32>
    %add3A_71 = arith.addi %xor3A_66, %add3A_70 : vector<16xi32>
    %select_n3A = arith.select %lt3A_68, %add3A_71, %xor3A_66 : vector<16xi1>, vector<16xi32>
    %broadcast_in_dim3A_72 = vector.shape_cast %select_n3A : vector<16xi32> to vector<16x1xi32>
    %gather3A = vector.shape_cast %broadcast_in_dim3A_72 : vector<16x1xi32> to vector<16xi32>
    %gather3A_73 = tpu.dynamic_gather %max3A_64[%gather3A] in [0] : vector<16xf32>, vector<16xi32> -> vector<16xf32>
    %max3A_74 = arith.maximumf %max3A_64, %gather3A_73 : vector<16xf32>
    %xor3A_75 = arith.constant 4 : i32
    %xor3A_76 = vector.broadcast %xor3A_75 : i32 to vector<16xi32>
    %xor3A_77 = arith.xori %iota3A, %xor3A_76 : vector<16xi32>
    %lt3A_78 = arith.constant 0 : i32
    %lt3A_79 = vector.broadcast %lt3A_78 : i32 to vector<16xi32>
    %lt3A_80 = arith.cmpi slt, %xor3A_77, %lt3A_79 : vector<16xi32>
    %add3A_81 = arith.constant 16 : i32
    %add3A_82 = vector.broadcast %add3A_81 : i32 to vector<16xi32>
    %add3A_83 = arith.addi %xor3A_77, %add3A_82 : vector<16xi32>
    %select_n3A_84 = arith.select %lt3A_80, %add3A_83, %xor3A_77 : vector<16xi1>, vector<16xi32>
    %broadcast_in_dim3A_85 = vector.shape_cast %select_n3A_84 : vector<16xi32> to vector<16x1xi32>
    %gather3A_86 = vector.shape_cast %broadcast_in_dim3A_85 : vector<16x1xi32> to vector<16xi32>
    %gather3A_87 = tpu.dynamic_gather %max3A_74[%gather3A_86] in [0] : vector<16xf32>, vector<16xi32> -> vector<16xf32>
    %max3A_88 = arith.maximumf %max3A_74, %gather3A_87 : vector<16xf32>
    %xor3A_89 = arith.constant 2 : i32
    %xor3A_90 = vector.broadcast %xor3A_89 : i32 to vector<16xi32>
    %xor3A_91 = arith.xori %iota3A, %xor3A_90 : vector<16xi32>
    %lt3A_92 = arith.constant 0 : i32
    %lt3A_93 = vector.broadcast %lt3A_92 : i32 to vector<16xi32>
    %lt3A_94 = arith.cmpi slt, %xor3A_91, %lt3A_93 : vector<16xi32>
    %add3A_95 = arith.constant 16 : i32
    %add3A_96 = vector.broadcast %add3A_95 : i32 to vector<16xi32>
    %add3A_97 = arith.addi %xor3A_91, %add3A_96 : vector<16xi32>
    %select_n3A_98 = arith.select %lt3A_94, %add3A_97, %xor3A_91 : vector<16xi1>, vector<16xi32>
    %broadcast_in_dim3A_99 = vector.shape_cast %select_n3A_98 : vector<16xi32> to vector<16x1xi32>
    %gather3A_100 = vector.shape_cast %broadcast_in_dim3A_99 : vector<16x1xi32> to vector<16xi32>
    %gather3A_101 = tpu.dynamic_gather %max3A_88[%gather3A_100] in [0] : vector<16xf32>, vector<16xi32> -> vector<16xf32>
    %max3A_102 = arith.maximumf %max3A_88, %gather3A_101 : vector<16xf32>
    %xor3A_103 = arith.constant 1 : i32
    %xor3A_104 = vector.broadcast %xor3A_103 : i32 to vector<16xi32>
    %xor3A_105 = arith.xori %iota3A, %xor3A_104 : vector<16xi32>
    %lt3A_106 = arith.constant 0 : i32
    %lt3A_107 = vector.broadcast %lt3A_106 : i32 to vector<16xi32>
    %lt3A_108 = arith.cmpi slt, %xor3A_105, %lt3A_107 : vector<16xi32>
    %add3A_109 = arith.constant 16 : i32
    %add3A_110 = vector.broadcast %add3A_109 : i32 to vector<16xi32>
    %add3A_111 = arith.addi %xor3A_105, %add3A_110 : vector<16xi32>
    %select_n3A_112 = arith.select %lt3A_108, %add3A_111, %xor3A_105 : vector<16xi1>, vector<16xi32>
    %broadcast_in_dim3A_113 = vector.shape_cast %select_n3A_112 : vector<16xi32> to vector<16x1xi32>
    %gather3A_114 = vector.shape_cast %broadcast_in_dim3A_113 : vector<16x1xi32> to vector<16xi32>
    %gather3A_115 = tpu.dynamic_gather %max3A_102[%gather3A_114] in [0] : vector<16xf32>, vector<16xi32> -> vector<16xf32>
    %max3A_116 = arith.maximumf %max3A_102, %gather3A_115 : vector<16xf32>
    %eq3A = arith.cmpf oeq, %get3A_2, %max3A_116 : vector<16xf32>
    %add3A_117 = arith.constant 0 : i32
    %add3A_118 = vector.broadcast %add3A_117 : i32 to vector<16xi32>
    %add3A_119 = arith.addi %iota3A, %add3A_118 : vector<16xi32>
    %broadcast_in_dim3A_120 = arith.constant 1073741824 : i32
    %broadcast_in_dim3A_121 = vector.broadcast %broadcast_in_dim3A_120 : i32 to vector<16xi32>
    %select_n3A_122 = arith.select %eq3A, %add3A_119, %broadcast_in_dim3A_121 : vector<16xi1>, vector<16xi32>
    %eq3A_123 = arith.cmpf oeq, %get3A_5, %max3A_116 : vector<16xf32>
    %add3A_124 = arith.constant 16 : i32
    %add3A_125 = vector.broadcast %add3A_124 : i32 to vector<16xi32>
    %add3A_126 = arith.addi %iota3A, %add3A_125 : vector<16xi32>
    %broadcast_in_dim3A_127 = arith.constant 1073741824 : i32
    %broadcast_in_dim3A_128 = vector.broadcast %broadcast_in_dim3A_127 : i32 to vector<16xi32>
    %select_n3A_129 = arith.select %eq3A_123, %add3A_126, %broadcast_in_dim3A_128 : vector<16xi1>, vector<16xi32>
    %min3A = arith.minsi %select_n3A_122, %select_n3A_129 : vector<16xi32>
    %eq3A_130 = arith.cmpf oeq, %get3A_8, %max3A_116 : vector<16xf32>
    %add3A_131 = arith.constant 32 : i32
    %add3A_132 = vector.broadcast %add3A_131 : i32 to vector<16xi32>
    %add3A_133 = arith.addi %iota3A, %add3A_132 : vector<16xi32>
    %broadcast_in_dim3A_134 = arith.constant 1073741824 : i32
    %broadcast_in_dim3A_135 = vector.broadcast %broadcast_in_dim3A_134 : i32 to vector<16xi32>
    %select_n3A_136 = arith.select %eq3A_130, %add3A_133, %broadcast_in_dim3A_135 : vector<16xi1>, vector<16xi32>
    %min3A_137 = arith.minsi %min3A, %select_n3A_136 : vector<16xi32>
    %eq3A_138 = arith.cmpf oeq, %get3A_11, %max3A_116 : vector<16xf32>
    %add3A_139 = arith.constant 48 : i32
    %add3A_140 = vector.broadcast %add3A_139 : i32 to vector<16xi32>
    %add3A_141 = arith.addi %iota3A, %add3A_140 : vector<16xi32>
    %broadcast_in_dim3A_142 = arith.constant 1073741824 : i32
    %broadcast_in_dim3A_143 = vector.broadcast %broadcast_in_dim3A_142 : i32 to vector<16xi32>
    %select_n3A_144 = arith.select %eq3A_138, %add3A_141, %broadcast_in_dim3A_143 : vector<16xi1>, vector<16xi32>
    %min3A_145 = arith.minsi %min3A_137, %select_n3A_144 : vector<16xi32>
    %eq3A_146 = arith.cmpf oeq, %get3A_14, %max3A_116 : vector<16xf32>
    %add3A_147 = arith.constant 64 : i32
    %add3A_148 = vector.broadcast %add3A_147 : i32 to vector<16xi32>
    %add3A_149 = arith.addi %iota3A, %add3A_148 : vector<16xi32>
    %broadcast_in_dim3A_150 = arith.constant 1073741824 : i32
    %broadcast_in_dim3A_151 = vector.broadcast %broadcast_in_dim3A_150 : i32 to vector<16xi32>
    %select_n3A_152 = arith.select %eq3A_146, %add3A_149, %broadcast_in_dim3A_151 : vector<16xi1>, vector<16xi32>
    %min3A_153 = arith.minsi %min3A_145, %select_n3A_152 : vector<16xi32>
    %eq3A_154 = arith.cmpf oeq, %get3A_17, %max3A_116 : vector<16xf32>
    %add3A_155 = arith.constant 80 : i32
    %add3A_156 = vector.broadcast %add3A_155 : i32 to vector<16xi32>
    %add3A_157 = arith.addi %iota3A, %add3A_156 : vector<16xi32>
    %broadcast_in_dim3A_158 = arith.constant 1073741824 : i32
    %broadcast_in_dim3A_159 = vector.broadcast %broadcast_in_dim3A_158 : i32 to vector<16xi32>
    %select_n3A_160 = arith.select %eq3A_154, %add3A_157, %broadcast_in_dim3A_159 : vector<16xi1>, vector<16xi32>
    %min3A_161 = arith.minsi %min3A_153, %select_n3A_160 : vector<16xi32>
    %eq3A_162 = arith.cmpf oeq, %get3A_20, %max3A_116 : vector<16xf32>
    %add3A_163 = arith.constant 96 : i32
    %add3A_164 = vector.broadcast %add3A_163 : i32 to vector<16xi32>
    %add3A_165 = arith.addi %iota3A, %add3A_164 : vector<16xi32>
    %broadcast_in_dim3A_166 = arith.constant 1073741824 : i32
    %broadcast_in_dim3A_167 = vector.broadcast %broadcast_in_dim3A_166 : i32 to vector<16xi32>
    %select_n3A_168 = arith.select %eq3A_162, %add3A_165, %broadcast_in_dim3A_167 : vector<16xi1>, vector<16xi32>
    %min3A_169 = arith.minsi %min3A_161, %select_n3A_168 : vector<16xi32>
    %eq3A_170 = arith.cmpf oeq, %get3A_23, %max3A_116 : vector<16xf32>
    %add3A_171 = arith.constant 112 : i32
    %add3A_172 = vector.broadcast %add3A_171 : i32 to vector<16xi32>
    %add3A_173 = arith.addi %iota3A, %add3A_172 : vector<16xi32>
    %broadcast_in_dim3A_174 = arith.constant 1073741824 : i32
    %broadcast_in_dim3A_175 = vector.broadcast %broadcast_in_dim3A_174 : i32 to vector<16xi32>
    %select_n3A_176 = arith.select %eq3A_170, %add3A_173, %broadcast_in_dim3A_175 : vector<16xi1>, vector<16xi32>
    %min3A_177 = arith.minsi %min3A_169, %select_n3A_176 : vector<16xi32>
    %eq3A_178 = arith.cmpf oeq, %get3A_26, %max3A_116 : vector<16xf32>
    %add3A_179 = arith.constant 128 : i32
    %add3A_180 = vector.broadcast %add3A_179 : i32 to vector<16xi32>
    %add3A_181 = arith.addi %iota3A, %add3A_180 : vector<16xi32>
    %broadcast_in_dim3A_182 = arith.constant 1073741824 : i32
    %broadcast_in_dim3A_183 = vector.broadcast %broadcast_in_dim3A_182 : i32 to vector<16xi32>
    %select_n3A_184 = arith.select %eq3A_178, %add3A_181, %broadcast_in_dim3A_183 : vector<16xi1>, vector<16xi32>
    %min3A_185 = arith.minsi %min3A_177, %select_n3A_184 : vector<16xi32>
    %eq3A_186 = arith.cmpf oeq, %get3A_29, %max3A_116 : vector<16xf32>
    %add3A_187 = arith.constant 144 : i32
    %add3A_188 = vector.broadcast %add3A_187 : i32 to vector<16xi32>
    %add3A_189 = arith.addi %iota3A, %add3A_188 : vector<16xi32>
    %broadcast_in_dim3A_190 = arith.constant 1073741824 : i32
    %broadcast_in_dim3A_191 = vector.broadcast %broadcast_in_dim3A_190 : i32 to vector<16xi32>
    %select_n3A_192 = arith.select %eq3A_186, %add3A_189, %broadcast_in_dim3A_191 : vector<16xi1>, vector<16xi32>
    %min3A_193 = arith.minsi %min3A_185, %select_n3A_192 : vector<16xi32>
    %eq3A_194 = arith.cmpf oeq, %get3A_32, %max3A_116 : vector<16xf32>
    %add3A_195 = arith.constant 160 : i32
    %add3A_196 = vector.broadcast %add3A_195 : i32 to vector<16xi32>
    %add3A_197 = arith.addi %iota3A, %add3A_196 : vector<16xi32>
    %broadcast_in_dim3A_198 = arith.constant 1073741824 : i32
    %broadcast_in_dim3A_199 = vector.broadcast %broadcast_in_dim3A_198 : i32 to vector<16xi32>
    %select_n3A_200 = arith.select %eq3A_194, %add3A_197, %broadcast_in_dim3A_199 : vector<16xi1>, vector<16xi32>
    %min3A_201 = arith.minsi %min3A_193, %select_n3A_200 : vector<16xi32>
    %eq3A_202 = arith.cmpf oeq, %get3A_35, %max3A_116 : vector<16xf32>
    %add3A_203 = arith.constant 176 : i32
    %add3A_204 = vector.broadcast %add3A_203 : i32 to vector<16xi32>
    %add3A_205 = arith.addi %iota3A, %add3A_204 : vector<16xi32>
    %broadcast_in_dim3A_206 = arith.constant 1073741824 : i32
    %broadcast_in_dim3A_207 = vector.broadcast %broadcast_in_dim3A_206 : i32 to vector<16xi32>
    %select_n3A_208 = arith.select %eq3A_202, %add3A_205, %broadcast_in_dim3A_207 : vector<16xi1>, vector<16xi32>
    %min3A_209 = arith.minsi %min3A_201, %select_n3A_208 : vector<16xi32>
    %eq3A_210 = arith.cmpf oeq, %get3A_38, %max3A_116 : vector<16xf32>
    %add3A_211 = arith.constant 192 : i32
    %add3A_212 = vector.broadcast %add3A_211 : i32 to vector<16xi32>
    %add3A_213 = arith.addi %iota3A, %add3A_212 : vector<16xi32>
    %broadcast_in_dim3A_214 = arith.constant 1073741824 : i32
    %broadcast_in_dim3A_215 = vector.broadcast %broadcast_in_dim3A_214 : i32 to vector<16xi32>
    %select_n3A_216 = arith.select %eq3A_210, %add3A_213, %broadcast_in_dim3A_215 : vector<16xi1>, vector<16xi32>
    %min3A_217 = arith.minsi %min3A_209, %select_n3A_216 : vector<16xi32>
    %eq3A_218 = arith.cmpf oeq, %get3A_41, %max3A_116 : vector<16xf32>
    %add3A_219 = arith.constant 208 : i32
    %add3A_220 = vector.broadcast %add3A_219 : i32 to vector<16xi32>
    %add3A_221 = arith.addi %iota3A, %add3A_220 : vector<16xi32>
    %broadcast_in_dim3A_222 = arith.constant 1073741824 : i32
    %broadcast_in_dim3A_223 = vector.broadcast %broadcast_in_dim3A_222 : i32 to vector<16xi32>
    %select_n3A_224 = arith.select %eq3A_218, %add3A_221, %broadcast_in_dim3A_223 : vector<16xi1>, vector<16xi32>
    %min3A_225 = arith.minsi %min3A_217, %select_n3A_224 : vector<16xi32>
    %eq3A_226 = arith.cmpf oeq, %get3A_44, %max3A_116 : vector<16xf32>
    %add3A_227 = arith.constant 224 : i32
    %add3A_228 = vector.broadcast %add3A_227 : i32 to vector<16xi32>
    %add3A_229 = arith.addi %iota3A, %add3A_228 : vector<16xi32>
    %broadcast_in_dim3A_230 = arith.constant 1073741824 : i32
    %broadcast_in_dim3A_231 = vector.broadcast %broadcast_in_dim3A_230 : i32 to vector<16xi32>
    %select_n3A_232 = arith.select %eq3A_226, %add3A_229, %broadcast_in_dim3A_231 : vector<16xi1>, vector<16xi32>
    %min3A_233 = arith.minsi %min3A_225, %select_n3A_232 : vector<16xi32>
    %eq3A_234 = arith.cmpf oeq, %get3A_47, %max3A_116 : vector<16xf32>
    %add3A_235 = arith.constant 240 : i32
    %add3A_236 = vector.broadcast %add3A_235 : i32 to vector<16xi32>
    %add3A_237 = arith.addi %iota3A, %add3A_236 : vector<16xi32>
    %broadcast_in_dim3A_238 = arith.constant 1073741824 : i32
    %broadcast_in_dim3A_239 = vector.broadcast %broadcast_in_dim3A_238 : i32 to vector<16xi32>
    %select_n3A_240 = arith.select %eq3A_234, %add3A_237, %broadcast_in_dim3A_239 : vector<16xi1>, vector<16xi32>
    %min3A_241 = arith.minsi %min3A_233, %select_n3A_240 : vector<16xi32>
    %xor3A_242 = arith.constant 8 : i32
    %xor3A_243 = vector.broadcast %xor3A_242 : i32 to vector<16xi32>
    %xor3A_244 = arith.xori %iota3A, %xor3A_243 : vector<16xi32>
    %lt3A_245 = arith.constant 0 : i32
    %lt3A_246 = vector.broadcast %lt3A_245 : i32 to vector<16xi32>
    %lt3A_247 = arith.cmpi slt, %xor3A_244, %lt3A_246 : vector<16xi32>
    %add3A_248 = arith.constant 16 : i32
    %add3A_249 = vector.broadcast %add3A_248 : i32 to vector<16xi32>
    %add3A_250 = arith.addi %xor3A_244, %add3A_249 : vector<16xi32>
    %select_n3A_251 = arith.select %lt3A_247, %add3A_250, %xor3A_244 : vector<16xi1>, vector<16xi32>
    %broadcast_in_dim3A_252 = vector.shape_cast %select_n3A_251 : vector<16xi32> to vector<16x1xi32>
    %gather3A_253 = vector.shape_cast %broadcast_in_dim3A_252 : vector<16x1xi32> to vector<16xi32>
    %gather3A_254 = tpu.dynamic_gather %min3A_241[%gather3A_253] in [0] : vector<16xi32>, vector<16xi32> -> vector<16xi32>
    %min3A_255 = arith.minsi %min3A_241, %gather3A_254 : vector<16xi32>
    %xor3A_256 = arith.constant 4 : i32
    %xor3A_257 = vector.broadcast %xor3A_256 : i32 to vector<16xi32>
    %xor3A_258 = arith.xori %iota3A, %xor3A_257 : vector<16xi32>
    %lt3A_259 = arith.constant 0 : i32
    %lt3A_260 = vector.broadcast %lt3A_259 : i32 to vector<16xi32>
    %lt3A_261 = arith.cmpi slt, %xor3A_258, %lt3A_260 : vector<16xi32>
    %add3A_262 = arith.constant 16 : i32
    %add3A_263 = vector.broadcast %add3A_262 : i32 to vector<16xi32>
    %add3A_264 = arith.addi %xor3A_258, %add3A_263 : vector<16xi32>
    %select_n3A_265 = arith.select %lt3A_261, %add3A_264, %xor3A_258 : vector<16xi1>, vector<16xi32>
    %broadcast_in_dim3A_266 = vector.shape_cast %select_n3A_265 : vector<16xi32> to vector<16x1xi32>
    %gather3A_267 = vector.shape_cast %broadcast_in_dim3A_266 : vector<16x1xi32> to vector<16xi32>
    %gather3A_268 = tpu.dynamic_gather %min3A_255[%gather3A_267] in [0] : vector<16xi32>, vector<16xi32> -> vector<16xi32>
    %min3A_269 = arith.minsi %min3A_255, %gather3A_268 : vector<16xi32>
    %xor3A_270 = arith.constant 2 : i32
    %xor3A_271 = vector.broadcast %xor3A_270 : i32 to vector<16xi32>
    %xor3A_272 = arith.xori %iota3A, %xor3A_271 : vector<16xi32>
    %lt3A_273 = arith.constant 0 : i32
    %lt3A_274 = vector.broadcast %lt3A_273 : i32 to vector<16xi32>
    %lt3A_275 = arith.cmpi slt, %xor3A_272, %lt3A_274 : vector<16xi32>
    %add3A_276 = arith.constant 16 : i32
    %add3A_277 = vector.broadcast %add3A_276 : i32 to vector<16xi32>
    %add3A_278 = arith.addi %xor3A_272, %add3A_277 : vector<16xi32>
    %select_n3A_279 = arith.select %lt3A_275, %add3A_278, %xor3A_272 : vector<16xi1>, vector<16xi32>
    %broadcast_in_dim3A_280 = vector.shape_cast %select_n3A_279 : vector<16xi32> to vector<16x1xi32>
    %gather3A_281 = vector.shape_cast %broadcast_in_dim3A_280 : vector<16x1xi32> to vector<16xi32>
    %gather3A_282 = tpu.dynamic_gather %min3A_269[%gather3A_281] in [0] : vector<16xi32>, vector<16xi32> -> vector<16xi32>
    %min3A_283 = arith.minsi %min3A_269, %gather3A_282 : vector<16xi32>
    %xor3A_284 = arith.constant 1 : i32
    %xor3A_285 = vector.broadcast %xor3A_284 : i32 to vector<16xi32>
    %xor3A_286 = arith.xori %iota3A, %xor3A_285 : vector<16xi32>
    %lt3A_287 = arith.constant 0 : i32
    %lt3A_288 = vector.broadcast %lt3A_287 : i32 to vector<16xi32>
    %lt3A_289 = arith.cmpi slt, %xor3A_286, %lt3A_288 : vector<16xi32>
    %add3A_290 = arith.constant 16 : i32
    %add3A_291 = vector.broadcast %add3A_290 : i32 to vector<16xi32>
    %add3A_292 = arith.addi %xor3A_286, %add3A_291 : vector<16xi32>
    %select_n3A_293 = arith.select %lt3A_289, %add3A_292, %xor3A_286 : vector<16xi1>, vector<16xi32>
    %broadcast_in_dim3A_294 = vector.shape_cast %select_n3A_293 : vector<16xi32> to vector<16x1xi32>
    %gather3A_295 = vector.shape_cast %broadcast_in_dim3A_294 : vector<16x1xi32> to vector<16xi32>
    %gather3A_296 = tpu.dynamic_gather %min3A_283[%gather3A_295] in [0] : vector<16xi32>, vector<16xi32> -> vector<16xi32>
    %min3A_297 = arith.minsi %min3A_283, %gather3A_296 : vector<16xi32>
    %eq3A_298 = arith.constant 0 : i32
    %eq3A_299 = vector.broadcast %eq3A_298 : i32 to vector<16xi32>
    %eq3A_300 = arith.cmpi eq, %iota3A, %eq3A_299 : vector<16xi32>
    %select_n3A_301 = arith.select %eq3A_300, %min3A_297, %broadcast_in_dim3A_50 : vector<16xi1>, vector<16xi32>
    %add3A_302 = arith.constant 0 : i32
    %add3A_303 = vector.broadcast %add3A_302 : i32 to vector<16xi32>
    %add3A_304 = arith.addi %iota3A, %add3A_303 : vector<16xi32>
    %eq3A_305 = arith.cmpi eq, %add3A_304, %min3A_297 : vector<16xi32>
    %select_n3A_306 = arith.select %eq3A_305, %broadcast_in_dim3A_48, %get3A_2 : vector<16xi1>, vector<16xf32>
    %add3A_307 = arith.constant 16 : i32
    %add3A_308 = vector.broadcast %add3A_307 : i32 to vector<16xi32>
    %add3A_309 = arith.addi %iota3A, %add3A_308 : vector<16xi32>
    %eq3A_310 = arith.cmpi eq, %add3A_309, %min3A_297 : vector<16xi32>
    %select_n3A_311 = arith.select %eq3A_310, %broadcast_in_dim3A_48, %get3A_5 : vector<16xi1>, vector<16xf32>
    %add3A_312 = arith.constant 32 : i32
    %add3A_313 = vector.broadcast %add3A_312 : i32 to vector<16xi32>
    %add3A_314 = arith.addi %iota3A, %add3A_313 : vector<16xi32>
    %eq3A_315 = arith.cmpi eq, %add3A_314, %min3A_297 : vector<16xi32>
    %select_n3A_316 = arith.select %eq3A_315, %broadcast_in_dim3A_48, %get3A_8 : vector<16xi1>, vector<16xf32>
    %add3A_317 = arith.constant 48 : i32
    %add3A_318 = vector.broadcast %add3A_317 : i32 to vector<16xi32>
    %add3A_319 = arith.addi %iota3A, %add3A_318 : vector<16xi32>
    %eq3A_320 = arith.cmpi eq, %add3A_319, %min3A_297 : vector<16xi32>
    %select_n3A_321 = arith.select %eq3A_320, %broadcast_in_dim3A_48, %get3A_11 : vector<16xi1>, vector<16xf32>
    %add3A_322 = arith.constant 64 : i32
    %add3A_323 = vector.broadcast %add3A_322 : i32 to vector<16xi32>
    %add3A_324 = arith.addi %iota3A, %add3A_323 : vector<16xi32>
    %eq3A_325 = arith.cmpi eq, %add3A_324, %min3A_297 : vector<16xi32>
    %select_n3A_326 = arith.select %eq3A_325, %broadcast_in_dim3A_48, %get3A_14 : vector<16xi1>, vector<16xf32>
    %add3A_327 = arith.constant 80 : i32
    %add3A_328 = vector.broadcast %add3A_327 : i32 to vector<16xi32>
    %add3A_329 = arith.addi %iota3A, %add3A_328 : vector<16xi32>
    %eq3A_330 = arith.cmpi eq, %add3A_329, %min3A_297 : vector<16xi32>
    %select_n3A_331 = arith.select %eq3A_330, %broadcast_in_dim3A_48, %get3A_17 : vector<16xi1>, vector<16xf32>
    %add3A_332 = arith.constant 96 : i32
    %add3A_333 = vector.broadcast %add3A_332 : i32 to vector<16xi32>
    %add3A_334 = arith.addi %iota3A, %add3A_333 : vector<16xi32>
    %eq3A_335 = arith.cmpi eq, %add3A_334, %min3A_297 : vector<16xi32>
    %select_n3A_336 = arith.select %eq3A_335, %broadcast_in_dim3A_48, %get3A_20 : vector<16xi1>, vector<16xf32>
    %add3A_337 = arith.constant 112 : i32
    %add3A_338 = vector.broadcast %add3A_337 : i32 to vector<16xi32>
    %add3A_339 = arith.addi %iota3A, %add3A_338 : vector<16xi32>
    %eq3A_340 = arith.cmpi eq, %add3A_339, %min3A_297 : vector<16xi32>
    %select_n3A_341 = arith.select %eq3A_340, %broadcast_in_dim3A_48, %get3A_23 : vector<16xi1>, vector<16xf32>
    %add3A_342 = arith.constant 128 : i32
    %add3A_343 = vector.broadcast %add3A_342 : i32 to vector<16xi32>
    %add3A_344 = arith.addi %iota3A, %add3A_343 : vector<16xi32>
    %eq3A_345 = arith.cmpi eq, %add3A_344, %min3A_297 : vector<16xi32>
    %select_n3A_346 = arith.select %eq3A_345, %broadcast_in_dim3A_48, %get3A_26 : vector<16xi1>, vector<16xf32>
    %add3A_347 = arith.constant 144 : i32
    %add3A_348 = vector.broadcast %add3A_347 : i32 to vector<16xi32>
    %add3A_349 = arith.addi %iota3A, %add3A_348 : vector<16xi32>
    %eq3A_350 = arith.cmpi eq, %add3A_349, %min3A_297 : vector<16xi32>
    %select_n3A_351 = arith.select %eq3A_350, %broadcast_in_dim3A_48, %get3A_29 : vector<16xi1>, vector<16xf32>
    %add3A_352 = arith.constant 160 : i32
    %add3A_353 = vector.broadcast %add3A_352 : i32 to vector<16xi32>
    %add3A_354 = arith.addi %iota3A, %add3A_353 : vector<16xi32>
    %eq3A_355 = arith.cmpi eq, %add3A_354, %min3A_297 : vector<16xi32>
    %select_n3A_356 = arith.select %eq3A_355, %broadcast_in_dim3A_48, %get3A_32 : vector<16xi1>, vector<16xf32>
    %add3A_357 = arith.constant 176 : i32
    %add3A_358 = vector.broadcast %add3A_357 : i32 to vector<16xi32>
    %add3A_359 = arith.addi %iota3A, %add3A_358 : vector<16xi32>
    %eq3A_360 = arith.cmpi eq, %add3A_359, %min3A_297 : vector<16xi32>
    %select_n3A_361 = arith.select %eq3A_360, %broadcast_in_dim3A_48, %get3A_35 : vector<16xi1>, vector<16xf32>
    %add3A_362 = arith.constant 192 : i32
    %add3A_363 = vector.broadcast %add3A_362 : i32 to vector<16xi32>
    %add3A_364 = arith.addi %iota3A, %add3A_363 : vector<16xi32>
    %eq3A_365 = arith.cmpi eq, %add3A_364, %min3A_297 : vector<16xi32>
    %select_n3A_366 = arith.select %eq3A_365, %broadcast_in_dim3A_48, %get3A_38 : vector<16xi1>, vector<16xf32>
    %add3A_367 = arith.constant 208 : i32
    %add3A_368 = vector.broadcast %add3A_367 : i32 to vector<16xi32>
    %add3A_369 = arith.addi %iota3A, %add3A_368 : vector<16xi32>
    %eq3A_370 = arith.cmpi eq, %add3A_369, %min3A_297 : vector<16xi32>
    %select_n3A_371 = arith.select %eq3A_370, %broadcast_in_dim3A_48, %get3A_41 : vector<16xi1>, vector<16xf32>
    %add3A_372 = arith.constant 224 : i32
    %add3A_373 = vector.broadcast %add3A_372 : i32 to vector<16xi32>
    %add3A_374 = arith.addi %iota3A, %add3A_373 : vector<16xi32>
    %eq3A_375 = arith.cmpi eq, %add3A_374, %min3A_297 : vector<16xi32>
    %select_n3A_376 = arith.select %eq3A_375, %broadcast_in_dim3A_48, %get3A_44 : vector<16xi1>, vector<16xf32>
    %add3A_377 = arith.constant 240 : i32
    %add3A_378 = vector.broadcast %add3A_377 : i32 to vector<16xi32>
    %add3A_379 = arith.addi %iota3A, %add3A_378 : vector<16xi32>
    %eq3A_380 = arith.cmpi eq, %add3A_379, %min3A_297 : vector<16xi32>
    %select_n3A_381 = arith.select %eq3A_380, %broadcast_in_dim3A_48, %get3A_47 : vector<16xi1>, vector<16xf32>
    %max3A_382 = arith.maximumf %select_n3A_306, %select_n3A_311 : vector<16xf32>
    %max3A_383 = arith.maximumf %max3A_382, %select_n3A_316 : vector<16xf32>
    %max3A_384 = arith.maximumf %max3A_383, %select_n3A_321 : vector<16xf32>
    %max3A_385 = arith.maximumf %max3A_384, %select_n3A_326 : vector<16xf32>
    %max3A_386 = arith.maximumf %max3A_385, %select_n3A_331 : vector<16xf32>
    %max3A_387 = arith.maximumf %max3A_386, %select_n3A_336 : vector<16xf32>
    %max3A_388 = arith.maximumf %max3A_387, %select_n3A_341 : vector<16xf32>
    %max3A_389 = arith.maximumf %max3A_388, %select_n3A_346 : vector<16xf32>
    %max3A_390 = arith.maximumf %max3A_389, %select_n3A_351 : vector<16xf32>
    %max3A_391 = arith.maximumf %max3A_390, %select_n3A_356 : vector<16xf32>
    %max3A_392 = arith.maximumf %max3A_391, %select_n3A_361 : vector<16xf32>
    %max3A_393 = arith.maximumf %max3A_392, %select_n3A_366 : vector<16xf32>
    %max3A_394 = arith.maximumf %max3A_393, %select_n3A_371 : vector<16xf32>
    %max3A_395 = arith.maximumf %max3A_394, %select_n3A_376 : vector<16xf32>
    %max3A_396 = arith.maximumf %max3A_395, %select_n3A_381 : vector<16xf32>
    %xor3A_397 = arith.constant 8 : i32
    %xor3A_398 = vector.broadcast %xor3A_397 : i32 to vector<16xi32>
    %xor3A_399 = arith.xori %iota3A, %xor3A_398 : vector<16xi32>
    %lt3A_400 = arith.constant 0 : i32
    %lt3A_401 = vector.broadcast %lt3A_400 : i32 to vector<16xi32>
    %lt3A_402 = arith.cmpi slt, %xor3A_399, %lt3A_401 : vector<16xi32>
    %add3A_403 = arith.constant 16 : i32
    %add3A_404 = vector.broadcast %add3A_403 : i32 to vector<16xi32>
    %add3A_405 = arith.addi %xor3A_399, %add3A_404 : vector<16xi32>
    %select_n3A_406 = arith.select %lt3A_402, %add3A_405, %xor3A_399 : vector<16xi1>, vector<16xi32>
    %broadcast_in_dim3A_407 = vector.shape_cast %select_n3A_406 : vector<16xi32> to vector<16x1xi32>
    %gather3A_408 = vector.shape_cast %broadcast_in_dim3A_407 : vector<16x1xi32> to vector<16xi32>
    %gather3A_409 = tpu.dynamic_gather %max3A_396[%gather3A_408] in [0] : vector<16xf32>, vector<16xi32> -> vector<16xf32>
    %max3A_410 = arith.maximumf %max3A_396, %gather3A_409 : vector<16xf32>
    %xor3A_411 = arith.constant 4 : i32
    %xor3A_412 = vector.broadcast %xor3A_411 : i32 to vector<16xi32>
    %xor3A_413 = arith.xori %iota3A, %xor3A_412 : vector<16xi32>
    %lt3A_414 = arith.constant 0 : i32
    %lt3A_415 = vector.broadcast %lt3A_414 : i32 to vector<16xi32>
    %lt3A_416 = arith.cmpi slt, %xor3A_413, %lt3A_415 : vector<16xi32>
    %add3A_417 = arith.constant 16 : i32
    %add3A_418 = vector.broadcast %add3A_417 : i32 to vector<16xi32>
    %add3A_419 = arith.addi %xor3A_413, %add3A_418 : vector<16xi32>
    %select_n3A_420 = arith.select %lt3A_416, %add3A_419, %xor3A_413 : vector<16xi1>, vector<16xi32>
    %broadcast_in_dim3A_421 = vector.shape_cast %select_n3A_420 : vector<16xi32> to vector<16x1xi32>
    %gather3A_422 = vector.shape_cast %broadcast_in_dim3A_421 : vector<16x1xi32> to vector<16xi32>
    %gather3A_423 = tpu.dynamic_gather %max3A_410[%gather3A_422] in [0] : vector<16xf32>, vector<16xi32> -> vector<16xf32>
    %max3A_424 = arith.maximumf %max3A_410, %gather3A_423 : vector<16xf32>
    %xor3A_425 = arith.constant 2 : i32
    %xor3A_426 = vector.broadcast %xor3A_425 : i32 to vector<16xi32>
    %xor3A_427 = arith.xori %iota3A, %xor3A_426 : vector<16xi32>
    %lt3A_428 = arith.constant 0 : i32
    %lt3A_429 = vector.broadcast %lt3A_428 : i32 to vector<16xi32>
    %lt3A_430 = arith.cmpi slt, %xor3A_427, %lt3A_429 : vector<16xi32>
    %add3A_431 = arith.constant 16 : i32
    %add3A_432 = vector.broadcast %add3A_431 : i32 to vector<16xi32>
    %add3A_433 = arith.addi %xor3A_427, %add3A_432 : vector<16xi32>
    %select_n3A_434 = arith.select %lt3A_430, %add3A_433, %xor3A_427 : vector<16xi1>, vector<16xi32>
    %broadcast_in_dim3A_435 = vector.shape_cast %select_n3A_434 : vector<16xi32> to vector<16x1xi32>
    %gather3A_436 = vector.shape_cast %broadcast_in_dim3A_435 : vector<16x1xi32> to vector<16xi32>
    %gather3A_437 = tpu.dynamic_gather %max3A_424[%gather3A_436] in [0] : vector<16xf32>, vector<16xi32> -> vector<16xf32>
    %max3A_438 = arith.maximumf %max3A_424, %gather3A_437 : vector<16xf32>
    %xor3A_439 = arith.constant 1 : i32
    %xor3A_440 = vector.broadcast %xor3A_439 : i32 to vector<16xi32>
    %xor3A_441 = arith.xori %iota3A, %xor3A_440 : vector<16xi32>
    %lt3A_442 = arith.constant 0 : i32
    %lt3A_443 = vector.broadcast %lt3A_442 : i32 to vector<16xi32>
    %lt3A_444 = arith.cmpi slt, %xor3A_441, %lt3A_443 : vector<16xi32>
    %add3A_445 = arith.constant 16 : i32
    %add3A_446 = vector.broadcast %add3A_445 : i32 to vector<16xi32>
    %add3A_447 = arith.addi %xor3A_441, %add3A_446 : vector<16xi32>
    %select_n3A_448 = arith.select %lt3A_444, %add3A_447, %xor3A_441 : vector<16xi1>, vector<16xi32>
    %broadcast_in_dim3A_449 = vector.shape_cast %select_n3A_448 : vector<16xi32> to vector<16x1xi32>
    %gather3A_450 = vector.shape_cast %broadcast_in_dim3A_449 : vector<16x1xi32> to vector<16xi32>
    %gather3A_451 = tpu.dynamic_gather %max3A_438[%gather3A_450] in [0] : vector<16xf32>, vector<16xi32> -> vector<16xf32>
    %max3A_452 = arith.maximumf %max3A_438, %gather3A_451 : vector<16xf32>
    %eq3A_453 = arith.cmpf oeq, %select_n3A_306, %max3A_452 : vector<16xf32>
    %add3A_454 = arith.constant 0 : i32
    %add3A_455 = vector.broadcast %add3A_454 : i32 to vector<16xi32>
    %add3A_456 = arith.addi %iota3A, %add3A_455 : vector<16xi32>
    %broadcast_in_dim3A_457 = arith.constant 1073741824 : i32
    %broadcast_in_dim3A_458 = vector.broadcast %broadcast_in_dim3A_457 : i32 to vector<16xi32>
    %select_n3A_459 = arith.select %eq3A_453, %add3A_456, %broadcast_in_dim3A_458 : vector<16xi1>, vector<16xi32>
    %eq3A_460 = arith.cmpf oeq, %select_n3A_311, %max3A_452 : vector<16xf32>
    %add3A_461 = arith.constant 16 : i32
    %add3A_462 = vector.broadcast %add3A_461 : i32 to vector<16xi32>
    %add3A_463 = arith.addi %iota3A, %add3A_462 : vector<16xi32>
    %broadcast_in_dim3A_464 = arith.constant 1073741824 : i32
    %broadcast_in_dim3A_465 = vector.broadcast %broadcast_in_dim3A_464 : i32 to vector<16xi32>
    %select_n3A_466 = arith.select %eq3A_460, %add3A_463, %broadcast_in_dim3A_465 : vector<16xi1>, vector<16xi32>
    %min3A_467 = arith.minsi %select_n3A_459, %select_n3A_466 : vector<16xi32>
    %eq3A_468 = arith.cmpf oeq, %select_n3A_316, %max3A_452 : vector<16xf32>
    %add3A_469 = arith.constant 32 : i32
    %add3A_470 = vector.broadcast %add3A_469 : i32 to vector<16xi32>
    %add3A_471 = arith.addi %iota3A, %add3A_470 : vector<16xi32>
    %broadcast_in_dim3A_472 = arith.constant 1073741824 : i32
    %broadcast_in_dim3A_473 = vector.broadcast %broadcast_in_dim3A_472 : i32 to vector<16xi32>
    %select_n3A_474 = arith.select %eq3A_468, %add3A_471, %broadcast_in_dim3A_473 : vector<16xi1>, vector<16xi32>
    %min3A_475 = arith.minsi %min3A_467, %select_n3A_474 : vector<16xi32>
    %eq3A_476 = arith.cmpf oeq, %select_n3A_321, %max3A_452 : vector<16xf32>
    %add3A_477 = arith.constant 48 : i32
    %add3A_478 = vector.broadcast %add3A_477 : i32 to vector<16xi32>
    %add3A_479 = arith.addi %iota3A, %add3A_478 : vector<16xi32>
    %broadcast_in_dim3A_480 = arith.constant 1073741824 : i32
    %broadcast_in_dim3A_481 = vector.broadcast %broadcast_in_dim3A_480 : i32 to vector<16xi32>
    %select_n3A_482 = arith.select %eq3A_476, %add3A_479, %broadcast_in_dim3A_481 : vector<16xi1>, vector<16xi32>
    %min3A_483 = arith.minsi %min3A_475, %select_n3A_482 : vector<16xi32>
    %eq3A_484 = arith.cmpf oeq, %select_n3A_326, %max3A_452 : vector<16xf32>
    %add3A_485 = arith.constant 64 : i32
    %add3A_486 = vector.broadcast %add3A_485 : i32 to vector<16xi32>
    %add3A_487 = arith.addi %iota3A, %add3A_486 : vector<16xi32>
    %broadcast_in_dim3A_488 = arith.constant 1073741824 : i32
    %broadcast_in_dim3A_489 = vector.broadcast %broadcast_in_dim3A_488 : i32 to vector<16xi32>
    %select_n3A_490 = arith.select %eq3A_484, %add3A_487, %broadcast_in_dim3A_489 : vector<16xi1>, vector<16xi32>
    %min3A_491 = arith.minsi %min3A_483, %select_n3A_490 : vector<16xi32>
    %eq3A_492 = arith.cmpf oeq, %select_n3A_331, %max3A_452 : vector<16xf32>
    %add3A_493 = arith.constant 80 : i32
    %add3A_494 = vector.broadcast %add3A_493 : i32 to vector<16xi32>
    %add3A_495 = arith.addi %iota3A, %add3A_494 : vector<16xi32>
    %broadcast_in_dim3A_496 = arith.constant 1073741824 : i32
    %broadcast_in_dim3A_497 = vector.broadcast %broadcast_in_dim3A_496 : i32 to vector<16xi32>
    %select_n3A_498 = arith.select %eq3A_492, %add3A_495, %broadcast_in_dim3A_497 : vector<16xi1>, vector<16xi32>
    %min3A_499 = arith.minsi %min3A_491, %select_n3A_498 : vector<16xi32>
    %eq3A_500 = arith.cmpf oeq, %select_n3A_336, %max3A_452 : vector<16xf32>
    %add3A_501 = arith.constant 96 : i32
    %add3A_502 = vector.broadcast %add3A_501 : i32 to vector<16xi32>
    %add3A_503 = arith.addi %iota3A, %add3A_502 : vector<16xi32>
    %broadcast_in_dim3A_504 = arith.constant 1073741824 : i32
    %broadcast_in_dim3A_505 = vector.broadcast %broadcast_in_dim3A_504 : i32 to vector<16xi32>
    %select_n3A_506 = arith.select %eq3A_500, %add3A_503, %broadcast_in_dim3A_505 : vector<16xi1>, vector<16xi32>
    %min3A_507 = arith.minsi %min3A_499, %select_n3A_506 : vector<16xi32>
    %eq3A_508 = arith.cmpf oeq, %select_n3A_341, %max3A_452 : vector<16xf32>
    %add3A_509 = arith.constant 112 : i32
    %add3A_510 = vector.broadcast %add3A_509 : i32 to vector<16xi32>
    %add3A_511 = arith.addi %iota3A, %add3A_510 : vector<16xi32>
    %broadcast_in_dim3A_512 = arith.constant 1073741824 : i32
    %broadcast_in_dim3A_513 = vector.broadcast %broadcast_in_dim3A_512 : i32 to vector<16xi32>
    %select_n3A_514 = arith.select %eq3A_508, %add3A_511, %broadcast_in_dim3A_513 : vector<16xi1>, vector<16xi32>
    %min3A_515 = arith.minsi %min3A_507, %select_n3A_514 : vector<16xi32>
    %eq3A_516 = arith.cmpf oeq, %select_n3A_346, %max3A_452 : vector<16xf32>
    %add3A_517 = arith.constant 128 : i32
    %add3A_518 = vector.broadcast %add3A_517 : i32 to vector<16xi32>
    %add3A_519 = arith.addi %iota3A, %add3A_518 : vector<16xi32>
    %broadcast_in_dim3A_520 = arith.constant 1073741824 : i32
    %broadcast_in_dim3A_521 = vector.broadcast %broadcast_in_dim3A_520 : i32 to vector<16xi32>
    %select_n3A_522 = arith.select %eq3A_516, %add3A_519, %broadcast_in_dim3A_521 : vector<16xi1>, vector<16xi32>
    %min3A_523 = arith.minsi %min3A_515, %select_n3A_522 : vector<16xi32>
    %eq3A_524 = arith.cmpf oeq, %select_n3A_351, %max3A_452 : vector<16xf32>
    %add3A_525 = arith.constant 144 : i32
    %add3A_526 = vector.broadcast %add3A_525 : i32 to vector<16xi32>
    %add3A_527 = arith.addi %iota3A, %add3A_526 : vector<16xi32>
    %broadcast_in_dim3A_528 = arith.constant 1073741824 : i32
    %broadcast_in_dim3A_529 = vector.broadcast %broadcast_in_dim3A_528 : i32 to vector<16xi32>
    %select_n3A_530 = arith.select %eq3A_524, %add3A_527, %broadcast_in_dim3A_529 : vector<16xi1>, vector<16xi32>
    %min3A_531 = arith.minsi %min3A_523, %select_n3A_530 : vector<16xi32>
    %eq3A_532 = arith.cmpf oeq, %select_n3A_356, %max3A_452 : vector<16xf32>
    %add3A_533 = arith.constant 160 : i32
    %add3A_534 = vector.broadcast %add3A_533 : i32 to vector<16xi32>
    %add3A_535 = arith.addi %iota3A, %add3A_534 : vector<16xi32>
    %broadcast_in_dim3A_536 = arith.constant 1073741824 : i32
    %broadcast_in_dim3A_537 = vector.broadcast %broadcast_in_dim3A_536 : i32 to vector<16xi32>
    %select_n3A_538 = arith.select %eq3A_532, %add3A_535, %broadcast_in_dim3A_537 : vector<16xi1>, vector<16xi32>
    %min3A_539 = arith.minsi %min3A_531, %select_n3A_538 : vector<16xi32>
    %eq3A_540 = arith.cmpf oeq, %select_n3A_361, %max3A_452 : vector<16xf32>
    %add3A_541 = arith.constant 176 : i32
    %add3A_542 = vector.broadcast %add3A_541 : i32 to vector<16xi32>
    %add3A_543 = arith.addi %iota3A, %add3A_542 : vector<16xi32>
    %broadcast_in_dim3A_544 = arith.constant 1073741824 : i32
    %broadcast_in_dim3A_545 = vector.broadcast %broadcast_in_dim3A_544 : i32 to vector<16xi32>
    %select_n3A_546 = arith.select %eq3A_540, %add3A_543, %broadcast_in_dim3A_545 : vector<16xi1>, vector<16xi32>
    %min3A_547 = arith.minsi %min3A_539, %select_n3A_546 : vector<16xi32>
    %eq3A_548 = arith.cmpf oeq, %select_n3A_366, %max3A_452 : vector<16xf32>
    %add3A_549 = arith.constant 192 : i32
    %add3A_550 = vector.broadcast %add3A_549 : i32 to vector<16xi32>
    %add3A_551 = arith.addi %iota3A, %add3A_550 : vector<16xi32>
    %broadcast_in_dim3A_552 = arith.constant 1073741824 : i32
    %broadcast_in_dim3A_553 = vector.broadcast %broadcast_in_dim3A_552 : i32 to vector<16xi32>
    %select_n3A_554 = arith.select %eq3A_548, %add3A_551, %broadcast_in_dim3A_553 : vector<16xi1>, vector<16xi32>
    %min3A_555 = arith.minsi %min3A_547, %select_n3A_554 : vector<16xi32>
    %eq3A_556 = arith.cmpf oeq, %select_n3A_371, %max3A_452 : vector<16xf32>
    %add3A_557 = arith.constant 208 : i32
    %add3A_558 = vector.broadcast %add3A_557 : i32 to vector<16xi32>
    %add3A_559 = arith.addi %iota3A, %add3A_558 : vector<16xi32>
    %broadcast_in_dim3A_560 = arith.constant 1073741824 : i32
    %broadcast_in_dim3A_561 = vector.broadcast %broadcast_in_dim3A_560 : i32 to vector<16xi32>
    %select_n3A_562 = arith.select %eq3A_556, %add3A_559, %broadcast_in_dim3A_561 : vector<16xi1>, vector<16xi32>
    %min3A_563 = arith.minsi %min3A_555, %select_n3A_562 : vector<16xi32>
    %eq3A_564 = arith.cmpf oeq, %select_n3A_376, %max3A_452 : vector<16xf32>
    %add3A_565 = arith.constant 224 : i32
    %add3A_566 = vector.broadcast %add3A_565 : i32 to vector<16xi32>
    %add3A_567 = arith.addi %iota3A, %add3A_566 : vector<16xi32>
    %broadcast_in_dim3A_568 = arith.constant 1073741824 : i32
    %broadcast_in_dim3A_569 = vector.broadcast %broadcast_in_dim3A_568 : i32 to vector<16xi32>
    %select_n3A_570 = arith.select %eq3A_564, %add3A_567, %broadcast_in_dim3A_569 : vector<16xi1>, vector<16xi32>
    %min3A_571 = arith.minsi %min3A_563, %select_n3A_570 : vector<16xi32>
    %eq3A_572 = arith.cmpf oeq, %select_n3A_381, %max3A_452 : vector<16xf32>
    %add3A_573 = arith.constant 240 : i32
    %add3A_574 = vector.broadcast %add3A_573 : i32 to vector<16xi32>
    %add3A_575 = arith.addi %iota3A, %add3A_574 : vector<16xi32>
    %broadcast_in_dim3A_576 = arith.constant 1073741824 : i32
    %broadcast_in_dim3A_577 = vector.broadcast %broadcast_in_dim3A_576 : i32 to vector<16xi32>
    %select_n3A_578 = arith.select %eq3A_572, %add3A_575, %broadcast_in_dim3A_577 : vector<16xi1>, vector<16xi32>
    %min3A_579 = arith.minsi %min3A_571, %select_n3A_578 : vector<16xi32>
    %xor3A_580 = arith.constant 8 : i32
    %xor3A_581 = vector.broadcast %xor3A_580 : i32 to vector<16xi32>
    %xor3A_582 = arith.xori %iota3A, %xor3A_581 : vector<16xi32>
    %lt3A_583 = arith.constant 0 : i32
    %lt3A_584 = vector.broadcast %lt3A_583 : i32 to vector<16xi32>
    %lt3A_585 = arith.cmpi slt, %xor3A_582, %lt3A_584 : vector<16xi32>
    %add3A_586 = arith.constant 16 : i32
    %add3A_587 = vector.broadcast %add3A_586 : i32 to vector<16xi32>
    %add3A_588 = arith.addi %xor3A_582, %add3A_587 : vector<16xi32>
    %select_n3A_589 = arith.select %lt3A_585, %add3A_588, %xor3A_582 : vector<16xi1>, vector<16xi32>
    %broadcast_in_dim3A_590 = vector.shape_cast %select_n3A_589 : vector<16xi32> to vector<16x1xi32>
    %gather3A_591 = vector.shape_cast %broadcast_in_dim3A_590 : vector<16x1xi32> to vector<16xi32>
    %gather3A_592 = tpu.dynamic_gather %min3A_579[%gather3A_591] in [0] : vector<16xi32>, vector<16xi32> -> vector<16xi32>
    %min3A_593 = arith.minsi %min3A_579, %gather3A_592 : vector<16xi32>
    %xor3A_594 = arith.constant 4 : i32
    %xor3A_595 = vector.broadcast %xor3A_594 : i32 to vector<16xi32>
    %xor3A_596 = arith.xori %iota3A, %xor3A_595 : vector<16xi32>
    %lt3A_597 = arith.constant 0 : i32
    %lt3A_598 = vector.broadcast %lt3A_597 : i32 to vector<16xi32>
    %lt3A_599 = arith.cmpi slt, %xor3A_596, %lt3A_598 : vector<16xi32>
    %add3A_600 = arith.constant 16 : i32
    %add3A_601 = vector.broadcast %add3A_600 : i32 to vector<16xi32>
    %add3A_602 = arith.addi %xor3A_596, %add3A_601 : vector<16xi32>
    %select_n3A_603 = arith.select %lt3A_599, %add3A_602, %xor3A_596 : vector<16xi1>, vector<16xi32>
    %broadcast_in_dim3A_604 = vector.shape_cast %select_n3A_603 : vector<16xi32> to vector<16x1xi32>
    %gather3A_605 = vector.shape_cast %broadcast_in_dim3A_604 : vector<16x1xi32> to vector<16xi32>
    %gather3A_606 = tpu.dynamic_gather %min3A_593[%gather3A_605] in [0] : vector<16xi32>, vector<16xi32> -> vector<16xi32>
    %min3A_607 = arith.minsi %min3A_593, %gather3A_606 : vector<16xi32>
    %xor3A_608 = arith.constant 2 : i32
    %xor3A_609 = vector.broadcast %xor3A_608 : i32 to vector<16xi32>
    %xor3A_610 = arith.xori %iota3A, %xor3A_609 : vector<16xi32>
    %lt3A_611 = arith.constant 0 : i32
    %lt3A_612 = vector.broadcast %lt3A_611 : i32 to vector<16xi32>
    %lt3A_613 = arith.cmpi slt, %xor3A_610, %lt3A_612 : vector<16xi32>
    %add3A_614 = arith.constant 16 : i32
    %add3A_615 = vector.broadcast %add3A_614 : i32 to vector<16xi32>
    %add3A_616 = arith.addi %xor3A_610, %add3A_615 : vector<16xi32>
    %select_n3A_617 = arith.select %lt3A_613, %add3A_616, %xor3A_610 : vector<16xi1>, vector<16xi32>
    %broadcast_in_dim3A_618 = vector.shape_cast %select_n3A_617 : vector<16xi32> to vector<16x1xi32>
    %gather3A_619 = vector.shape_cast %broadcast_in_dim3A_618 : vector<16x1xi32> to vector<16xi32>
    %gather3A_620 = tpu.dynamic_gather %min3A_607[%gather3A_619] in [0] : vector<16xi32>, vector<16xi32> -> vector<16xi32>
    %min3A_621 = arith.minsi %min3A_607, %gather3A_620 : vector<16xi32>
    %xor3A_622 = arith.constant 1 : i32
    %xor3A_623 = vector.broadcast %xor3A_622 : i32 to vector<16xi32>
    %xor3A_624 = arith.xori %iota3A, %xor3A_623 : vector<16xi32>
    %lt3A_625 = arith.constant 0 : i32
    %lt3A_626 = vector.broadcast %lt3A_625 : i32 to vector<16xi32>
    %lt3A_627 = arith.cmpi slt, %xor3A_624, %lt3A_626 : vector<16xi32>
    %add3A_628 = arith.constant 16 : i32
    %add3A_629 = vector.broadcast %add3A_628 : i32 to vector<16xi32>
    %add3A_630 = arith.addi %xor3A_624, %add3A_629 : vector<16xi32>
    %select_n3A_631 = arith.select %lt3A_627, %add3A_630, %xor3A_624 : vector<16xi1>, vector<16xi32>
    %broadcast_in_dim3A_632 = vector.shape_cast %select_n3A_631 : vector<16xi32> to vector<16x1xi32>
    %gather3A_633 = vector.shape_cast %broadcast_in_dim3A_632 : vector<16x1xi32> to vector<16xi32>
    %gather3A_634 = tpu.dynamic_gather %min3A_621[%gather3A_633] in [0] : vector<16xi32>, vector<16xi32> -> vector<16xi32>
    %min3A_635 = arith.minsi %min3A_621, %gather3A_634 : vector<16xi32>
    %eq3A_636 = arith.constant 1 : i32
    %eq3A_637 = vector.broadcast %eq3A_636 : i32 to vector<16xi32>
    %eq3A_638 = arith.cmpi eq, %iota3A, %eq3A_637 : vector<16xi32>
    %select_n3A_639 = arith.select %eq3A_638, %min3A_635, %select_n3A_301 : vector<16xi1>, vector<16xi32>
    %add3A_640 = arith.constant 0 : i32
    %add3A_641 = vector.broadcast %add3A_640 : i32 to vector<16xi32>
    %add3A_642 = arith.addi %iota3A, %add3A_641 : vector<16xi32>
    %eq3A_643 = arith.cmpi eq, %add3A_642, %min3A_635 : vector<16xi32>
    %select_n3A_644 = arith.select %eq3A_643, %broadcast_in_dim3A_48, %select_n3A_306 : vector<16xi1>, vector<16xf32>
    %add3A_645 = arith.constant 16 : i32
    %add3A_646 = vector.broadcast %add3A_645 : i32 to vector<16xi32>
    %add3A_647 = arith.addi %iota3A, %add3A_646 : vector<16xi32>
    %eq3A_648 = arith.cmpi eq, %add3A_647, %min3A_635 : vector<16xi32>
    %select_n3A_649 = arith.select %eq3A_648, %broadcast_in_dim3A_48, %select_n3A_311 : vector<16xi1>, vector<16xf32>
    %add3A_650 = arith.constant 32 : i32
    %add3A_651 = vector.broadcast %add3A_650 : i32 to vector<16xi32>
    %add3A_652 = arith.addi %iota3A, %add3A_651 : vector<16xi32>
    %eq3A_653 = arith.cmpi eq, %add3A_652, %min3A_635 : vector<16xi32>
    %select_n3A_654 = arith.select %eq3A_653, %broadcast_in_dim3A_48, %select_n3A_316 : vector<16xi1>, vector<16xf32>
    %add3A_655 = arith.constant 48 : i32
    %add3A_656 = vector.broadcast %add3A_655 : i32 to vector<16xi32>
    %add3A_657 = arith.addi %iota3A, %add3A_656 : vector<16xi32>
    %eq3A_658 = arith.cmpi eq, %add3A_657, %min3A_635 : vector<16xi32>
    %select_n3A_659 = arith.select %eq3A_658, %broadcast_in_dim3A_48, %select_n3A_321 : vector<16xi1>, vector<16xf32>
    %add3A_660 = arith.constant 64 : i32
    %add3A_661 = vector.broadcast %add3A_660 : i32 to vector<16xi32>
    %add3A_662 = arith.addi %iota3A, %add3A_661 : vector<16xi32>
    %eq3A_663 = arith.cmpi eq, %add3A_662, %min3A_635 : vector<16xi32>
    %select_n3A_664 = arith.select %eq3A_663, %broadcast_in_dim3A_48, %select_n3A_326 : vector<16xi1>, vector<16xf32>
    %add3A_665 = arith.constant 80 : i32
    %add3A_666 = vector.broadcast %add3A_665 : i32 to vector<16xi32>
    %add3A_667 = arith.addi %iota3A, %add3A_666 : vector<16xi32>
    %eq3A_668 = arith.cmpi eq, %add3A_667, %min3A_635 : vector<16xi32>
    %select_n3A_669 = arith.select %eq3A_668, %broadcast_in_dim3A_48, %select_n3A_331 : vector<16xi1>, vector<16xf32>
    %add3A_670 = arith.constant 96 : i32
    %add3A_671 = vector.broadcast %add3A_670 : i32 to vector<16xi32>
    %add3A_672 = arith.addi %iota3A, %add3A_671 : vector<16xi32>
    %eq3A_673 = arith.cmpi eq, %add3A_672, %min3A_635 : vector<16xi32>
    %select_n3A_674 = arith.select %eq3A_673, %broadcast_in_dim3A_48, %select_n3A_336 : vector<16xi1>, vector<16xf32>
    %add3A_675 = arith.constant 112 : i32
    %add3A_676 = vector.broadcast %add3A_675 : i32 to vector<16xi32>
    %add3A_677 = arith.addi %iota3A, %add3A_676 : vector<16xi32>
    %eq3A_678 = arith.cmpi eq, %add3A_677, %min3A_635 : vector<16xi32>
    %select_n3A_679 = arith.select %eq3A_678, %broadcast_in_dim3A_48, %select_n3A_341 : vector<16xi1>, vector<16xf32>
    %add3A_680 = arith.constant 128 : i32
    %add3A_681 = vector.broadcast %add3A_680 : i32 to vector<16xi32>
    %add3A_682 = arith.addi %iota3A, %add3A_681 : vector<16xi32>
    %eq3A_683 = arith.cmpi eq, %add3A_682, %min3A_635 : vector<16xi32>
    %select_n3A_684 = arith.select %eq3A_683, %broadcast_in_dim3A_48, %select_n3A_346 : vector<16xi1>, vector<16xf32>
    %add3A_685 = arith.constant 144 : i32
    %add3A_686 = vector.broadcast %add3A_685 : i32 to vector<16xi32>
    %add3A_687 = arith.addi %iota3A, %add3A_686 : vector<16xi32>
    %eq3A_688 = arith.cmpi eq, %add3A_687, %min3A_635 : vector<16xi32>
    %select_n3A_689 = arith.select %eq3A_688, %broadcast_in_dim3A_48, %select_n3A_351 : vector<16xi1>, vector<16xf32>
    %add3A_690 = arith.constant 160 : i32
    %add3A_691 = vector.broadcast %add3A_690 : i32 to vector<16xi32>
    %add3A_692 = arith.addi %iota3A, %add3A_691 : vector<16xi32>
    %eq3A_693 = arith.cmpi eq, %add3A_692, %min3A_635 : vector<16xi32>
    %select_n3A_694 = arith.select %eq3A_693, %broadcast_in_dim3A_48, %select_n3A_356 : vector<16xi1>, vector<16xf32>
    %add3A_695 = arith.constant 176 : i32
    %add3A_696 = vector.broadcast %add3A_695 : i32 to vector<16xi32>
    %add3A_697 = arith.addi %iota3A, %add3A_696 : vector<16xi32>
    %eq3A_698 = arith.cmpi eq, %add3A_697, %min3A_635 : vector<16xi32>
    %select_n3A_699 = arith.select %eq3A_698, %broadcast_in_dim3A_48, %select_n3A_361 : vector<16xi1>, vector<16xf32>
    %add3A_700 = arith.constant 192 : i32
    %add3A_701 = vector.broadcast %add3A_700 : i32 to vector<16xi32>
    %add3A_702 = arith.addi %iota3A, %add3A_701 : vector<16xi32>
    %eq3A_703 = arith.cmpi eq, %add3A_702, %min3A_635 : vector<16xi32>
    %select_n3A_704 = arith.select %eq3A_703, %broadcast_in_dim3A_48, %select_n3A_366 : vector<16xi1>, vector<16xf32>
    %add3A_705 = arith.constant 208 : i32
    %add3A_706 = vector.broadcast %add3A_705 : i32 to vector<16xi32>
    %add3A_707 = arith.addi %iota3A, %add3A_706 : vector<16xi32>
    %eq3A_708 = arith.cmpi eq, %add3A_707, %min3A_635 : vector<16xi32>
    %select_n3A_709 = arith.select %eq3A_708, %broadcast_in_dim3A_48, %select_n3A_371 : vector<16xi1>, vector<16xf32>
    %add3A_710 = arith.constant 224 : i32
    %add3A_711 = vector.broadcast %add3A_710 : i32 to vector<16xi32>
    %add3A_712 = arith.addi %iota3A, %add3A_711 : vector<16xi32>
    %eq3A_713 = arith.cmpi eq, %add3A_712, %min3A_635 : vector<16xi32>
    %select_n3A_714 = arith.select %eq3A_713, %broadcast_in_dim3A_48, %select_n3A_376 : vector<16xi1>, vector<16xf32>
    %add3A_715 = arith.constant 240 : i32
    %add3A_716 = vector.broadcast %add3A_715 : i32 to vector<16xi32>
    %add3A_717 = arith.addi %iota3A, %add3A_716 : vector<16xi32>
    %eq3A_718 = arith.cmpi eq, %add3A_717, %min3A_635 : vector<16xi32>
    %select_n3A_719 = arith.select %eq3A_718, %broadcast_in_dim3A_48, %select_n3A_381 : vector<16xi1>, vector<16xf32>
    %max3A_720 = arith.maximumf %select_n3A_644, %select_n3A_649 : vector<16xf32>
    %max3A_721 = arith.maximumf %max3A_720, %select_n3A_654 : vector<16xf32>
    %max3A_722 = arith.maximumf %max3A_721, %select_n3A_659 : vector<16xf32>
    %max3A_723 = arith.maximumf %max3A_722, %select_n3A_664 : vector<16xf32>
    %max3A_724 = arith.maximumf %max3A_723, %select_n3A_669 : vector<16xf32>
    %max3A_725 = arith.maximumf %max3A_724, %select_n3A_674 : vector<16xf32>
    %max3A_726 = arith.maximumf %max3A_725, %select_n3A_679 : vector<16xf32>
    %max3A_727 = arith.maximumf %max3A_726, %select_n3A_684 : vector<16xf32>
    %max3A_728 = arith.maximumf %max3A_727, %select_n3A_689 : vector<16xf32>
    %max3A_729 = arith.maximumf %max3A_728, %select_n3A_694 : vector<16xf32>
    %max3A_730 = arith.maximumf %max3A_729, %select_n3A_699 : vector<16xf32>
    %max3A_731 = arith.maximumf %max3A_730, %select_n3A_704 : vector<16xf32>
    %max3A_732 = arith.maximumf %max3A_731, %select_n3A_709 : vector<16xf32>
    %max3A_733 = arith.maximumf %max3A_732, %select_n3A_714 : vector<16xf32>
    %max3A_734 = arith.maximumf %max3A_733, %select_n3A_719 : vector<16xf32>
    %xor3A_735 = arith.constant 8 : i32
    %xor3A_736 = vector.broadcast %xor3A_735 : i32 to vector<16xi32>
    %xor3A_737 = arith.xori %iota3A, %xor3A_736 : vector<16xi32>
    %lt3A_738 = arith.constant 0 : i32
    %lt3A_739 = vector.broadcast %lt3A_738 : i32 to vector<16xi32>
    %lt3A_740 = arith.cmpi slt, %xor3A_737, %lt3A_739 : vector<16xi32>
    %add3A_741 = arith.constant 16 : i32
    %add3A_742 = vector.broadcast %add3A_741 : i32 to vector<16xi32>
    %add3A_743 = arith.addi %xor3A_737, %add3A_742 : vector<16xi32>
    %select_n3A_744 = arith.select %lt3A_740, %add3A_743, %xor3A_737 : vector<16xi1>, vector<16xi32>
    %broadcast_in_dim3A_745 = vector.shape_cast %select_n3A_744 : vector<16xi32> to vector<16x1xi32>
    %gather3A_746 = vector.shape_cast %broadcast_in_dim3A_745 : vector<16x1xi32> to vector<16xi32>
    %gather3A_747 = tpu.dynamic_gather %max3A_734[%gather3A_746] in [0] : vector<16xf32>, vector<16xi32> -> vector<16xf32>
    %max3A_748 = arith.maximumf %max3A_734, %gather3A_747 : vector<16xf32>
    %xor3A_749 = arith.constant 4 : i32
    %xor3A_750 = vector.broadcast %xor3A_749 : i32 to vector<16xi32>
    %xor3A_751 = arith.xori %iota3A, %xor3A_750 : vector<16xi32>
    %lt3A_752 = arith.constant 0 : i32
    %lt3A_753 = vector.broadcast %lt3A_752 : i32 to vector<16xi32>
    %lt3A_754 = arith.cmpi slt, %xor3A_751, %lt3A_753 : vector<16xi32>
    %add3A_755 = arith.constant 16 : i32
    %add3A_756 = vector.broadcast %add3A_755 : i32 to vector<16xi32>
    %add3A_757 = arith.addi %xor3A_751, %add3A_756 : vector<16xi32>
    %select_n3A_758 = arith.select %lt3A_754, %add3A_757, %xor3A_751 : vector<16xi1>, vector<16xi32>
    %broadcast_in_dim3A_759 = vector.shape_cast %select_n3A_758 : vector<16xi32> to vector<16x1xi32>
    %gather3A_760 = vector.shape_cast %broadcast_in_dim3A_759 : vector<16x1xi32> to vector<16xi32>
    %gather3A_761 = tpu.dynamic_gather %max3A_748[%gather3A_760] in [0] : vector<16xf32>, vector<16xi32> -> vector<16xf32>
    %max3A_762 = arith.maximumf %max3A_748, %gather3A_761 : vector<16xf32>
    %xor3A_763 = arith.constant 2 : i32
    %xor3A_764 = vector.broadcast %xor3A_763 : i32 to vector<16xi32>
    %xor3A_765 = arith.xori %iota3A, %xor3A_764 : vector<16xi32>
    %lt3A_766 = arith.constant 0 : i32
    %lt3A_767 = vector.broadcast %lt3A_766 : i32 to vector<16xi32>
    %lt3A_768 = arith.cmpi slt, %xor3A_765, %lt3A_767 : vector<16xi32>
    %add3A_769 = arith.constant 16 : i32
    %add3A_770 = vector.broadcast %add3A_769 : i32 to vector<16xi32>
    %add3A_771 = arith.addi %xor3A_765, %add3A_770 : vector<16xi32>
    %select_n3A_772 = arith.select %lt3A_768, %add3A_771, %xor3A_765 : vector<16xi1>, vector<16xi32>
    %broadcast_in_dim3A_773 = vector.shape_cast %select_n3A_772 : vector<16xi32> to vector<16x1xi32>
    %gather3A_774 = vector.shape_cast %broadcast_in_dim3A_773 : vector<16x1xi32> to vector<16xi32>
    %gather3A_775 = tpu.dynamic_gather %max3A_762[%gather3A_774] in [0] : vector<16xf32>, vector<16xi32> -> vector<16xf32>
    %max3A_776 = arith.maximumf %max3A_762, %gather3A_775 : vector<16xf32>
    %xor3A_777 = arith.constant 1 : i32
    %xor3A_778 = vector.broadcast %xor3A_777 : i32 to vector<16xi32>
    %xor3A_779 = arith.xori %iota3A, %xor3A_778 : vector<16xi32>
    %lt3A_780 = arith.constant 0 : i32
    %lt3A_781 = vector.broadcast %lt3A_780 : i32 to vector<16xi32>
    %lt3A_782 = arith.cmpi slt, %xor3A_779, %lt3A_781 : vector<16xi32>
    %add3A_783 = arith.constant 16 : i32
    %add3A_784 = vector.broadcast %add3A_783 : i32 to vector<16xi32>
    %add3A_785 = arith.addi %xor3A_779, %add3A_784 : vector<16xi32>
    %select_n3A_786 = arith.select %lt3A_782, %add3A_785, %xor3A_779 : vector<16xi1>, vector<16xi32>
    %broadcast_in_dim3A_787 = vector.shape_cast %select_n3A_786 : vector<16xi32> to vector<16x1xi32>
    %gather3A_788 = vector.shape_cast %broadcast_in_dim3A_787 : vector<16x1xi32> to vector<16xi32>
    %gather3A_789 = tpu.dynamic_gather %max3A_776[%gather3A_788] in [0] : vector<16xf32>, vector<16xi32> -> vector<16xf32>
    %max3A_790 = arith.maximumf %max3A_776, %gather3A_789 : vector<16xf32>
    %eq3A_791 = arith.cmpf oeq, %select_n3A_644, %max3A_790 : vector<16xf32>
    %add3A_792 = arith.constant 0 : i32
    %add3A_793 = vector.broadcast %add3A_792 : i32 to vector<16xi32>
    %add3A_794 = arith.addi %iota3A, %add3A_793 : vector<16xi32>
    %broadcast_in_dim3A_795 = arith.constant 1073741824 : i32
    %broadcast_in_dim3A_796 = vector.broadcast %broadcast_in_dim3A_795 : i32 to vector<16xi32>
    %select_n3A_797 = arith.select %eq3A_791, %add3A_794, %broadcast_in_dim3A_796 : vector<16xi1>, vector<16xi32>
    %eq3A_798 = arith.cmpf oeq, %select_n3A_649, %max3A_790 : vector<16xf32>
    %add3A_799 = arith.constant 16 : i32
    %add3A_800 = vector.broadcast %add3A_799 : i32 to vector<16xi32>
    %add3A_801 = arith.addi %iota3A, %add3A_800 : vector<16xi32>
    %broadcast_in_dim3A_802 = arith.constant 1073741824 : i32
    %broadcast_in_dim3A_803 = vector.broadcast %broadcast_in_dim3A_802 : i32 to vector<16xi32>
    %select_n3A_804 = arith.select %eq3A_798, %add3A_801, %broadcast_in_dim3A_803 : vector<16xi1>, vector<16xi32>
    %min3A_805 = arith.minsi %select_n3A_797, %select_n3A_804 : vector<16xi32>
    %eq3A_806 = arith.cmpf oeq, %select_n3A_654, %max3A_790 : vector<16xf32>
    %add3A_807 = arith.constant 32 : i32
    %add3A_808 = vector.broadcast %add3A_807 : i32 to vector<16xi32>
    %add3A_809 = arith.addi %iota3A, %add3A_808 : vector<16xi32>
    %broadcast_in_dim3A_810 = arith.constant 1073741824 : i32
    %broadcast_in_dim3A_811 = vector.broadcast %broadcast_in_dim3A_810 : i32 to vector<16xi32>
    %select_n3A_812 = arith.select %eq3A_806, %add3A_809, %broadcast_in_dim3A_811 : vector<16xi1>, vector<16xi32>
    %min3A_813 = arith.minsi %min3A_805, %select_n3A_812 : vector<16xi32>
    %eq3A_814 = arith.cmpf oeq, %select_n3A_659, %max3A_790 : vector<16xf32>
    %add3A_815 = arith.constant 48 : i32
    %add3A_816 = vector.broadcast %add3A_815 : i32 to vector<16xi32>
    %add3A_817 = arith.addi %iota3A, %add3A_816 : vector<16xi32>
    %broadcast_in_dim3A_818 = arith.constant 1073741824 : i32
    %broadcast_in_dim3A_819 = vector.broadcast %broadcast_in_dim3A_818 : i32 to vector<16xi32>
    %select_n3A_820 = arith.select %eq3A_814, %add3A_817, %broadcast_in_dim3A_819 : vector<16xi1>, vector<16xi32>
    %min3A_821 = arith.minsi %min3A_813, %select_n3A_820 : vector<16xi32>
    %eq3A_822 = arith.cmpf oeq, %select_n3A_664, %max3A_790 : vector<16xf32>
    %add3A_823 = arith.constant 64 : i32
    %add3A_824 = vector.broadcast %add3A_823 : i32 to vector<16xi32>
    %add3A_825 = arith.addi %iota3A, %add3A_824 : vector<16xi32>
    %broadcast_in_dim3A_826 = arith.constant 1073741824 : i32
    %broadcast_in_dim3A_827 = vector.broadcast %broadcast_in_dim3A_826 : i32 to vector<16xi32>
    %select_n3A_828 = arith.select %eq3A_822, %add3A_825, %broadcast_in_dim3A_827 : vector<16xi1>, vector<16xi32>
    %min3A_829 = arith.minsi %min3A_821, %select_n3A_828 : vector<16xi32>
    %eq3A_830 = arith.cmpf oeq, %select_n3A_669, %max3A_790 : vector<16xf32>
    %add3A_831 = arith.constant 80 : i32
    %add3A_832 = vector.broadcast %add3A_831 : i32 to vector<16xi32>
    %add3A_833 = arith.addi %iota3A, %add3A_832 : vector<16xi32>
    %broadcast_in_dim3A_834 = arith.constant 1073741824 : i32
    %broadcast_in_dim3A_835 = vector.broadcast %broadcast_in_dim3A_834 : i32 to vector<16xi32>
    %select_n3A_836 = arith.select %eq3A_830, %add3A_833, %broadcast_in_dim3A_835 : vector<16xi1>, vector<16xi32>
    %min3A_837 = arith.minsi %min3A_829, %select_n3A_836 : vector<16xi32>
    %eq3A_838 = arith.cmpf oeq, %select_n3A_674, %max3A_790 : vector<16xf32>
    %add3A_839 = arith.constant 96 : i32
    %add3A_840 = vector.broadcast %add3A_839 : i32 to vector<16xi32>
    %add3A_841 = arith.addi %iota3A, %add3A_840 : vector<16xi32>
    %broadcast_in_dim3A_842 = arith.constant 1073741824 : i32
    %broadcast_in_dim3A_843 = vector.broadcast %broadcast_in_dim3A_842 : i32 to vector<16xi32>
    %select_n3A_844 = arith.select %eq3A_838, %add3A_841, %broadcast_in_dim3A_843 : vector<16xi1>, vector<16xi32>
    %min3A_845 = arith.minsi %min3A_837, %select_n3A_844 : vector<16xi32>
    %eq3A_846 = arith.cmpf oeq, %select_n3A_679, %max3A_790 : vector<16xf32>
    %add3A_847 = arith.constant 112 : i32
    %add3A_848 = vector.broadcast %add3A_847 : i32 to vector<16xi32>
    %add3A_849 = arith.addi %iota3A, %add3A_848 : vector<16xi32>
    %broadcast_in_dim3A_850 = arith.constant 1073741824 : i32
    %broadcast_in_dim3A_851 = vector.broadcast %broadcast_in_dim3A_850 : i32 to vector<16xi32>
    %select_n3A_852 = arith.select %eq3A_846, %add3A_849, %broadcast_in_dim3A_851 : vector<16xi1>, vector<16xi32>
    %min3A_853 = arith.minsi %min3A_845, %select_n3A_852 : vector<16xi32>
    %eq3A_854 = arith.cmpf oeq, %select_n3A_684, %max3A_790 : vector<16xf32>
    %add3A_855 = arith.constant 128 : i32
    %add3A_856 = vector.broadcast %add3A_855 : i32 to vector<16xi32>
    %add3A_857 = arith.addi %iota3A, %add3A_856 : vector<16xi32>
    %broadcast_in_dim3A_858 = arith.constant 1073741824 : i32
    %broadcast_in_dim3A_859 = vector.broadcast %broadcast_in_dim3A_858 : i32 to vector<16xi32>
    %select_n3A_860 = arith.select %eq3A_854, %add3A_857, %broadcast_in_dim3A_859 : vector<16xi1>, vector<16xi32>
    %min3A_861 = arith.minsi %min3A_853, %select_n3A_860 : vector<16xi32>
    %eq3A_862 = arith.cmpf oeq, %select_n3A_689, %max3A_790 : vector<16xf32>
    %add3A_863 = arith.constant 144 : i32
    %add3A_864 = vector.broadcast %add3A_863 : i32 to vector<16xi32>
    %add3A_865 = arith.addi %iota3A, %add3A_864 : vector<16xi32>
    %broadcast_in_dim3A_866 = arith.constant 1073741824 : i32
    %broadcast_in_dim3A_867 = vector.broadcast %broadcast_in_dim3A_866 : i32 to vector<16xi32>
    %select_n3A_868 = arith.select %eq3A_862, %add3A_865, %broadcast_in_dim3A_867 : vector<16xi1>, vector<16xi32>
    %min3A_869 = arith.minsi %min3A_861, %select_n3A_868 : vector<16xi32>
    %eq3A_870 = arith.cmpf oeq, %select_n3A_694, %max3A_790 : vector<16xf32>
    %add3A_871 = arith.constant 160 : i32
    %add3A_872 = vector.broadcast %add3A_871 : i32 to vector<16xi32>
    %add3A_873 = arith.addi %iota3A, %add3A_872 : vector<16xi32>
    %broadcast_in_dim3A_874 = arith.constant 1073741824 : i32
    %broadcast_in_dim3A_875 = vector.broadcast %broadcast_in_dim3A_874 : i32 to vector<16xi32>
    %select_n3A_876 = arith.select %eq3A_870, %add3A_873, %broadcast_in_dim3A_875 : vector<16xi1>, vector<16xi32>
    %min3A_877 = arith.minsi %min3A_869, %select_n3A_876 : vector<16xi32>
    %eq3A_878 = arith.cmpf oeq, %select_n3A_699, %max3A_790 : vector<16xf32>
    %add3A_879 = arith.constant 176 : i32
    %add3A_880 = vector.broadcast %add3A_879 : i32 to vector<16xi32>
    %add3A_881 = arith.addi %iota3A, %add3A_880 : vector<16xi32>
    %broadcast_in_dim3A_882 = arith.constant 1073741824 : i32
    %broadcast_in_dim3A_883 = vector.broadcast %broadcast_in_dim3A_882 : i32 to vector<16xi32>
    %select_n3A_884 = arith.select %eq3A_878, %add3A_881, %broadcast_in_dim3A_883 : vector<16xi1>, vector<16xi32>
    %min3A_885 = arith.minsi %min3A_877, %select_n3A_884 : vector<16xi32>
    %eq3A_886 = arith.cmpf oeq, %select_n3A_704, %max3A_790 : vector<16xf32>
    %add3A_887 = arith.constant 192 : i32
    %add3A_888 = vector.broadcast %add3A_887 : i32 to vector<16xi32>
    %add3A_889 = arith.addi %iota3A, %add3A_888 : vector<16xi32>
    %broadcast_in_dim3A_890 = arith.constant 1073741824 : i32
    %broadcast_in_dim3A_891 = vector.broadcast %broadcast_in_dim3A_890 : i32 to vector<16xi32>
    %select_n3A_892 = arith.select %eq3A_886, %add3A_889, %broadcast_in_dim3A_891 : vector<16xi1>, vector<16xi32>
    %min3A_893 = arith.minsi %min3A_885, %select_n3A_892 : vector<16xi32>
    %eq3A_894 = arith.cmpf oeq, %select_n3A_709, %max3A_790 : vector<16xf32>
    %add3A_895 = arith.constant 208 : i32
    %add3A_896 = vector.broadcast %add3A_895 : i32 to vector<16xi32>
    %add3A_897 = arith.addi %iota3A, %add3A_896 : vector<16xi32>
    %broadcast_in_dim3A_898 = arith.constant 1073741824 : i32
    %broadcast_in_dim3A_899 = vector.broadcast %broadcast_in_dim3A_898 : i32 to vector<16xi32>
    %select_n3A_900 = arith.select %eq3A_894, %add3A_897, %broadcast_in_dim3A_899 : vector<16xi1>, vector<16xi32>
    %min3A_901 = arith.minsi %min3A_893, %select_n3A_900 : vector<16xi32>
    %eq3A_902 = arith.cmpf oeq, %select_n3A_714, %max3A_790 : vector<16xf32>
    %add3A_903 = arith.constant 224 : i32
    %add3A_904 = vector.broadcast %add3A_903 : i32 to vector<16xi32>
    %add3A_905 = arith.addi %iota3A, %add3A_904 : vector<16xi32>
    %broadcast_in_dim3A_906 = arith.constant 1073741824 : i32
    %broadcast_in_dim3A_907 = vector.broadcast %broadcast_in_dim3A_906 : i32 to vector<16xi32>
    %select_n3A_908 = arith.select %eq3A_902, %add3A_905, %broadcast_in_dim3A_907 : vector<16xi1>, vector<16xi32>
    %min3A_909 = arith.minsi %min3A_901, %select_n3A_908 : vector<16xi32>
    %eq3A_910 = arith.cmpf oeq, %select_n3A_719, %max3A_790 : vector<16xf32>
    %add3A_911 = arith.constant 240 : i32
    %add3A_912 = vector.broadcast %add3A_911 : i32 to vector<16xi32>
    %add3A_913 = arith.addi %iota3A, %add3A_912 : vector<16xi32>
    %broadcast_in_dim3A_914 = arith.constant 1073741824 : i32
    %broadcast_in_dim3A_915 = vector.broadcast %broadcast_in_dim3A_914 : i32 to vector<16xi32>
    %select_n3A_916 = arith.select %eq3A_910, %add3A_913, %broadcast_in_dim3A_915 : vector<16xi1>, vector<16xi32>
    %min3A_917 = arith.minsi %min3A_909, %select_n3A_916 : vector<16xi32>
    %xor3A_918 = arith.constant 8 : i32
    %xor3A_919 = vector.broadcast %xor3A_918 : i32 to vector<16xi32>
    %xor3A_920 = arith.xori %iota3A, %xor3A_919 : vector<16xi32>
    %lt3A_921 = arith.constant 0 : i32
    %lt3A_922 = vector.broadcast %lt3A_921 : i32 to vector<16xi32>
    %lt3A_923 = arith.cmpi slt, %xor3A_920, %lt3A_922 : vector<16xi32>
    %add3A_924 = arith.constant 16 : i32
    %add3A_925 = vector.broadcast %add3A_924 : i32 to vector<16xi32>
    %add3A_926 = arith.addi %xor3A_920, %add3A_925 : vector<16xi32>
    %select_n3A_927 = arith.select %lt3A_923, %add3A_926, %xor3A_920 : vector<16xi1>, vector<16xi32>
    %broadcast_in_dim3A_928 = vector.shape_cast %select_n3A_927 : vector<16xi32> to vector<16x1xi32>
    %gather3A_929 = vector.shape_cast %broadcast_in_dim3A_928 : vector<16x1xi32> to vector<16xi32>
    %gather3A_930 = tpu.dynamic_gather %min3A_917[%gather3A_929] in [0] : vector<16xi32>, vector<16xi32> -> vector<16xi32>
    %min3A_931 = arith.minsi %min3A_917, %gather3A_930 : vector<16xi32>
    %xor3A_932 = arith.constant 4 : i32
    %xor3A_933 = vector.broadcast %xor3A_932 : i32 to vector<16xi32>
    %xor3A_934 = arith.xori %iota3A, %xor3A_933 : vector<16xi32>
    %lt3A_935 = arith.constant 0 : i32
    %lt3A_936 = vector.broadcast %lt3A_935 : i32 to vector<16xi32>
    %lt3A_937 = arith.cmpi slt, %xor3A_934, %lt3A_936 : vector<16xi32>
    %add3A_938 = arith.constant 16 : i32
    %add3A_939 = vector.broadcast %add3A_938 : i32 to vector<16xi32>
    %add3A_940 = arith.addi %xor3A_934, %add3A_939 : vector<16xi32>
    %select_n3A_941 = arith.select %lt3A_937, %add3A_940, %xor3A_934 : vector<16xi1>, vector<16xi32>
    %broadcast_in_dim3A_942 = vector.shape_cast %select_n3A_941 : vector<16xi32> to vector<16x1xi32>
    %gather3A_943 = vector.shape_cast %broadcast_in_dim3A_942 : vector<16x1xi32> to vector<16xi32>
    %gather3A_944 = tpu.dynamic_gather %min3A_931[%gather3A_943] in [0] : vector<16xi32>, vector<16xi32> -> vector<16xi32>
    %min3A_945 = arith.minsi %min3A_931, %gather3A_944 : vector<16xi32>
    %xor3A_946 = arith.constant 2 : i32
    %xor3A_947 = vector.broadcast %xor3A_946 : i32 to vector<16xi32>
    %xor3A_948 = arith.xori %iota3A, %xor3A_947 : vector<16xi32>
    %lt3A_949 = arith.constant 0 : i32
    %lt3A_950 = vector.broadcast %lt3A_949 : i32 to vector<16xi32>
    %lt3A_951 = arith.cmpi slt, %xor3A_948, %lt3A_950 : vector<16xi32>
    %add3A_952 = arith.constant 16 : i32
    %add3A_953 = vector.broadcast %add3A_952 : i32 to vector<16xi32>
    %add3A_954 = arith.addi %xor3A_948, %add3A_953 : vector<16xi32>
    %select_n3A_955 = arith.select %lt3A_951, %add3A_954, %xor3A_948 : vector<16xi1>, vector<16xi32>
    %broadcast_in_dim3A_956 = vector.shape_cast %select_n3A_955 : vector<16xi32> to vector<16x1xi32>
    %gather3A_957 = vector.shape_cast %broadcast_in_dim3A_956 : vector<16x1xi32> to vector<16xi32>
    %gather3A_958 = tpu.dynamic_gather %min3A_945[%gather3A_957] in [0] : vector<16xi32>, vector<16xi32> -> vector<16xi32>
    %min3A_959 = arith.minsi %min3A_945, %gather3A_958 : vector<16xi32>
    %xor3A_960 = arith.constant 1 : i32
    %xor3A_961 = vector.broadcast %xor3A_960 : i32 to vector<16xi32>
    %xor3A_962 = arith.xori %iota3A, %xor3A_961 : vector<16xi32>
    %lt3A_963 = arith.constant 0 : i32
    %lt3A_964 = vector.broadcast %lt3A_963 : i32 to vector<16xi32>
    %lt3A_965 = arith.cmpi slt, %xor3A_962, %lt3A_964 : vector<16xi32>
    %add3A_966 = arith.constant 16 : i32
    %add3A_967 = vector.broadcast %add3A_966 : i32 to vector<16xi32>
    %add3A_968 = arith.addi %xor3A_962, %add3A_967 : vector<16xi32>
    %select_n3A_969 = arith.select %lt3A_965, %add3A_968, %xor3A_962 : vector<16xi1>, vector<16xi32>
    %broadcast_in_dim3A_970 = vector.shape_cast %select_n3A_969 : vector<16xi32> to vector<16x1xi32>
    %gather3A_971 = vector.shape_cast %broadcast_in_dim3A_970 : vector<16x1xi32> to vector<16xi32>
    %gather3A_972 = tpu.dynamic_gather %min3A_959[%gather3A_971] in [0] : vector<16xi32>, vector<16xi32> -> vector<16xi32>
    %min3A_973 = arith.minsi %min3A_959, %gather3A_972 : vector<16xi32>
    %eq3A_974 = arith.constant 2 : i32
    %eq3A_975 = vector.broadcast %eq3A_974 : i32 to vector<16xi32>
    %eq3A_976 = arith.cmpi eq, %iota3A, %eq3A_975 : vector<16xi32>
    %select_n3A_977 = arith.select %eq3A_976, %min3A_973, %select_n3A_639 : vector<16xi1>, vector<16xi32>
    %add3A_978 = arith.constant 0 : i32
    %add3A_979 = vector.broadcast %add3A_978 : i32 to vector<16xi32>
    %add3A_980 = arith.addi %iota3A, %add3A_979 : vector<16xi32>
    %eq3A_981 = arith.cmpi eq, %add3A_980, %min3A_973 : vector<16xi32>
    %select_n3A_982 = arith.select %eq3A_981, %broadcast_in_dim3A_48, %select_n3A_644 : vector<16xi1>, vector<16xf32>
    %add3A_983 = arith.constant 16 : i32
    %add3A_984 = vector.broadcast %add3A_983 : i32 to vector<16xi32>
    %add3A_985 = arith.addi %iota3A, %add3A_984 : vector<16xi32>
    %eq3A_986 = arith.cmpi eq, %add3A_985, %min3A_973 : vector<16xi32>
    %select_n3A_987 = arith.select %eq3A_986, %broadcast_in_dim3A_48, %select_n3A_649 : vector<16xi1>, vector<16xf32>
    %add3A_988 = arith.constant 32 : i32
    %add3A_989 = vector.broadcast %add3A_988 : i32 to vector<16xi32>
    %add3A_990 = arith.addi %iota3A, %add3A_989 : vector<16xi32>
    %eq3A_991 = arith.cmpi eq, %add3A_990, %min3A_973 : vector<16xi32>
    %select_n3A_992 = arith.select %eq3A_991, %broadcast_in_dim3A_48, %select_n3A_654 : vector<16xi1>, vector<16xf32>
    %add3A_993 = arith.constant 48 : i32
    %add3A_994 = vector.broadcast %add3A_993 : i32 to vector<16xi32>
    %add3A_995 = arith.addi %iota3A, %add3A_994 : vector<16xi32>
    %eq3A_996 = arith.cmpi eq, %add3A_995, %min3A_973 : vector<16xi32>
    %select_n3A_997 = arith.select %eq3A_996, %broadcast_in_dim3A_48, %select_n3A_659 : vector<16xi1>, vector<16xf32>
    %add3A_998 = arith.constant 64 : i32
    %add3A_999 = vector.broadcast %add3A_998 : i32 to vector<16xi32>
    %add3A_1000 = arith.addi %iota3A, %add3A_999 : vector<16xi32>
    %eq3A_1001 = arith.cmpi eq, %add3A_1000, %min3A_973 : vector<16xi32>
    %select_n3A_1002 = arith.select %eq3A_1001, %broadcast_in_dim3A_48, %select_n3A_664 : vector<16xi1>, vector<16xf32>
    %add3A_1003 = arith.constant 80 : i32
    %add3A_1004 = vector.broadcast %add3A_1003 : i32 to vector<16xi32>
    %add3A_1005 = arith.addi %iota3A, %add3A_1004 : vector<16xi32>
    %eq3A_1006 = arith.cmpi eq, %add3A_1005, %min3A_973 : vector<16xi32>
    %select_n3A_1007 = arith.select %eq3A_1006, %broadcast_in_dim3A_48, %select_n3A_669 : vector<16xi1>, vector<16xf32>
    %add3A_1008 = arith.constant 96 : i32
    %add3A_1009 = vector.broadcast %add3A_1008 : i32 to vector<16xi32>
    %add3A_1010 = arith.addi %iota3A, %add3A_1009 : vector<16xi32>
    %eq3A_1011 = arith.cmpi eq, %add3A_1010, %min3A_973 : vector<16xi32>
    %select_n3A_1012 = arith.select %eq3A_1011, %broadcast_in_dim3A_48, %select_n3A_674 : vector<16xi1>, vector<16xf32>
    %add3A_1013 = arith.constant 112 : i32
    %add3A_1014 = vector.broadcast %add3A_1013 : i32 to vector<16xi32>
    %add3A_1015 = arith.addi %iota3A, %add3A_1014 : vector<16xi32>
    %eq3A_1016 = arith.cmpi eq, %add3A_1015, %min3A_973 : vector<16xi32>
    %select_n3A_1017 = arith.select %eq3A_1016, %broadcast_in_dim3A_48, %select_n3A_679 : vector<16xi1>, vector<16xf32>
    %add3A_1018 = arith.constant 128 : i32
    %add3A_1019 = vector.broadcast %add3A_1018 : i32 to vector<16xi32>
    %add3A_1020 = arith.addi %iota3A, %add3A_1019 : vector<16xi32>
    %eq3A_1021 = arith.cmpi eq, %add3A_1020, %min3A_973 : vector<16xi32>
    %select_n3A_1022 = arith.select %eq3A_1021, %broadcast_in_dim3A_48, %select_n3A_684 : vector<16xi1>, vector<16xf32>
    %add3A_1023 = arith.constant 144 : i32
    %add3A_1024 = vector.broadcast %add3A_1023 : i32 to vector<16xi32>
    %add3A_1025 = arith.addi %iota3A, %add3A_1024 : vector<16xi32>
    %eq3A_1026 = arith.cmpi eq, %add3A_1025, %min3A_973 : vector<16xi32>
    %select_n3A_1027 = arith.select %eq3A_1026, %broadcast_in_dim3A_48, %select_n3A_689 : vector<16xi1>, vector<16xf32>
    %add3A_1028 = arith.constant 160 : i32
    %add3A_1029 = vector.broadcast %add3A_1028 : i32 to vector<16xi32>
    %add3A_1030 = arith.addi %iota3A, %add3A_1029 : vector<16xi32>
    %eq3A_1031 = arith.cmpi eq, %add3A_1030, %min3A_973 : vector<16xi32>
    %select_n3A_1032 = arith.select %eq3A_1031, %broadcast_in_dim3A_48, %select_n3A_694 : vector<16xi1>, vector<16xf32>
    %add3A_1033 = arith.constant 176 : i32
    %add3A_1034 = vector.broadcast %add3A_1033 : i32 to vector<16xi32>
    %add3A_1035 = arith.addi %iota3A, %add3A_1034 : vector<16xi32>
    %eq3A_1036 = arith.cmpi eq, %add3A_1035, %min3A_973 : vector<16xi32>
    %select_n3A_1037 = arith.select %eq3A_1036, %broadcast_in_dim3A_48, %select_n3A_699 : vector<16xi1>, vector<16xf32>
    %add3A_1038 = arith.constant 192 : i32
    %add3A_1039 = vector.broadcast %add3A_1038 : i32 to vector<16xi32>
    %add3A_1040 = arith.addi %iota3A, %add3A_1039 : vector<16xi32>
    %eq3A_1041 = arith.cmpi eq, %add3A_1040, %min3A_973 : vector<16xi32>
    %select_n3A_1042 = arith.select %eq3A_1041, %broadcast_in_dim3A_48, %select_n3A_704 : vector<16xi1>, vector<16xf32>
    %add3A_1043 = arith.constant 208 : i32
    %add3A_1044 = vector.broadcast %add3A_1043 : i32 to vector<16xi32>
    %add3A_1045 = arith.addi %iota3A, %add3A_1044 : vector<16xi32>
    %eq3A_1046 = arith.cmpi eq, %add3A_1045, %min3A_973 : vector<16xi32>
    %select_n3A_1047 = arith.select %eq3A_1046, %broadcast_in_dim3A_48, %select_n3A_709 : vector<16xi1>, vector<16xf32>
    %add3A_1048 = arith.constant 224 : i32
    %add3A_1049 = vector.broadcast %add3A_1048 : i32 to vector<16xi32>
    %add3A_1050 = arith.addi %iota3A, %add3A_1049 : vector<16xi32>
    %eq3A_1051 = arith.cmpi eq, %add3A_1050, %min3A_973 : vector<16xi32>
    %select_n3A_1052 = arith.select %eq3A_1051, %broadcast_in_dim3A_48, %select_n3A_714 : vector<16xi1>, vector<16xf32>
    %add3A_1053 = arith.constant 240 : i32
    %add3A_1054 = vector.broadcast %add3A_1053 : i32 to vector<16xi32>
    %add3A_1055 = arith.addi %iota3A, %add3A_1054 : vector<16xi32>
    %eq3A_1056 = arith.cmpi eq, %add3A_1055, %min3A_973 : vector<16xi32>
    %select_n3A_1057 = arith.select %eq3A_1056, %broadcast_in_dim3A_48, %select_n3A_719 : vector<16xi1>, vector<16xf32>
    %max3A_1058 = arith.maximumf %select_n3A_982, %select_n3A_987 : vector<16xf32>
    %max3A_1059 = arith.maximumf %max3A_1058, %select_n3A_992 : vector<16xf32>
    %max3A_1060 = arith.maximumf %max3A_1059, %select_n3A_997 : vector<16xf32>
    %max3A_1061 = arith.maximumf %max3A_1060, %select_n3A_1002 : vector<16xf32>
    %max3A_1062 = arith.maximumf %max3A_1061, %select_n3A_1007 : vector<16xf32>
    %max3A_1063 = arith.maximumf %max3A_1062, %select_n3A_1012 : vector<16xf32>
    %max3A_1064 = arith.maximumf %max3A_1063, %select_n3A_1017 : vector<16xf32>
    %max3A_1065 = arith.maximumf %max3A_1064, %select_n3A_1022 : vector<16xf32>
    %max3A_1066 = arith.maximumf %max3A_1065, %select_n3A_1027 : vector<16xf32>
    %max3A_1067 = arith.maximumf %max3A_1066, %select_n3A_1032 : vector<16xf32>
    %max3A_1068 = arith.maximumf %max3A_1067, %select_n3A_1037 : vector<16xf32>
    %max3A_1069 = arith.maximumf %max3A_1068, %select_n3A_1042 : vector<16xf32>
    %max3A_1070 = arith.maximumf %max3A_1069, %select_n3A_1047 : vector<16xf32>
    %max3A_1071 = arith.maximumf %max3A_1070, %select_n3A_1052 : vector<16xf32>
    %max3A_1072 = arith.maximumf %max3A_1071, %select_n3A_1057 : vector<16xf32>
    %xor3A_1073 = arith.constant 8 : i32
    %xor3A_1074 = vector.broadcast %xor3A_1073 : i32 to vector<16xi32>
    %xor3A_1075 = arith.xori %iota3A, %xor3A_1074 : vector<16xi32>
    %lt3A_1076 = arith.constant 0 : i32
    %lt3A_1077 = vector.broadcast %lt3A_1076 : i32 to vector<16xi32>
    %lt3A_1078 = arith.cmpi slt, %xor3A_1075, %lt3A_1077 : vector<16xi32>
    %add3A_1079 = arith.constant 16 : i32
    %add3A_1080 = vector.broadcast %add3A_1079 : i32 to vector<16xi32>
    %add3A_1081 = arith.addi %xor3A_1075, %add3A_1080 : vector<16xi32>
    %select_n3A_1082 = arith.select %lt3A_1078, %add3A_1081, %xor3A_1075 : vector<16xi1>, vector<16xi32>
    %broadcast_in_dim3A_1083 = vector.shape_cast %select_n3A_1082 : vector<16xi32> to vector<16x1xi32>
    %gather3A_1084 = vector.shape_cast %broadcast_in_dim3A_1083 : vector<16x1xi32> to vector<16xi32>
    %gather3A_1085 = tpu.dynamic_gather %max3A_1072[%gather3A_1084] in [0] : vector<16xf32>, vector<16xi32> -> vector<16xf32>
    %max3A_1086 = arith.maximumf %max3A_1072, %gather3A_1085 : vector<16xf32>
    %xor3A_1087 = arith.constant 4 : i32
    %xor3A_1088 = vector.broadcast %xor3A_1087 : i32 to vector<16xi32>
    %xor3A_1089 = arith.xori %iota3A, %xor3A_1088 : vector<16xi32>
    %lt3A_1090 = arith.constant 0 : i32
    %lt3A_1091 = vector.broadcast %lt3A_1090 : i32 to vector<16xi32>
    %lt3A_1092 = arith.cmpi slt, %xor3A_1089, %lt3A_1091 : vector<16xi32>
    %add3A_1093 = arith.constant 16 : i32
    %add3A_1094 = vector.broadcast %add3A_1093 : i32 to vector<16xi32>
    %add3A_1095 = arith.addi %xor3A_1089, %add3A_1094 : vector<16xi32>
    %select_n3A_1096 = arith.select %lt3A_1092, %add3A_1095, %xor3A_1089 : vector<16xi1>, vector<16xi32>
    %broadcast_in_dim3A_1097 = vector.shape_cast %select_n3A_1096 : vector<16xi32> to vector<16x1xi32>
    %gather3A_1098 = vector.shape_cast %broadcast_in_dim3A_1097 : vector<16x1xi32> to vector<16xi32>
    %gather3A_1099 = tpu.dynamic_gather %max3A_1086[%gather3A_1098] in [0] : vector<16xf32>, vector<16xi32> -> vector<16xf32>
    %max3A_1100 = arith.maximumf %max3A_1086, %gather3A_1099 : vector<16xf32>
    %xor3A_1101 = arith.constant 2 : i32
    %xor3A_1102 = vector.broadcast %xor3A_1101 : i32 to vector<16xi32>
    %xor3A_1103 = arith.xori %iota3A, %xor3A_1102 : vector<16xi32>
    %lt3A_1104 = arith.constant 0 : i32
    %lt3A_1105 = vector.broadcast %lt3A_1104 : i32 to vector<16xi32>
    %lt3A_1106 = arith.cmpi slt, %xor3A_1103, %lt3A_1105 : vector<16xi32>
    %add3A_1107 = arith.constant 16 : i32
    %add3A_1108 = vector.broadcast %add3A_1107 : i32 to vector<16xi32>
    %add3A_1109 = arith.addi %xor3A_1103, %add3A_1108 : vector<16xi32>
    %select_n3A_1110 = arith.select %lt3A_1106, %add3A_1109, %xor3A_1103 : vector<16xi1>, vector<16xi32>
    %broadcast_in_dim3A_1111 = vector.shape_cast %select_n3A_1110 : vector<16xi32> to vector<16x1xi32>
    %gather3A_1112 = vector.shape_cast %broadcast_in_dim3A_1111 : vector<16x1xi32> to vector<16xi32>
    %gather3A_1113 = tpu.dynamic_gather %max3A_1100[%gather3A_1112] in [0] : vector<16xf32>, vector<16xi32> -> vector<16xf32>
    %max3A_1114 = arith.maximumf %max3A_1100, %gather3A_1113 : vector<16xf32>
    %xor3A_1115 = arith.constant 1 : i32
    %xor3A_1116 = vector.broadcast %xor3A_1115 : i32 to vector<16xi32>
    %xor3A_1117 = arith.xori %iota3A, %xor3A_1116 : vector<16xi32>
    %lt3A_1118 = arith.constant 0 : i32
    %lt3A_1119 = vector.broadcast %lt3A_1118 : i32 to vector<16xi32>
    %lt3A_1120 = arith.cmpi slt, %xor3A_1117, %lt3A_1119 : vector<16xi32>
    %add3A_1121 = arith.constant 16 : i32
    %add3A_1122 = vector.broadcast %add3A_1121 : i32 to vector<16xi32>
    %add3A_1123 = arith.addi %xor3A_1117, %add3A_1122 : vector<16xi32>
    %select_n3A_1124 = arith.select %lt3A_1120, %add3A_1123, %xor3A_1117 : vector<16xi1>, vector<16xi32>
    %broadcast_in_dim3A_1125 = vector.shape_cast %select_n3A_1124 : vector<16xi32> to vector<16x1xi32>
    %gather3A_1126 = vector.shape_cast %broadcast_in_dim3A_1125 : vector<16x1xi32> to vector<16xi32>
    %gather3A_1127 = tpu.dynamic_gather %max3A_1114[%gather3A_1126] in [0] : vector<16xf32>, vector<16xi32> -> vector<16xf32>
    %max3A_1128 = arith.maximumf %max3A_1114, %gather3A_1127 : vector<16xf32>
    %eq3A_1129 = arith.cmpf oeq, %select_n3A_982, %max3A_1128 : vector<16xf32>
    %add3A_1130 = arith.constant 0 : i32
    %add3A_1131 = vector.broadcast %add3A_1130 : i32 to vector<16xi32>
    %add3A_1132 = arith.addi %iota3A, %add3A_1131 : vector<16xi32>
    %broadcast_in_dim3A_1133 = arith.constant 1073741824 : i32
    %broadcast_in_dim3A_1134 = vector.broadcast %broadcast_in_dim3A_1133 : i32 to vector<16xi32>
    %select_n3A_1135 = arith.select %eq3A_1129, %add3A_1132, %broadcast_in_dim3A_1134 : vector<16xi1>, vector<16xi32>
    %eq3A_1136 = arith.cmpf oeq, %select_n3A_987, %max3A_1128 : vector<16xf32>
    %add3A_1137 = arith.constant 16 : i32
    %add3A_1138 = vector.broadcast %add3A_1137 : i32 to vector<16xi32>
    %add3A_1139 = arith.addi %iota3A, %add3A_1138 : vector<16xi32>
    %broadcast_in_dim3A_1140 = arith.constant 1073741824 : i32
    %broadcast_in_dim3A_1141 = vector.broadcast %broadcast_in_dim3A_1140 : i32 to vector<16xi32>
    %select_n3A_1142 = arith.select %eq3A_1136, %add3A_1139, %broadcast_in_dim3A_1141 : vector<16xi1>, vector<16xi32>
    %min3A_1143 = arith.minsi %select_n3A_1135, %select_n3A_1142 : vector<16xi32>
    %eq3A_1144 = arith.cmpf oeq, %select_n3A_992, %max3A_1128 : vector<16xf32>
    %add3A_1145 = arith.constant 32 : i32
    %add3A_1146 = vector.broadcast %add3A_1145 : i32 to vector<16xi32>
    %add3A_1147 = arith.addi %iota3A, %add3A_1146 : vector<16xi32>
    %broadcast_in_dim3A_1148 = arith.constant 1073741824 : i32
    %broadcast_in_dim3A_1149 = vector.broadcast %broadcast_in_dim3A_1148 : i32 to vector<16xi32>
    %select_n3A_1150 = arith.select %eq3A_1144, %add3A_1147, %broadcast_in_dim3A_1149 : vector<16xi1>, vector<16xi32>
    %min3A_1151 = arith.minsi %min3A_1143, %select_n3A_1150 : vector<16xi32>
    %eq3A_1152 = arith.cmpf oeq, %select_n3A_997, %max3A_1128 : vector<16xf32>
    %add3A_1153 = arith.constant 48 : i32
    %add3A_1154 = vector.broadcast %add3A_1153 : i32 to vector<16xi32>
    %add3A_1155 = arith.addi %iota3A, %add3A_1154 : vector<16xi32>
    %broadcast_in_dim3A_1156 = arith.constant 1073741824 : i32
    %broadcast_in_dim3A_1157 = vector.broadcast %broadcast_in_dim3A_1156 : i32 to vector<16xi32>
    %select_n3A_1158 = arith.select %eq3A_1152, %add3A_1155, %broadcast_in_dim3A_1157 : vector<16xi1>, vector<16xi32>
    %min3A_1159 = arith.minsi %min3A_1151, %select_n3A_1158 : vector<16xi32>
    %eq3A_1160 = arith.cmpf oeq, %select_n3A_1002, %max3A_1128 : vector<16xf32>
    %add3A_1161 = arith.constant 64 : i32
    %add3A_1162 = vector.broadcast %add3A_1161 : i32 to vector<16xi32>
    %add3A_1163 = arith.addi %iota3A, %add3A_1162 : vector<16xi32>
    %broadcast_in_dim3A_1164 = arith.constant 1073741824 : i32
    %broadcast_in_dim3A_1165 = vector.broadcast %broadcast_in_dim3A_1164 : i32 to vector<16xi32>
    %select_n3A_1166 = arith.select %eq3A_1160, %add3A_1163, %broadcast_in_dim3A_1165 : vector<16xi1>, vector<16xi32>
    %min3A_1167 = arith.minsi %min3A_1159, %select_n3A_1166 : vector<16xi32>
    %eq3A_1168 = arith.cmpf oeq, %select_n3A_1007, %max3A_1128 : vector<16xf32>
    %add3A_1169 = arith.constant 80 : i32
    %add3A_1170 = vector.broadcast %add3A_1169 : i32 to vector<16xi32>
    %add3A_1171 = arith.addi %iota3A, %add3A_1170 : vector<16xi32>
    %broadcast_in_dim3A_1172 = arith.constant 1073741824 : i32
    %broadcast_in_dim3A_1173 = vector.broadcast %broadcast_in_dim3A_1172 : i32 to vector<16xi32>
    %select_n3A_1174 = arith.select %eq3A_1168, %add3A_1171, %broadcast_in_dim3A_1173 : vector<16xi1>, vector<16xi32>
    %min3A_1175 = arith.minsi %min3A_1167, %select_n3A_1174 : vector<16xi32>
    %eq3A_1176 = arith.cmpf oeq, %select_n3A_1012, %max3A_1128 : vector<16xf32>
    %add3A_1177 = arith.constant 96 : i32
    %add3A_1178 = vector.broadcast %add3A_1177 : i32 to vector<16xi32>
    %add3A_1179 = arith.addi %iota3A, %add3A_1178 : vector<16xi32>
    %broadcast_in_dim3A_1180 = arith.constant 1073741824 : i32
    %broadcast_in_dim3A_1181 = vector.broadcast %broadcast_in_dim3A_1180 : i32 to vector<16xi32>
    %select_n3A_1182 = arith.select %eq3A_1176, %add3A_1179, %broadcast_in_dim3A_1181 : vector<16xi1>, vector<16xi32>
    %min3A_1183 = arith.minsi %min3A_1175, %select_n3A_1182 : vector<16xi32>
    %eq3A_1184 = arith.cmpf oeq, %select_n3A_1017, %max3A_1128 : vector<16xf32>
    %add3A_1185 = arith.constant 112 : i32
    %add3A_1186 = vector.broadcast %add3A_1185 : i32 to vector<16xi32>
    %add3A_1187 = arith.addi %iota3A, %add3A_1186 : vector<16xi32>
    %broadcast_in_dim3A_1188 = arith.constant 1073741824 : i32
    %broadcast_in_dim3A_1189 = vector.broadcast %broadcast_in_dim3A_1188 : i32 to vector<16xi32>
    %select_n3A_1190 = arith.select %eq3A_1184, %add3A_1187, %broadcast_in_dim3A_1189 : vector<16xi1>, vector<16xi32>
    %min3A_1191 = arith.minsi %min3A_1183, %select_n3A_1190 : vector<16xi32>
    %eq3A_1192 = arith.cmpf oeq, %select_n3A_1022, %max3A_1128 : vector<16xf32>
    %add3A_1193 = arith.constant 128 : i32
    %add3A_1194 = vector.broadcast %add3A_1193 : i32 to vector<16xi32>
    %add3A_1195 = arith.addi %iota3A, %add3A_1194 : vector<16xi32>
    %broadcast_in_dim3A_1196 = arith.constant 1073741824 : i32
    %broadcast_in_dim3A_1197 = vector.broadcast %broadcast_in_dim3A_1196 : i32 to vector<16xi32>
    %select_n3A_1198 = arith.select %eq3A_1192, %add3A_1195, %broadcast_in_dim3A_1197 : vector<16xi1>, vector<16xi32>
    %min3A_1199 = arith.minsi %min3A_1191, %select_n3A_1198 : vector<16xi32>
    %eq3A_1200 = arith.cmpf oeq, %select_n3A_1027, %max3A_1128 : vector<16xf32>
    %add3A_1201 = arith.constant 144 : i32
    %add3A_1202 = vector.broadcast %add3A_1201 : i32 to vector<16xi32>
    %add3A_1203 = arith.addi %iota3A, %add3A_1202 : vector<16xi32>
    %broadcast_in_dim3A_1204 = arith.constant 1073741824 : i32
    %broadcast_in_dim3A_1205 = vector.broadcast %broadcast_in_dim3A_1204 : i32 to vector<16xi32>
    %select_n3A_1206 = arith.select %eq3A_1200, %add3A_1203, %broadcast_in_dim3A_1205 : vector<16xi1>, vector<16xi32>
    %min3A_1207 = arith.minsi %min3A_1199, %select_n3A_1206 : vector<16xi32>
    %eq3A_1208 = arith.cmpf oeq, %select_n3A_1032, %max3A_1128 : vector<16xf32>
    %add3A_1209 = arith.constant 160 : i32
    %add3A_1210 = vector.broadcast %add3A_1209 : i32 to vector<16xi32>
    %add3A_1211 = arith.addi %iota3A, %add3A_1210 : vector<16xi32>
    %broadcast_in_dim3A_1212 = arith.constant 1073741824 : i32
    %broadcast_in_dim3A_1213 = vector.broadcast %broadcast_in_dim3A_1212 : i32 to vector<16xi32>
    %select_n3A_1214 = arith.select %eq3A_1208, %add3A_1211, %broadcast_in_dim3A_1213 : vector<16xi1>, vector<16xi32>
    %min3A_1215 = arith.minsi %min3A_1207, %select_n3A_1214 : vector<16xi32>
    %eq3A_1216 = arith.cmpf oeq, %select_n3A_1037, %max3A_1128 : vector<16xf32>
    %add3A_1217 = arith.constant 176 : i32
    %add3A_1218 = vector.broadcast %add3A_1217 : i32 to vector<16xi32>
    %add3A_1219 = arith.addi %iota3A, %add3A_1218 : vector<16xi32>
    %broadcast_in_dim3A_1220 = arith.constant 1073741824 : i32
    %broadcast_in_dim3A_1221 = vector.broadcast %broadcast_in_dim3A_1220 : i32 to vector<16xi32>
    %select_n3A_1222 = arith.select %eq3A_1216, %add3A_1219, %broadcast_in_dim3A_1221 : vector<16xi1>, vector<16xi32>
    %min3A_1223 = arith.minsi %min3A_1215, %select_n3A_1222 : vector<16xi32>
    %eq3A_1224 = arith.cmpf oeq, %select_n3A_1042, %max3A_1128 : vector<16xf32>
    %add3A_1225 = arith.constant 192 : i32
    %add3A_1226 = vector.broadcast %add3A_1225 : i32 to vector<16xi32>
    %add3A_1227 = arith.addi %iota3A, %add3A_1226 : vector<16xi32>
    %broadcast_in_dim3A_1228 = arith.constant 1073741824 : i32
    %broadcast_in_dim3A_1229 = vector.broadcast %broadcast_in_dim3A_1228 : i32 to vector<16xi32>
    %select_n3A_1230 = arith.select %eq3A_1224, %add3A_1227, %broadcast_in_dim3A_1229 : vector<16xi1>, vector<16xi32>
    %min3A_1231 = arith.minsi %min3A_1223, %select_n3A_1230 : vector<16xi32>
    %eq3A_1232 = arith.cmpf oeq, %select_n3A_1047, %max3A_1128 : vector<16xf32>
    %add3A_1233 = arith.constant 208 : i32
    %add3A_1234 = vector.broadcast %add3A_1233 : i32 to vector<16xi32>
    %add3A_1235 = arith.addi %iota3A, %add3A_1234 : vector<16xi32>
    %broadcast_in_dim3A_1236 = arith.constant 1073741824 : i32
    %broadcast_in_dim3A_1237 = vector.broadcast %broadcast_in_dim3A_1236 : i32 to vector<16xi32>
    %select_n3A_1238 = arith.select %eq3A_1232, %add3A_1235, %broadcast_in_dim3A_1237 : vector<16xi1>, vector<16xi32>
    %min3A_1239 = arith.minsi %min3A_1231, %select_n3A_1238 : vector<16xi32>
    %eq3A_1240 = arith.cmpf oeq, %select_n3A_1052, %max3A_1128 : vector<16xf32>
    %add3A_1241 = arith.constant 224 : i32
    %add3A_1242 = vector.broadcast %add3A_1241 : i32 to vector<16xi32>
    %add3A_1243 = arith.addi %iota3A, %add3A_1242 : vector<16xi32>
    %broadcast_in_dim3A_1244 = arith.constant 1073741824 : i32
    %broadcast_in_dim3A_1245 = vector.broadcast %broadcast_in_dim3A_1244 : i32 to vector<16xi32>
    %select_n3A_1246 = arith.select %eq3A_1240, %add3A_1243, %broadcast_in_dim3A_1245 : vector<16xi1>, vector<16xi32>
    %min3A_1247 = arith.minsi %min3A_1239, %select_n3A_1246 : vector<16xi32>
    %eq3A_1248 = arith.cmpf oeq, %select_n3A_1057, %max3A_1128 : vector<16xf32>
    %add3A_1249 = arith.constant 240 : i32
    %add3A_1250 = vector.broadcast %add3A_1249 : i32 to vector<16xi32>
    %add3A_1251 = arith.addi %iota3A, %add3A_1250 : vector<16xi32>
    %broadcast_in_dim3A_1252 = arith.constant 1073741824 : i32
    %broadcast_in_dim3A_1253 = vector.broadcast %broadcast_in_dim3A_1252 : i32 to vector<16xi32>
    %select_n3A_1254 = arith.select %eq3A_1248, %add3A_1251, %broadcast_in_dim3A_1253 : vector<16xi1>, vector<16xi32>
    %min3A_1255 = arith.minsi %min3A_1247, %select_n3A_1254 : vector<16xi32>
    %xor3A_1256 = arith.constant 8 : i32
    %xor3A_1257 = vector.broadcast %xor3A_1256 : i32 to vector<16xi32>
    %xor3A_1258 = arith.xori %iota3A, %xor3A_1257 : vector<16xi32>
    %lt3A_1259 = arith.constant 0 : i32
    %lt3A_1260 = vector.broadcast %lt3A_1259 : i32 to vector<16xi32>
    %lt3A_1261 = arith.cmpi slt, %xor3A_1258, %lt3A_1260 : vector<16xi32>
    %add3A_1262 = arith.constant 16 : i32
    %add3A_1263 = vector.broadcast %add3A_1262 : i32 to vector<16xi32>
    %add3A_1264 = arith.addi %xor3A_1258, %add3A_1263 : vector<16xi32>
    %select_n3A_1265 = arith.select %lt3A_1261, %add3A_1264, %xor3A_1258 : vector<16xi1>, vector<16xi32>
    %broadcast_in_dim3A_1266 = vector.shape_cast %select_n3A_1265 : vector<16xi32> to vector<16x1xi32>
    %gather3A_1267 = vector.shape_cast %broadcast_in_dim3A_1266 : vector<16x1xi32> to vector<16xi32>
    %gather3A_1268 = tpu.dynamic_gather %min3A_1255[%gather3A_1267] in [0] : vector<16xi32>, vector<16xi32> -> vector<16xi32>
    %min3A_1269 = arith.minsi %min3A_1255, %gather3A_1268 : vector<16xi32>
    %xor3A_1270 = arith.constant 4 : i32
    %xor3A_1271 = vector.broadcast %xor3A_1270 : i32 to vector<16xi32>
    %xor3A_1272 = arith.xori %iota3A, %xor3A_1271 : vector<16xi32>
    %lt3A_1273 = arith.constant 0 : i32
    %lt3A_1274 = vector.broadcast %lt3A_1273 : i32 to vector<16xi32>
    %lt3A_1275 = arith.cmpi slt, %xor3A_1272, %lt3A_1274 : vector<16xi32>
    %add3A_1276 = arith.constant 16 : i32
    %add3A_1277 = vector.broadcast %add3A_1276 : i32 to vector<16xi32>
    %add3A_1278 = arith.addi %xor3A_1272, %add3A_1277 : vector<16xi32>
    %select_n3A_1279 = arith.select %lt3A_1275, %add3A_1278, %xor3A_1272 : vector<16xi1>, vector<16xi32>
    %broadcast_in_dim3A_1280 = vector.shape_cast %select_n3A_1279 : vector<16xi32> to vector<16x1xi32>
    %gather3A_1281 = vector.shape_cast %broadcast_in_dim3A_1280 : vector<16x1xi32> to vector<16xi32>
    %gather3A_1282 = tpu.dynamic_gather %min3A_1269[%gather3A_1281] in [0] : vector<16xi32>, vector<16xi32> -> vector<16xi32>
    %min3A_1283 = arith.minsi %min3A_1269, %gather3A_1282 : vector<16xi32>
    %xor3A_1284 = arith.constant 2 : i32
    %xor3A_1285 = vector.broadcast %xor3A_1284 : i32 to vector<16xi32>
    %xor3A_1286 = arith.xori %iota3A, %xor3A_1285 : vector<16xi32>
    %lt3A_1287 = arith.constant 0 : i32
    %lt3A_1288 = vector.broadcast %lt3A_1287 : i32 to vector<16xi32>
    %lt3A_1289 = arith.cmpi slt, %xor3A_1286, %lt3A_1288 : vector<16xi32>
    %add3A_1290 = arith.constant 16 : i32
    %add3A_1291 = vector.broadcast %add3A_1290 : i32 to vector<16xi32>
    %add3A_1292 = arith.addi %xor3A_1286, %add3A_1291 : vector<16xi32>
    %select_n3A_1293 = arith.select %lt3A_1289, %add3A_1292, %xor3A_1286 : vector<16xi1>, vector<16xi32>
    %broadcast_in_dim3A_1294 = vector.shape_cast %select_n3A_1293 : vector<16xi32> to vector<16x1xi32>
    %gather3A_1295 = vector.shape_cast %broadcast_in_dim3A_1294 : vector<16x1xi32> to vector<16xi32>
    %gather3A_1296 = tpu.dynamic_gather %min3A_1283[%gather3A_1295] in [0] : vector<16xi32>, vector<16xi32> -> vector<16xi32>
    %min3A_1297 = arith.minsi %min3A_1283, %gather3A_1296 : vector<16xi32>
    %xor3A_1298 = arith.constant 1 : i32
    %xor3A_1299 = vector.broadcast %xor3A_1298 : i32 to vector<16xi32>
    %xor3A_1300 = arith.xori %iota3A, %xor3A_1299 : vector<16xi32>
    %lt3A_1301 = arith.constant 0 : i32
    %lt3A_1302 = vector.broadcast %lt3A_1301 : i32 to vector<16xi32>
    %lt3A_1303 = arith.cmpi slt, %xor3A_1300, %lt3A_1302 : vector<16xi32>
    %add3A_1304 = arith.constant 16 : i32
    %add3A_1305 = vector.broadcast %add3A_1304 : i32 to vector<16xi32>
    %add3A_1306 = arith.addi %xor3A_1300, %add3A_1305 : vector<16xi32>
    %select_n3A_1307 = arith.select %lt3A_1303, %add3A_1306, %xor3A_1300 : vector<16xi1>, vector<16xi32>
    %broadcast_in_dim3A_1308 = vector.shape_cast %select_n3A_1307 : vector<16xi32> to vector<16x1xi32>
    %gather3A_1309 = vector.shape_cast %broadcast_in_dim3A_1308 : vector<16x1xi32> to vector<16xi32>
    %gather3A_1310 = tpu.dynamic_gather %min3A_1297[%gather3A_1309] in [0] : vector<16xi32>, vector<16xi32> -> vector<16xi32>
    %min3A_1311 = arith.minsi %min3A_1297, %gather3A_1310 : vector<16xi32>
    %eq3A_1312 = arith.constant 3 : i32
    %eq3A_1313 = vector.broadcast %eq3A_1312 : i32 to vector<16xi32>
    %eq3A_1314 = arith.cmpi eq, %iota3A, %eq3A_1313 : vector<16xi32>
    %select_n3A_1315 = arith.select %eq3A_1314, %min3A_1311, %select_n3A_977 : vector<16xi1>, vector<16xi32>
    %add3A_1316 = arith.constant 0 : i32
    %add3A_1317 = vector.broadcast %add3A_1316 : i32 to vector<16xi32>
    %add3A_1318 = arith.addi %iota3A, %add3A_1317 : vector<16xi32>
    %eq3A_1319 = arith.cmpi eq, %add3A_1318, %min3A_1311 : vector<16xi32>
    %select_n3A_1320 = arith.select %eq3A_1319, %broadcast_in_dim3A_48, %select_n3A_982 : vector<16xi1>, vector<16xf32>
    %add3A_1321 = arith.constant 16 : i32
    %add3A_1322 = vector.broadcast %add3A_1321 : i32 to vector<16xi32>
    %add3A_1323 = arith.addi %iota3A, %add3A_1322 : vector<16xi32>
    %eq3A_1324 = arith.cmpi eq, %add3A_1323, %min3A_1311 : vector<16xi32>
    %select_n3A_1325 = arith.select %eq3A_1324, %broadcast_in_dim3A_48, %select_n3A_987 : vector<16xi1>, vector<16xf32>
    %add3A_1326 = arith.constant 32 : i32
    %add3A_1327 = vector.broadcast %add3A_1326 : i32 to vector<16xi32>
    %add3A_1328 = arith.addi %iota3A, %add3A_1327 : vector<16xi32>
    %eq3A_1329 = arith.cmpi eq, %add3A_1328, %min3A_1311 : vector<16xi32>
    %select_n3A_1330 = arith.select %eq3A_1329, %broadcast_in_dim3A_48, %select_n3A_992 : vector<16xi1>, vector<16xf32>
    %add3A_1331 = arith.constant 48 : i32
    %add3A_1332 = vector.broadcast %add3A_1331 : i32 to vector<16xi32>
    %add3A_1333 = arith.addi %iota3A, %add3A_1332 : vector<16xi32>
    %eq3A_1334 = arith.cmpi eq, %add3A_1333, %min3A_1311 : vector<16xi32>
    %select_n3A_1335 = arith.select %eq3A_1334, %broadcast_in_dim3A_48, %select_n3A_997 : vector<16xi1>, vector<16xf32>
    %add3A_1336 = arith.constant 64 : i32
    %add3A_1337 = vector.broadcast %add3A_1336 : i32 to vector<16xi32>
    %add3A_1338 = arith.addi %iota3A, %add3A_1337 : vector<16xi32>
    %eq3A_1339 = arith.cmpi eq, %add3A_1338, %min3A_1311 : vector<16xi32>
    %select_n3A_1340 = arith.select %eq3A_1339, %broadcast_in_dim3A_48, %select_n3A_1002 : vector<16xi1>, vector<16xf32>
    %add3A_1341 = arith.constant 80 : i32
    %add3A_1342 = vector.broadcast %add3A_1341 : i32 to vector<16xi32>
    %add3A_1343 = arith.addi %iota3A, %add3A_1342 : vector<16xi32>
    %eq3A_1344 = arith.cmpi eq, %add3A_1343, %min3A_1311 : vector<16xi32>
    %select_n3A_1345 = arith.select %eq3A_1344, %broadcast_in_dim3A_48, %select_n3A_1007 : vector<16xi1>, vector<16xf32>
    %add3A_1346 = arith.constant 96 : i32
    %add3A_1347 = vector.broadcast %add3A_1346 : i32 to vector<16xi32>
    %add3A_1348 = arith.addi %iota3A, %add3A_1347 : vector<16xi32>
    %eq3A_1349 = arith.cmpi eq, %add3A_1348, %min3A_1311 : vector<16xi32>
    %select_n3A_1350 = arith.select %eq3A_1349, %broadcast_in_dim3A_48, %select_n3A_1012 : vector<16xi1>, vector<16xf32>
    %add3A_1351 = arith.constant 112 : i32
    %add3A_1352 = vector.broadcast %add3A_1351 : i32 to vector<16xi32>
    %add3A_1353 = arith.addi %iota3A, %add3A_1352 : vector<16xi32>
    %eq3A_1354 = arith.cmpi eq, %add3A_1353, %min3A_1311 : vector<16xi32>
    %select_n3A_1355 = arith.select %eq3A_1354, %broadcast_in_dim3A_48, %select_n3A_1017 : vector<16xi1>, vector<16xf32>
    %add3A_1356 = arith.constant 128 : i32
    %add3A_1357 = vector.broadcast %add3A_1356 : i32 to vector<16xi32>
    %add3A_1358 = arith.addi %iota3A, %add3A_1357 : vector<16xi32>
    %eq3A_1359 = arith.cmpi eq, %add3A_1358, %min3A_1311 : vector<16xi32>
    %select_n3A_1360 = arith.select %eq3A_1359, %broadcast_in_dim3A_48, %select_n3A_1022 : vector<16xi1>, vector<16xf32>
    %add3A_1361 = arith.constant 144 : i32
    %add3A_1362 = vector.broadcast %add3A_1361 : i32 to vector<16xi32>
    %add3A_1363 = arith.addi %iota3A, %add3A_1362 : vector<16xi32>
    %eq3A_1364 = arith.cmpi eq, %add3A_1363, %min3A_1311 : vector<16xi32>
    %select_n3A_1365 = arith.select %eq3A_1364, %broadcast_in_dim3A_48, %select_n3A_1027 : vector<16xi1>, vector<16xf32>
    %add3A_1366 = arith.constant 160 : i32
    %add3A_1367 = vector.broadcast %add3A_1366 : i32 to vector<16xi32>
    %add3A_1368 = arith.addi %iota3A, %add3A_1367 : vector<16xi32>
    %eq3A_1369 = arith.cmpi eq, %add3A_1368, %min3A_1311 : vector<16xi32>
    %select_n3A_1370 = arith.select %eq3A_1369, %broadcast_in_dim3A_48, %select_n3A_1032 : vector<16xi1>, vector<16xf32>
    %add3A_1371 = arith.constant 176 : i32
    %add3A_1372 = vector.broadcast %add3A_1371 : i32 to vector<16xi32>
    %add3A_1373 = arith.addi %iota3A, %add3A_1372 : vector<16xi32>
    %eq3A_1374 = arith.cmpi eq, %add3A_1373, %min3A_1311 : vector<16xi32>
    %select_n3A_1375 = arith.select %eq3A_1374, %broadcast_in_dim3A_48, %select_n3A_1037 : vector<16xi1>, vector<16xf32>
    %add3A_1376 = arith.constant 192 : i32
    %add3A_1377 = vector.broadcast %add3A_1376 : i32 to vector<16xi32>
    %add3A_1378 = arith.addi %iota3A, %add3A_1377 : vector<16xi32>
    %eq3A_1379 = arith.cmpi eq, %add3A_1378, %min3A_1311 : vector<16xi32>
    %select_n3A_1380 = arith.select %eq3A_1379, %broadcast_in_dim3A_48, %select_n3A_1042 : vector<16xi1>, vector<16xf32>
    %add3A_1381 = arith.constant 208 : i32
    %add3A_1382 = vector.broadcast %add3A_1381 : i32 to vector<16xi32>
    %add3A_1383 = arith.addi %iota3A, %add3A_1382 : vector<16xi32>
    %eq3A_1384 = arith.cmpi eq, %add3A_1383, %min3A_1311 : vector<16xi32>
    %select_n3A_1385 = arith.select %eq3A_1384, %broadcast_in_dim3A_48, %select_n3A_1047 : vector<16xi1>, vector<16xf32>
    %add3A_1386 = arith.constant 224 : i32
    %add3A_1387 = vector.broadcast %add3A_1386 : i32 to vector<16xi32>
    %add3A_1388 = arith.addi %iota3A, %add3A_1387 : vector<16xi32>
    %eq3A_1389 = arith.cmpi eq, %add3A_1388, %min3A_1311 : vector<16xi32>
    %select_n3A_1390 = arith.select %eq3A_1389, %broadcast_in_dim3A_48, %select_n3A_1052 : vector<16xi1>, vector<16xf32>
    %add3A_1391 = arith.constant 240 : i32
    %add3A_1392 = vector.broadcast %add3A_1391 : i32 to vector<16xi32>
    %add3A_1393 = arith.addi %iota3A, %add3A_1392 : vector<16xi32>
    %eq3A_1394 = arith.cmpi eq, %add3A_1393, %min3A_1311 : vector<16xi32>
    %select_n3A_1395 = arith.select %eq3A_1394, %broadcast_in_dim3A_48, %select_n3A_1057 : vector<16xi1>, vector<16xf32>
    %max3A_1396 = arith.maximumf %select_n3A_1320, %select_n3A_1325 : vector<16xf32>
    %max3A_1397 = arith.maximumf %max3A_1396, %select_n3A_1330 : vector<16xf32>
    %max3A_1398 = arith.maximumf %max3A_1397, %select_n3A_1335 : vector<16xf32>
    %max3A_1399 = arith.maximumf %max3A_1398, %select_n3A_1340 : vector<16xf32>
    %max3A_1400 = arith.maximumf %max3A_1399, %select_n3A_1345 : vector<16xf32>
    %max3A_1401 = arith.maximumf %max3A_1400, %select_n3A_1350 : vector<16xf32>
    %max3A_1402 = arith.maximumf %max3A_1401, %select_n3A_1355 : vector<16xf32>
    %max3A_1403 = arith.maximumf %max3A_1402, %select_n3A_1360 : vector<16xf32>
    %max3A_1404 = arith.maximumf %max3A_1403, %select_n3A_1365 : vector<16xf32>
    %max3A_1405 = arith.maximumf %max3A_1404, %select_n3A_1370 : vector<16xf32>
    %max3A_1406 = arith.maximumf %max3A_1405, %select_n3A_1375 : vector<16xf32>
    %max3A_1407 = arith.maximumf %max3A_1406, %select_n3A_1380 : vector<16xf32>
    %max3A_1408 = arith.maximumf %max3A_1407, %select_n3A_1385 : vector<16xf32>
    %max3A_1409 = arith.maximumf %max3A_1408, %select_n3A_1390 : vector<16xf32>
    %max3A_1410 = arith.maximumf %max3A_1409, %select_n3A_1395 : vector<16xf32>
    %xor3A_1411 = arith.constant 8 : i32
    %xor3A_1412 = vector.broadcast %xor3A_1411 : i32 to vector<16xi32>
    %xor3A_1413 = arith.xori %iota3A, %xor3A_1412 : vector<16xi32>
    %lt3A_1414 = arith.constant 0 : i32
    %lt3A_1415 = vector.broadcast %lt3A_1414 : i32 to vector<16xi32>
    %lt3A_1416 = arith.cmpi slt, %xor3A_1413, %lt3A_1415 : vector<16xi32>
    %add3A_1417 = arith.constant 16 : i32
    %add3A_1418 = vector.broadcast %add3A_1417 : i32 to vector<16xi32>
    %add3A_1419 = arith.addi %xor3A_1413, %add3A_1418 : vector<16xi32>
    %select_n3A_1420 = arith.select %lt3A_1416, %add3A_1419, %xor3A_1413 : vector<16xi1>, vector<16xi32>
    %broadcast_in_dim3A_1421 = vector.shape_cast %select_n3A_1420 : vector<16xi32> to vector<16x1xi32>
    %gather3A_1422 = vector.shape_cast %broadcast_in_dim3A_1421 : vector<16x1xi32> to vector<16xi32>
    %gather3A_1423 = tpu.dynamic_gather %max3A_1410[%gather3A_1422] in [0] : vector<16xf32>, vector<16xi32> -> vector<16xf32>
    %max3A_1424 = arith.maximumf %max3A_1410, %gather3A_1423 : vector<16xf32>
    %xor3A_1425 = arith.constant 4 : i32
    %xor3A_1426 = vector.broadcast %xor3A_1425 : i32 to vector<16xi32>
    %xor3A_1427 = arith.xori %iota3A, %xor3A_1426 : vector<16xi32>
    %lt3A_1428 = arith.constant 0 : i32
    %lt3A_1429 = vector.broadcast %lt3A_1428 : i32 to vector<16xi32>
    %lt3A_1430 = arith.cmpi slt, %xor3A_1427, %lt3A_1429 : vector<16xi32>
    %add3A_1431 = arith.constant 16 : i32
    %add3A_1432 = vector.broadcast %add3A_1431 : i32 to vector<16xi32>
    %add3A_1433 = arith.addi %xor3A_1427, %add3A_1432 : vector<16xi32>
    %select_n3A_1434 = arith.select %lt3A_1430, %add3A_1433, %xor3A_1427 : vector<16xi1>, vector<16xi32>
    %broadcast_in_dim3A_1435 = vector.shape_cast %select_n3A_1434 : vector<16xi32> to vector<16x1xi32>
    %gather3A_1436 = vector.shape_cast %broadcast_in_dim3A_1435 : vector<16x1xi32> to vector<16xi32>
    %gather3A_1437 = tpu.dynamic_gather %max3A_1424[%gather3A_1436] in [0] : vector<16xf32>, vector<16xi32> -> vector<16xf32>
    %max3A_1438 = arith.maximumf %max3A_1424, %gather3A_1437 : vector<16xf32>
    %xor3A_1439 = arith.constant 2 : i32
    %xor3A_1440 = vector.broadcast %xor3A_1439 : i32 to vector<16xi32>
    %xor3A_1441 = arith.xori %iota3A, %xor3A_1440 : vector<16xi32>
    %lt3A_1442 = arith.constant 0 : i32
    %lt3A_1443 = vector.broadcast %lt3A_1442 : i32 to vector<16xi32>
    %lt3A_1444 = arith.cmpi slt, %xor3A_1441, %lt3A_1443 : vector<16xi32>
    %add3A_1445 = arith.constant 16 : i32
    %add3A_1446 = vector.broadcast %add3A_1445 : i32 to vector<16xi32>
    %add3A_1447 = arith.addi %xor3A_1441, %add3A_1446 : vector<16xi32>
    %select_n3A_1448 = arith.select %lt3A_1444, %add3A_1447, %xor3A_1441 : vector<16xi1>, vector<16xi32>
    %broadcast_in_dim3A_1449 = vector.shape_cast %select_n3A_1448 : vector<16xi32> to vector<16x1xi32>
    %gather3A_1450 = vector.shape_cast %broadcast_in_dim3A_1449 : vector<16x1xi32> to vector<16xi32>
    %gather3A_1451 = tpu.dynamic_gather %max3A_1438[%gather3A_1450] in [0] : vector<16xf32>, vector<16xi32> -> vector<16xf32>
    %max3A_1452 = arith.maximumf %max3A_1438, %gather3A_1451 : vector<16xf32>
    %xor3A_1453 = arith.constant 1 : i32
    %xor3A_1454 = vector.broadcast %xor3A_1453 : i32 to vector<16xi32>
    %xor3A_1455 = arith.xori %iota3A, %xor3A_1454 : vector<16xi32>
    %lt3A_1456 = arith.constant 0 : i32
    %lt3A_1457 = vector.broadcast %lt3A_1456 : i32 to vector<16xi32>
    %lt3A_1458 = arith.cmpi slt, %xor3A_1455, %lt3A_1457 : vector<16xi32>
    %add3A_1459 = arith.constant 16 : i32
    %add3A_1460 = vector.broadcast %add3A_1459 : i32 to vector<16xi32>
    %add3A_1461 = arith.addi %xor3A_1455, %add3A_1460 : vector<16xi32>
    %select_n3A_1462 = arith.select %lt3A_1458, %add3A_1461, %xor3A_1455 : vector<16xi1>, vector<16xi32>
    %broadcast_in_dim3A_1463 = vector.shape_cast %select_n3A_1462 : vector<16xi32> to vector<16x1xi32>
    %gather3A_1464 = vector.shape_cast %broadcast_in_dim3A_1463 : vector<16x1xi32> to vector<16xi32>
    %gather3A_1465 = tpu.dynamic_gather %max3A_1452[%gather3A_1464] in [0] : vector<16xf32>, vector<16xi32> -> vector<16xf32>
    %max3A_1466 = arith.maximumf %max3A_1452, %gather3A_1465 : vector<16xf32>
    %eq3A_1467 = arith.cmpf oeq, %select_n3A_1320, %max3A_1466 : vector<16xf32>
    %add3A_1468 = arith.constant 0 : i32
    %add3A_1469 = vector.broadcast %add3A_1468 : i32 to vector<16xi32>
    %add3A_1470 = arith.addi %iota3A, %add3A_1469 : vector<16xi32>
    %broadcast_in_dim3A_1471 = arith.constant 1073741824 : i32
    %broadcast_in_dim3A_1472 = vector.broadcast %broadcast_in_dim3A_1471 : i32 to vector<16xi32>
    %select_n3A_1473 = arith.select %eq3A_1467, %add3A_1470, %broadcast_in_dim3A_1472 : vector<16xi1>, vector<16xi32>
    %eq3A_1474 = arith.cmpf oeq, %select_n3A_1325, %max3A_1466 : vector<16xf32>
    %add3A_1475 = arith.constant 16 : i32
    %add3A_1476 = vector.broadcast %add3A_1475 : i32 to vector<16xi32>
    %add3A_1477 = arith.addi %iota3A, %add3A_1476 : vector<16xi32>
    %broadcast_in_dim3A_1478 = arith.constant 1073741824 : i32
    %broadcast_in_dim3A_1479 = vector.broadcast %broadcast_in_dim3A_1478 : i32 to vector<16xi32>
    %select_n3A_1480 = arith.select %eq3A_1474, %add3A_1477, %broadcast_in_dim3A_1479 : vector<16xi1>, vector<16xi32>
    %min3A_1481 = arith.minsi %select_n3A_1473, %select_n3A_1480 : vector<16xi32>
    %eq3A_1482 = arith.cmpf oeq, %select_n3A_1330, %max3A_1466 : vector<16xf32>
    %add3A_1483 = arith.constant 32 : i32
    %add3A_1484 = vector.broadcast %add3A_1483 : i32 to vector<16xi32>
    %add3A_1485 = arith.addi %iota3A, %add3A_1484 : vector<16xi32>
    %broadcast_in_dim3A_1486 = arith.constant 1073741824 : i32
    %broadcast_in_dim3A_1487 = vector.broadcast %broadcast_in_dim3A_1486 : i32 to vector<16xi32>
    %select_n3A_1488 = arith.select %eq3A_1482, %add3A_1485, %broadcast_in_dim3A_1487 : vector<16xi1>, vector<16xi32>
    %min3A_1489 = arith.minsi %min3A_1481, %select_n3A_1488 : vector<16xi32>
    %eq3A_1490 = arith.cmpf oeq, %select_n3A_1335, %max3A_1466 : vector<16xf32>
    %add3A_1491 = arith.constant 48 : i32
    %add3A_1492 = vector.broadcast %add3A_1491 : i32 to vector<16xi32>
    %add3A_1493 = arith.addi %iota3A, %add3A_1492 : vector<16xi32>
    %broadcast_in_dim3A_1494 = arith.constant 1073741824 : i32
    %broadcast_in_dim3A_1495 = vector.broadcast %broadcast_in_dim3A_1494 : i32 to vector<16xi32>
    %select_n3A_1496 = arith.select %eq3A_1490, %add3A_1493, %broadcast_in_dim3A_1495 : vector<16xi1>, vector<16xi32>
    %min3A_1497 = arith.minsi %min3A_1489, %select_n3A_1496 : vector<16xi32>
    %eq3A_1498 = arith.cmpf oeq, %select_n3A_1340, %max3A_1466 : vector<16xf32>
    %add3A_1499 = arith.constant 64 : i32
    %add3A_1500 = vector.broadcast %add3A_1499 : i32 to vector<16xi32>
    %add3A_1501 = arith.addi %iota3A, %add3A_1500 : vector<16xi32>
    %broadcast_in_dim3A_1502 = arith.constant 1073741824 : i32
    %broadcast_in_dim3A_1503 = vector.broadcast %broadcast_in_dim3A_1502 : i32 to vector<16xi32>
    %select_n3A_1504 = arith.select %eq3A_1498, %add3A_1501, %broadcast_in_dim3A_1503 : vector<16xi1>, vector<16xi32>
    %min3A_1505 = arith.minsi %min3A_1497, %select_n3A_1504 : vector<16xi32>
    %eq3A_1506 = arith.cmpf oeq, %select_n3A_1345, %max3A_1466 : vector<16xf32>
    %add3A_1507 = arith.constant 80 : i32
    %add3A_1508 = vector.broadcast %add3A_1507 : i32 to vector<16xi32>
    %add3A_1509 = arith.addi %iota3A, %add3A_1508 : vector<16xi32>
    %broadcast_in_dim3A_1510 = arith.constant 1073741824 : i32
    %broadcast_in_dim3A_1511 = vector.broadcast %broadcast_in_dim3A_1510 : i32 to vector<16xi32>
    %select_n3A_1512 = arith.select %eq3A_1506, %add3A_1509, %broadcast_in_dim3A_1511 : vector<16xi1>, vector<16xi32>
    %min3A_1513 = arith.minsi %min3A_1505, %select_n3A_1512 : vector<16xi32>
    %eq3A_1514 = arith.cmpf oeq, %select_n3A_1350, %max3A_1466 : vector<16xf32>
    %add3A_1515 = arith.constant 96 : i32
    %add3A_1516 = vector.broadcast %add3A_1515 : i32 to vector<16xi32>
    %add3A_1517 = arith.addi %iota3A, %add3A_1516 : vector<16xi32>
    %broadcast_in_dim3A_1518 = arith.constant 1073741824 : i32
    %broadcast_in_dim3A_1519 = vector.broadcast %broadcast_in_dim3A_1518 : i32 to vector<16xi32>
    %select_n3A_1520 = arith.select %eq3A_1514, %add3A_1517, %broadcast_in_dim3A_1519 : vector<16xi1>, vector<16xi32>
    %min3A_1521 = arith.minsi %min3A_1513, %select_n3A_1520 : vector<16xi32>
    %eq3A_1522 = arith.cmpf oeq, %select_n3A_1355, %max3A_1466 : vector<16xf32>
    %add3A_1523 = arith.constant 112 : i32
    %add3A_1524 = vector.broadcast %add3A_1523 : i32 to vector<16xi32>
    %add3A_1525 = arith.addi %iota3A, %add3A_1524 : vector<16xi32>
    %broadcast_in_dim3A_1526 = arith.constant 1073741824 : i32
    %broadcast_in_dim3A_1527 = vector.broadcast %broadcast_in_dim3A_1526 : i32 to vector<16xi32>
    %select_n3A_1528 = arith.select %eq3A_1522, %add3A_1525, %broadcast_in_dim3A_1527 : vector<16xi1>, vector<16xi32>
    %min3A_1529 = arith.minsi %min3A_1521, %select_n3A_1528 : vector<16xi32>
    %eq3A_1530 = arith.cmpf oeq, %select_n3A_1360, %max3A_1466 : vector<16xf32>
    %add3A_1531 = arith.constant 128 : i32
    %add3A_1532 = vector.broadcast %add3A_1531 : i32 to vector<16xi32>
    %add3A_1533 = arith.addi %iota3A, %add3A_1532 : vector<16xi32>
    %broadcast_in_dim3A_1534 = arith.constant 1073741824 : i32
    %broadcast_in_dim3A_1535 = vector.broadcast %broadcast_in_dim3A_1534 : i32 to vector<16xi32>
    %select_n3A_1536 = arith.select %eq3A_1530, %add3A_1533, %broadcast_in_dim3A_1535 : vector<16xi1>, vector<16xi32>
    %min3A_1537 = arith.minsi %min3A_1529, %select_n3A_1536 : vector<16xi32>
    %eq3A_1538 = arith.cmpf oeq, %select_n3A_1365, %max3A_1466 : vector<16xf32>
    %add3A_1539 = arith.constant 144 : i32
    %add3A_1540 = vector.broadcast %add3A_1539 : i32 to vector<16xi32>
    %add3A_1541 = arith.addi %iota3A, %add3A_1540 : vector<16xi32>
    %broadcast_in_dim3A_1542 = arith.constant 1073741824 : i32
    %broadcast_in_dim3A_1543 = vector.broadcast %broadcast_in_dim3A_1542 : i32 to vector<16xi32>
    %select_n3A_1544 = arith.select %eq3A_1538, %add3A_1541, %broadcast_in_dim3A_1543 : vector<16xi1>, vector<16xi32>
    %min3A_1545 = arith.minsi %min3A_1537, %select_n3A_1544 : vector<16xi32>
    %eq3A_1546 = arith.cmpf oeq, %select_n3A_1370, %max3A_1466 : vector<16xf32>
    %add3A_1547 = arith.constant 160 : i32
    %add3A_1548 = vector.broadcast %add3A_1547 : i32 to vector<16xi32>
    %add3A_1549 = arith.addi %iota3A, %add3A_1548 : vector<16xi32>
    %broadcast_in_dim3A_1550 = arith.constant 1073741824 : i32
    %broadcast_in_dim3A_1551 = vector.broadcast %broadcast_in_dim3A_1550 : i32 to vector<16xi32>
    %select_n3A_1552 = arith.select %eq3A_1546, %add3A_1549, %broadcast_in_dim3A_1551 : vector<16xi1>, vector<16xi32>
    %min3A_1553 = arith.minsi %min3A_1545, %select_n3A_1552 : vector<16xi32>
    %eq3A_1554 = arith.cmpf oeq, %select_n3A_1375, %max3A_1466 : vector<16xf32>
    %add3A_1555 = arith.constant 176 : i32
    %add3A_1556 = vector.broadcast %add3A_1555 : i32 to vector<16xi32>
    %add3A_1557 = arith.addi %iota3A, %add3A_1556 : vector<16xi32>
    %broadcast_in_dim3A_1558 = arith.constant 1073741824 : i32
    %broadcast_in_dim3A_1559 = vector.broadcast %broadcast_in_dim3A_1558 : i32 to vector<16xi32>
    %select_n3A_1560 = arith.select %eq3A_1554, %add3A_1557, %broadcast_in_dim3A_1559 : vector<16xi1>, vector<16xi32>
    %min3A_1561 = arith.minsi %min3A_1553, %select_n3A_1560 : vector<16xi32>
    %eq3A_1562 = arith.cmpf oeq, %select_n3A_1380, %max3A_1466 : vector<16xf32>
    %add3A_1563 = arith.constant 192 : i32
    %add3A_1564 = vector.broadcast %add3A_1563 : i32 to vector<16xi32>
    %add3A_1565 = arith.addi %iota3A, %add3A_1564 : vector<16xi32>
    %broadcast_in_dim3A_1566 = arith.constant 1073741824 : i32
    %broadcast_in_dim3A_1567 = vector.broadcast %broadcast_in_dim3A_1566 : i32 to vector<16xi32>
    %select_n3A_1568 = arith.select %eq3A_1562, %add3A_1565, %broadcast_in_dim3A_1567 : vector<16xi1>, vector<16xi32>
    %min3A_1569 = arith.minsi %min3A_1561, %select_n3A_1568 : vector<16xi32>
    %eq3A_1570 = arith.cmpf oeq, %select_n3A_1385, %max3A_1466 : vector<16xf32>
    %add3A_1571 = arith.constant 208 : i32
    %add3A_1572 = vector.broadcast %add3A_1571 : i32 to vector<16xi32>
    %add3A_1573 = arith.addi %iota3A, %add3A_1572 : vector<16xi32>
    %broadcast_in_dim3A_1574 = arith.constant 1073741824 : i32
    %broadcast_in_dim3A_1575 = vector.broadcast %broadcast_in_dim3A_1574 : i32 to vector<16xi32>
    %select_n3A_1576 = arith.select %eq3A_1570, %add3A_1573, %broadcast_in_dim3A_1575 : vector<16xi1>, vector<16xi32>
    %min3A_1577 = arith.minsi %min3A_1569, %select_n3A_1576 : vector<16xi32>
    %eq3A_1578 = arith.cmpf oeq, %select_n3A_1390, %max3A_1466 : vector<16xf32>
    %add3A_1579 = arith.constant 224 : i32
    %add3A_1580 = vector.broadcast %add3A_1579 : i32 to vector<16xi32>
    %add3A_1581 = arith.addi %iota3A, %add3A_1580 : vector<16xi32>
    %broadcast_in_dim3A_1582 = arith.constant 1073741824 : i32
    %broadcast_in_dim3A_1583 = vector.broadcast %broadcast_in_dim3A_1582 : i32 to vector<16xi32>
    %select_n3A_1584 = arith.select %eq3A_1578, %add3A_1581, %broadcast_in_dim3A_1583 : vector<16xi1>, vector<16xi32>
    %min3A_1585 = arith.minsi %min3A_1577, %select_n3A_1584 : vector<16xi32>
    %eq3A_1586 = arith.cmpf oeq, %select_n3A_1395, %max3A_1466 : vector<16xf32>
    %add3A_1587 = arith.constant 240 : i32
    %add3A_1588 = vector.broadcast %add3A_1587 : i32 to vector<16xi32>
    %add3A_1589 = arith.addi %iota3A, %add3A_1588 : vector<16xi32>
    %broadcast_in_dim3A_1590 = arith.constant 1073741824 : i32
    %broadcast_in_dim3A_1591 = vector.broadcast %broadcast_in_dim3A_1590 : i32 to vector<16xi32>
    %select_n3A_1592 = arith.select %eq3A_1586, %add3A_1589, %broadcast_in_dim3A_1591 : vector<16xi1>, vector<16xi32>
    %min3A_1593 = arith.minsi %min3A_1585, %select_n3A_1592 : vector<16xi32>
    %xor3A_1594 = arith.constant 8 : i32
    %xor3A_1595 = vector.broadcast %xor3A_1594 : i32 to vector<16xi32>
    %xor3A_1596 = arith.xori %iota3A, %xor3A_1595 : vector<16xi32>
    %lt3A_1597 = arith.constant 0 : i32
    %lt3A_1598 = vector.broadcast %lt3A_1597 : i32 to vector<16xi32>
    %lt3A_1599 = arith.cmpi slt, %xor3A_1596, %lt3A_1598 : vector<16xi32>
    %add3A_1600 = arith.constant 16 : i32
    %add3A_1601 = vector.broadcast %add3A_1600 : i32 to vector<16xi32>
    %add3A_1602 = arith.addi %xor3A_1596, %add3A_1601 : vector<16xi32>
    %select_n3A_1603 = arith.select %lt3A_1599, %add3A_1602, %xor3A_1596 : vector<16xi1>, vector<16xi32>
    %broadcast_in_dim3A_1604 = vector.shape_cast %select_n3A_1603 : vector<16xi32> to vector<16x1xi32>
    %gather3A_1605 = vector.shape_cast %broadcast_in_dim3A_1604 : vector<16x1xi32> to vector<16xi32>
    %gather3A_1606 = tpu.dynamic_gather %min3A_1593[%gather3A_1605] in [0] : vector<16xi32>, vector<16xi32> -> vector<16xi32>
    %min3A_1607 = arith.minsi %min3A_1593, %gather3A_1606 : vector<16xi32>
    %xor3A_1608 = arith.constant 4 : i32
    %xor3A_1609 = vector.broadcast %xor3A_1608 : i32 to vector<16xi32>
    %xor3A_1610 = arith.xori %iota3A, %xor3A_1609 : vector<16xi32>
    %lt3A_1611 = arith.constant 0 : i32
    %lt3A_1612 = vector.broadcast %lt3A_1611 : i32 to vector<16xi32>
    %lt3A_1613 = arith.cmpi slt, %xor3A_1610, %lt3A_1612 : vector<16xi32>
    %add3A_1614 = arith.constant 16 : i32
    %add3A_1615 = vector.broadcast %add3A_1614 : i32 to vector<16xi32>
    %add3A_1616 = arith.addi %xor3A_1610, %add3A_1615 : vector<16xi32>
    %select_n3A_1617 = arith.select %lt3A_1613, %add3A_1616, %xor3A_1610 : vector<16xi1>, vector<16xi32>
    %broadcast_in_dim3A_1618 = vector.shape_cast %select_n3A_1617 : vector<16xi32> to vector<16x1xi32>
    %gather3A_1619 = vector.shape_cast %broadcast_in_dim3A_1618 : vector<16x1xi32> to vector<16xi32>
    %gather3A_1620 = tpu.dynamic_gather %min3A_1607[%gather3A_1619] in [0] : vector<16xi32>, vector<16xi32> -> vector<16xi32>
    %min3A_1621 = arith.minsi %min3A_1607, %gather3A_1620 : vector<16xi32>
    %xor3A_1622 = arith.constant 2 : i32
    %xor3A_1623 = vector.broadcast %xor3A_1622 : i32 to vector<16xi32>
    %xor3A_1624 = arith.xori %iota3A, %xor3A_1623 : vector<16xi32>
    %lt3A_1625 = arith.constant 0 : i32
    %lt3A_1626 = vector.broadcast %lt3A_1625 : i32 to vector<16xi32>
    %lt3A_1627 = arith.cmpi slt, %xor3A_1624, %lt3A_1626 : vector<16xi32>
    %add3A_1628 = arith.constant 16 : i32
    %add3A_1629 = vector.broadcast %add3A_1628 : i32 to vector<16xi32>
    %add3A_1630 = arith.addi %xor3A_1624, %add3A_1629 : vector<16xi32>
    %select_n3A_1631 = arith.select %lt3A_1627, %add3A_1630, %xor3A_1624 : vector<16xi1>, vector<16xi32>
    %broadcast_in_dim3A_1632 = vector.shape_cast %select_n3A_1631 : vector<16xi32> to vector<16x1xi32>
    %gather3A_1633 = vector.shape_cast %broadcast_in_dim3A_1632 : vector<16x1xi32> to vector<16xi32>
    %gather3A_1634 = tpu.dynamic_gather %min3A_1621[%gather3A_1633] in [0] : vector<16xi32>, vector<16xi32> -> vector<16xi32>
    %min3A_1635 = arith.minsi %min3A_1621, %gather3A_1634 : vector<16xi32>
    %xor3A_1636 = arith.constant 1 : i32
    %xor3A_1637 = vector.broadcast %xor3A_1636 : i32 to vector<16xi32>
    %xor3A_1638 = arith.xori %iota3A, %xor3A_1637 : vector<16xi32>
    %lt3A_1639 = arith.constant 0 : i32
    %lt3A_1640 = vector.broadcast %lt3A_1639 : i32 to vector<16xi32>
    %lt3A_1641 = arith.cmpi slt, %xor3A_1638, %lt3A_1640 : vector<16xi32>
    %add3A_1642 = arith.constant 16 : i32
    %add3A_1643 = vector.broadcast %add3A_1642 : i32 to vector<16xi32>
    %add3A_1644 = arith.addi %xor3A_1638, %add3A_1643 : vector<16xi32>
    %select_n3A_1645 = arith.select %lt3A_1641, %add3A_1644, %xor3A_1638 : vector<16xi1>, vector<16xi32>
    %broadcast_in_dim3A_1646 = vector.shape_cast %select_n3A_1645 : vector<16xi32> to vector<16x1xi32>
    %gather3A_1647 = vector.shape_cast %broadcast_in_dim3A_1646 : vector<16x1xi32> to vector<16xi32>
    %gather3A_1648 = tpu.dynamic_gather %min3A_1635[%gather3A_1647] in [0] : vector<16xi32>, vector<16xi32> -> vector<16xi32>
    %min3A_1649 = arith.minsi %min3A_1635, %gather3A_1648 : vector<16xi32>
    %eq3A_1650 = arith.constant 4 : i32
    %eq3A_1651 = vector.broadcast %eq3A_1650 : i32 to vector<16xi32>
    %eq3A_1652 = arith.cmpi eq, %iota3A, %eq3A_1651 : vector<16xi32>
    %select_n3A_1653 = arith.select %eq3A_1652, %min3A_1649, %select_n3A_1315 : vector<16xi1>, vector<16xi32>
    %add3A_1654 = arith.constant 0 : i32
    %add3A_1655 = vector.broadcast %add3A_1654 : i32 to vector<16xi32>
    %add3A_1656 = arith.addi %iota3A, %add3A_1655 : vector<16xi32>
    %eq3A_1657 = arith.cmpi eq, %add3A_1656, %min3A_1649 : vector<16xi32>
    %select_n3A_1658 = arith.select %eq3A_1657, %broadcast_in_dim3A_48, %select_n3A_1320 : vector<16xi1>, vector<16xf32>
    %add3A_1659 = arith.constant 16 : i32
    %add3A_1660 = vector.broadcast %add3A_1659 : i32 to vector<16xi32>
    %add3A_1661 = arith.addi %iota3A, %add3A_1660 : vector<16xi32>
    %eq3A_1662 = arith.cmpi eq, %add3A_1661, %min3A_1649 : vector<16xi32>
    %select_n3A_1663 = arith.select %eq3A_1662, %broadcast_in_dim3A_48, %select_n3A_1325 : vector<16xi1>, vector<16xf32>
    %add3A_1664 = arith.constant 32 : i32
    %add3A_1665 = vector.broadcast %add3A_1664 : i32 to vector<16xi32>
    %add3A_1666 = arith.addi %iota3A, %add3A_1665 : vector<16xi32>
    %eq3A_1667 = arith.cmpi eq, %add3A_1666, %min3A_1649 : vector<16xi32>
    %select_n3A_1668 = arith.select %eq3A_1667, %broadcast_in_dim3A_48, %select_n3A_1330 : vector<16xi1>, vector<16xf32>
    %add3A_1669 = arith.constant 48 : i32
    %add3A_1670 = vector.broadcast %add3A_1669 : i32 to vector<16xi32>
    %add3A_1671 = arith.addi %iota3A, %add3A_1670 : vector<16xi32>
    %eq3A_1672 = arith.cmpi eq, %add3A_1671, %min3A_1649 : vector<16xi32>
    %select_n3A_1673 = arith.select %eq3A_1672, %broadcast_in_dim3A_48, %select_n3A_1335 : vector<16xi1>, vector<16xf32>
    %add3A_1674 = arith.constant 64 : i32
    %add3A_1675 = vector.broadcast %add3A_1674 : i32 to vector<16xi32>
    %add3A_1676 = arith.addi %iota3A, %add3A_1675 : vector<16xi32>
    %eq3A_1677 = arith.cmpi eq, %add3A_1676, %min3A_1649 : vector<16xi32>
    %select_n3A_1678 = arith.select %eq3A_1677, %broadcast_in_dim3A_48, %select_n3A_1340 : vector<16xi1>, vector<16xf32>
    %add3A_1679 = arith.constant 80 : i32
    %add3A_1680 = vector.broadcast %add3A_1679 : i32 to vector<16xi32>
    %add3A_1681 = arith.addi %iota3A, %add3A_1680 : vector<16xi32>
    %eq3A_1682 = arith.cmpi eq, %add3A_1681, %min3A_1649 : vector<16xi32>
    %select_n3A_1683 = arith.select %eq3A_1682, %broadcast_in_dim3A_48, %select_n3A_1345 : vector<16xi1>, vector<16xf32>
    %add3A_1684 = arith.constant 96 : i32
    %add3A_1685 = vector.broadcast %add3A_1684 : i32 to vector<16xi32>
    %add3A_1686 = arith.addi %iota3A, %add3A_1685 : vector<16xi32>
    %eq3A_1687 = arith.cmpi eq, %add3A_1686, %min3A_1649 : vector<16xi32>
    %select_n3A_1688 = arith.select %eq3A_1687, %broadcast_in_dim3A_48, %select_n3A_1350 : vector<16xi1>, vector<16xf32>
    %add3A_1689 = arith.constant 112 : i32
    %add3A_1690 = vector.broadcast %add3A_1689 : i32 to vector<16xi32>
    %add3A_1691 = arith.addi %iota3A, %add3A_1690 : vector<16xi32>
    %eq3A_1692 = arith.cmpi eq, %add3A_1691, %min3A_1649 : vector<16xi32>
    %select_n3A_1693 = arith.select %eq3A_1692, %broadcast_in_dim3A_48, %select_n3A_1355 : vector<16xi1>, vector<16xf32>
    %add3A_1694 = arith.constant 128 : i32
    %add3A_1695 = vector.broadcast %add3A_1694 : i32 to vector<16xi32>
    %add3A_1696 = arith.addi %iota3A, %add3A_1695 : vector<16xi32>
    %eq3A_1697 = arith.cmpi eq, %add3A_1696, %min3A_1649 : vector<16xi32>
    %select_n3A_1698 = arith.select %eq3A_1697, %broadcast_in_dim3A_48, %select_n3A_1360 : vector<16xi1>, vector<16xf32>
    %add3A_1699 = arith.constant 144 : i32
    %add3A_1700 = vector.broadcast %add3A_1699 : i32 to vector<16xi32>
    %add3A_1701 = arith.addi %iota3A, %add3A_1700 : vector<16xi32>
    %eq3A_1702 = arith.cmpi eq, %add3A_1701, %min3A_1649 : vector<16xi32>
    %select_n3A_1703 = arith.select %eq3A_1702, %broadcast_in_dim3A_48, %select_n3A_1365 : vector<16xi1>, vector<16xf32>
    %add3A_1704 = arith.constant 160 : i32
    %add3A_1705 = vector.broadcast %add3A_1704 : i32 to vector<16xi32>
    %add3A_1706 = arith.addi %iota3A, %add3A_1705 : vector<16xi32>
    %eq3A_1707 = arith.cmpi eq, %add3A_1706, %min3A_1649 : vector<16xi32>
    %select_n3A_1708 = arith.select %eq3A_1707, %broadcast_in_dim3A_48, %select_n3A_1370 : vector<16xi1>, vector<16xf32>
    %add3A_1709 = arith.constant 176 : i32
    %add3A_1710 = vector.broadcast %add3A_1709 : i32 to vector<16xi32>
    %add3A_1711 = arith.addi %iota3A, %add3A_1710 : vector<16xi32>
    %eq3A_1712 = arith.cmpi eq, %add3A_1711, %min3A_1649 : vector<16xi32>
    %select_n3A_1713 = arith.select %eq3A_1712, %broadcast_in_dim3A_48, %select_n3A_1375 : vector<16xi1>, vector<16xf32>
    %add3A_1714 = arith.constant 192 : i32
    %add3A_1715 = vector.broadcast %add3A_1714 : i32 to vector<16xi32>
    %add3A_1716 = arith.addi %iota3A, %add3A_1715 : vector<16xi32>
    %eq3A_1717 = arith.cmpi eq, %add3A_1716, %min3A_1649 : vector<16xi32>
    %select_n3A_1718 = arith.select %eq3A_1717, %broadcast_in_dim3A_48, %select_n3A_1380 : vector<16xi1>, vector<16xf32>
    %add3A_1719 = arith.constant 208 : i32
    %add3A_1720 = vector.broadcast %add3A_1719 : i32 to vector<16xi32>
    %add3A_1721 = arith.addi %iota3A, %add3A_1720 : vector<16xi32>
    %eq3A_1722 = arith.cmpi eq, %add3A_1721, %min3A_1649 : vector<16xi32>
    %select_n3A_1723 = arith.select %eq3A_1722, %broadcast_in_dim3A_48, %select_n3A_1385 : vector<16xi1>, vector<16xf32>
    %add3A_1724 = arith.constant 224 : i32
    %add3A_1725 = vector.broadcast %add3A_1724 : i32 to vector<16xi32>
    %add3A_1726 = arith.addi %iota3A, %add3A_1725 : vector<16xi32>
    %eq3A_1727 = arith.cmpi eq, %add3A_1726, %min3A_1649 : vector<16xi32>
    %select_n3A_1728 = arith.select %eq3A_1727, %broadcast_in_dim3A_48, %select_n3A_1390 : vector<16xi1>, vector<16xf32>
    %add3A_1729 = arith.constant 240 : i32
    %add3A_1730 = vector.broadcast %add3A_1729 : i32 to vector<16xi32>
    %add3A_1731 = arith.addi %iota3A, %add3A_1730 : vector<16xi32>
    %eq3A_1732 = arith.cmpi eq, %add3A_1731, %min3A_1649 : vector<16xi32>
    %select_n3A_1733 = arith.select %eq3A_1732, %broadcast_in_dim3A_48, %select_n3A_1395 : vector<16xi1>, vector<16xf32>
    %swap3A = arith.constant 0 : index
    %swap3A_1734 = tpu.vector_load %arg5[%swap3A] {strides = array<i32>} : memref<16xi32, #tpu.memory_space<vmem>>, vector<16xi32>,
    %swap3A_1735 = vector.shape_cast %swap3A_1734 : vector<16xi32> to vector<16xi32>
    %swap3A_1736 = vector.shape_cast %select_n3A_1653 : vector<16xi32> to vector<16xi32>
    tpu.vector_store %arg5[%swap3A], %swap3A_1736 {strides = array<i32>} : memref<16xi32, #tpu.memory_space<vmem>>, vector<16xi32>,
    "tpu.region"() ({
      %run_scoped3A = tpu.sem_alloc : memref<!tpu.dma_semaphore, #tpu.memory_space<semaphore_mem>>
      %dma_start3A = arith.constant 0 : i32
      %dma_start3A_1737 = tpu.memref_slice %arg3[%add3A, %dma_start3A] : memref<32x16xi32, #tpu.memory_space<hbm>> -> memref<1x16xi32, #tpu.memory_space<hbm>>
      %dma_start3A_1738 = tpu.memref_squeeze %dma_start3A_1737 : memref<1x16xi32, #tpu.memory_space<hbm>> -> memref<16xi32, #tpu.memory_space<hbm>>
      %dma_start3A_1739 = arith.constant 0 : i32
      %dma_start3A_1740 = tpu.memref_slice %arg3[%add3A, %dma_start3A_1739] : memref<32x16xi32, #tpu.memory_space<hbm>> -> memref<1x16xi32, #tpu.memory_space<hbm>>
      %dma_start3A_1741 = tpu.memref_squeeze %dma_start3A_1740 : memref<1x16xi32, #tpu.memory_space<hbm>> -> memref<16xi32, #tpu.memory_space<hbm>>
      tpu.enqueue_dma source(%arg5 : memref<16xi32, #tpu.memory_space<vmem>>) target(%dma_start3A_1741 : memref<16xi32, #tpu.memory_space<hbm>>) target_semaphore(%run_scoped3A : memref<!tpu.dma_semaphore, #tpu.memory_space<semaphore_mem>>)
      %dma_wait3A = arith.constant 0 : i32
      %dma_wait3A_1742 = tpu.memref_slice %arg3[%add3A, %dma_wait3A] : memref<32x16xi32, #tpu.memory_space<hbm>> -> memref<1x16xi32, #tpu.memory_space<hbm>>
      %dma_wait3A_1743 = tpu.memref_squeeze %dma_wait3A_1742 : memref<1x16xi32, #tpu.memory_space<hbm>> -> memref<16xi32, #tpu.memory_space<hbm>>
      %dma_wait3A_1744 = arith.constant 0 : i32
      %dma_wait3A_1745 = tpu.memref_slice %arg3[%add3A, %dma_wait3A_1744] : memref<32x16xi32, #tpu.memory_space<hbm>> -> memref<1x16xi32, #tpu.memory_space<hbm>>
      %dma_wait3A_1746 = tpu.memref_squeeze %dma_wait3A_1745 : memref<1x16xi32, #tpu.memory_space<hbm>> -> memref<16xi32, #tpu.memory_space<hbm>>
      tpu.wait_dma2 semaphore(%run_scoped3A : memref<!tpu.dma_semaphore, #tpu.memory_space<semaphore_mem>>) src(%arg5 : memref<16xi32, #tpu.memory_space<vmem>>) dst(%dma_wait3A_1746 : memref<16xi32, #tpu.memory_space<hbm>>)
      tpu.yield
    }) : () -> ()
    return
  }
}

module attributes {stable_mosaic.version = 14 : i64} {
  func.func @_sim_kernel(%arg0: memref<2x16x384xf32, #tpu.memory_space<vmem>>, %arg1: memref<2x200x384xf32, #tpu.memory_space<vmem>>, %arg2: memref<2x16x256xf32, #tpu.memory_space<vmem>>) attributes {dimension_semantics = [], scalar_prefetch = 0 : i64, scratch_operands = 0 : i64, tpu.core_type = #tpu.core_type<tc>} {
    %get3A = arith.constant 0 : index
    %get3A_0 = arith.constant 0 : index
    %get3A_1 = arith.constant 0 : index
    %get3A_2 = vector.load %arg0[%get3A, %get3A_0, %get3A_1] : memref<2x16x384xf32, #tpu.memory_space<vmem>>, vector<1x16x384xf32>
    %get3A_3 = vector.shape_cast %get3A_2 : vector<1x16x384xf32> to vector<16x384xf32>
    %get3A_4 = arith.constant 0 : index
    %get3A_5 = arith.constant 0 : index
    %get3A_6 = arith.constant 0 : index
    %get3A_7 = vector.load %arg1[%get3A_4, %get3A_5, %get3A_6] : memref<2x200x384xf32, #tpu.memory_space<vmem>>, vector<1x200x384xf32>
    %get3A_8 = vector.shape_cast %get3A_7 : vector<1x200x384xf32> to vector<200x384xf32>
    %mul3A = arith.mulf %get3A_3, %get3A_3 : vector<16x384xf32>
    %reduce_sum3A = arith.constant dense<0.000000e+00> : vector<16xf32>
    %reduce_sum3A_9 = vector.multi_reduction <add>, %mul3A, %reduce_sum3A [1] : vector<16x384xf32> to vector<16xf32>
    %broadcast_in_dim3A = vector.shape_cast %reduce_sum3A_9 : vector<16xf32> to vector<16x1xf32>
    %sqrt3A = math.sqrt %broadcast_in_dim3A : vector<16x1xf32>
    %add3A = arith.constant 9.99999996E-13 : f32
    %add3A_10 = vector.broadcast %add3A : f32 to vector<16x1xf32>
    %add3A_11 = arith.addf %sqrt3A, %add3A_10 : vector<16x1xf32>
    %div3A = vector.broadcast %add3A_11 : vector<16x1xf32> to vector<16x384xf32>
    %div3A_12 = arith.divf %get3A_3, %div3A : vector<16x384xf32>
    %mul3A_13 = arith.mulf %get3A_8, %get3A_8 : vector<200x384xf32>
    %reduce_sum3A_14 = arith.constant dense<0.000000e+00> : vector<200xf32>
    %reduce_sum3A_15 = vector.multi_reduction <add>, %mul3A_13, %reduce_sum3A_14 [1] : vector<200x384xf32> to vector<200xf32>
    %broadcast_in_dim3A_16 = vector.shape_cast %reduce_sum3A_15 : vector<200xf32> to vector<200x1xf32>
    %sqrt3A_17 = math.sqrt %broadcast_in_dim3A_16 : vector<200x1xf32>
    %add3A_18 = arith.constant 9.99999996E-13 : f32
    %add3A_19 = vector.broadcast %add3A_18 : f32 to vector<200x1xf32>
    %add3A_20 = arith.addf %sqrt3A_17, %add3A_19 : vector<200x1xf32>
    %div3A_21 = vector.broadcast %add3A_20 : vector<200x1xf32> to vector<200x384xf32>
    %div3A_22 = arith.divf %get3A_8, %div3A_21 : vector<200x384xf32>
    %dot_general3A = arith.constant dense<0.000000e+00> : vector<16x200xf32>
    %dot_general3A_23 = tpu.matmul %div3A_12, %div3A_22, %dot_general3A {dimension_numbers = #tpu.dot_dimension_numbers<[1], [1], [0], [0], [0, 0, 1, 0], [], []>, transpose_lhs_hint = false} : vector<16x384xf32>, vector<200x384xf32>, vector<16x200xf32> -> vector<16x200xf32>
    %broadcast_in_dim3A_24 = arith.constant 0xFF800000 : f32
    %broadcast_in_dim3A_25 = vector.broadcast %broadcast_in_dim3A_24 : f32 to vector<16x56xf32>
    %concatenate3A = tpu.concatenate %dot_general3A_23, %broadcast_in_dim3A_25 in 1 : vector<16x200xf32>, vector<16x56xf32> -> vector<16x256xf32>
    %swap3A = arith.constant 0 : index
    %swap3A_26 = arith.constant 0 : index
    %swap3A_27 = arith.constant 0 : index
    %swap3A_28 = vector.load %arg2[%swap3A, %swap3A_26, %swap3A_27] : memref<2x16x256xf32, #tpu.memory_space<vmem>>, vector<1x16x256xf32>
    %swap3A_29 = vector.shape_cast %swap3A_28 : vector<1x16x256xf32> to vector<16x256xf32>
    %swap3A_30 = vector.shape_cast %concatenate3A : vector<16x256xf32> to vector<1x16x256xf32>
    tpu.vector_store %arg2[%swap3A, %swap3A_26, %swap3A_27], %swap3A_30 {strides = array<i32>} : memref<2x16x256xf32, #tpu.memory_space<vmem>>, vector<1x16x256xf32>,
    %get3A_31 = arith.constant 1 : index
    %get3A_32 = arith.constant 0 : index
    %get3A_33 = arith.constant 0 : index
    %get3A_34 = vector.load %arg0[%get3A_31, %get3A_32, %get3A_33] : memref<2x16x384xf32, #tpu.memory_space<vmem>>, vector<1x16x384xf32>
    %get3A_35 = vector.shape_cast %get3A_34 : vector<1x16x384xf32> to vector<16x384xf32>
    %get3A_36 = arith.constant 1 : index
    %get3A_37 = arith.constant 0 : index
    %get3A_38 = arith.constant 0 : index
    %get3A_39 = vector.load %arg1[%get3A_36, %get3A_37, %get3A_38] : memref<2x200x384xf32, #tpu.memory_space<vmem>>, vector<1x200x384xf32>
    %get3A_40 = vector.shape_cast %get3A_39 : vector<1x200x384xf32> to vector<200x384xf32>
    %mul3A_41 = arith.mulf %get3A_35, %get3A_35 : vector<16x384xf32>
    %reduce_sum3A_42 = arith.constant dense<0.000000e+00> : vector<16xf32>
    %reduce_sum3A_43 = vector.multi_reduction <add>, %mul3A_41, %reduce_sum3A_42 [1] : vector<16x384xf32> to vector<16xf32>
    %broadcast_in_dim3A_44 = vector.shape_cast %reduce_sum3A_43 : vector<16xf32> to vector<16x1xf32>
    %sqrt3A_45 = math.sqrt %broadcast_in_dim3A_44 : vector<16x1xf32>
    %add3A_46 = arith.constant 9.99999996E-13 : f32
    %add3A_47 = vector.broadcast %add3A_46 : f32 to vector<16x1xf32>
    %add3A_48 = arith.addf %sqrt3A_45, %add3A_47 : vector<16x1xf32>
    %div3A_49 = vector.broadcast %add3A_48 : vector<16x1xf32> to vector<16x384xf32>
    %div3A_50 = arith.divf %get3A_35, %div3A_49 : vector<16x384xf32>
    %mul3A_51 = arith.mulf %get3A_40, %get3A_40 : vector<200x384xf32>
    %reduce_sum3A_52 = arith.constant dense<0.000000e+00> : vector<200xf32>
    %reduce_sum3A_53 = vector.multi_reduction <add>, %mul3A_51, %reduce_sum3A_52 [1] : vector<200x384xf32> to vector<200xf32>
    %broadcast_in_dim3A_54 = vector.shape_cast %reduce_sum3A_53 : vector<200xf32> to vector<200x1xf32>
    %sqrt3A_55 = math.sqrt %broadcast_in_dim3A_54 : vector<200x1xf32>
    %add3A_56 = arith.constant 9.99999996E-13 : f32
    %add3A_57 = vector.broadcast %add3A_56 : f32 to vector<200x1xf32>
    %add3A_58 = arith.addf %sqrt3A_55, %add3A_57 : vector<200x1xf32>
    %div3A_59 = vector.broadcast %add3A_58 : vector<200x1xf32> to vector<200x384xf32>
    %div3A_60 = arith.divf %get3A_40, %div3A_59 : vector<200x384xf32>
    %dot_general3A_61 = arith.constant dense<0.000000e+00> : vector<16x200xf32>
    %dot_general3A_62 = tpu.matmul %div3A_50, %div3A_60, %dot_general3A_61 {dimension_numbers = #tpu.dot_dimension_numbers<[1], [1], [0], [0], [0, 0, 1, 0], [], []>, transpose_lhs_hint = false} : vector<16x384xf32>, vector<200x384xf32>, vector<16x200xf32> -> vector<16x200xf32>
    %broadcast_in_dim3A_63 = arith.constant 0xFF800000 : f32
    %broadcast_in_dim3A_64 = vector.broadcast %broadcast_in_dim3A_63 : f32 to vector<16x56xf32>
    %concatenate3A_65 = tpu.concatenate %dot_general3A_62, %broadcast_in_dim3A_64 in 1 : vector<16x200xf32>, vector<16x56xf32> -> vector<16x256xf32>
    %swap3A_66 = arith.constant 1 : index
    %swap3A_67 = arith.constant 0 : index
    %swap3A_68 = arith.constant 0 : index
    %swap3A_69 = vector.load %arg2[%swap3A_66, %swap3A_67, %swap3A_68] : memref<2x16x256xf32, #tpu.memory_space<vmem>>, vector<1x16x256xf32>
    %swap3A_70 = vector.shape_cast %swap3A_69 : vector<1x16x256xf32> to vector<16x256xf32>
    %swap3A_71 = vector.shape_cast %concatenate3A_65 : vector<16x256xf32> to vector<1x16x256xf32>
    tpu.vector_store %arg2[%swap3A_66, %swap3A_67, %swap3A_68], %swap3A_71 {strides = array<i32>} : memref<2x16x256xf32, #tpu.memory_space<vmem>>, vector<1x16x256xf32>,
    return
  }
}

module attributes {stable_mosaic.version = 14 : i64} {
  func.func @_main_kernel(%arg0: i32, %arg1: memref<512xi32, #tpu.memory_space<smem>>, %arg2: memref<1x256x384xf32, #tpu.memory_space<vmem>>, %arg3: memref<1x256x384xf32, #tpu.memory_space<vmem>>, %arg4: memref<1x256x384xf32, #tpu.memory_space<vmem>>, %arg5: memref<1x256x384xf32, #tpu.memory_space<vmem>>, %arg6: memref<1x256x384xf32, #tpu.memory_space<vmem>>, %arg7: memref<1x256x384xf32, #tpu.memory_space<vmem>>, %arg8: memref<1x256x384xf32, #tpu.memory_space<vmem>>, %arg9: memref<1x256x384xf32, #tpu.memory_space<vmem>>, %arg10: memref<1x256x384xf32, #tpu.memory_space<vmem>>, %arg11: memref<1x256x384xf32, #tpu.memory_space<vmem>>, %arg12: memref<1x256x384xf32, #tpu.memory_space<vmem>>, %arg13: memref<1x256x384xf32, #tpu.memory_space<vmem>>, %arg14: memref<5x224x16xf32, #tpu.memory_space<vmem>>, %arg15: memref<5x16x224xf32, #tpu.memory_space<vmem>>, %arg16: memref<1x224x224xf32, #tpu.memory_space<vmem>>, %arg17: memref<1x16xf32, #tpu.memory_space<vmem>>, %arg18: memref<1x16xf32, #tpu.memory_space<vmem>>) attributes {dimension_semantics = [#tpu.dimension_semantics<arbitrary>], iteration_bounds = array<i64: 16>, scalar_prefetch = 1 : i64, scratch_operands = 0 : i64, tpu.core_type = #tpu.core_type<tc>, window_params = [{transform_indices = @transform_0, window_bounds = array<i64: 1, 256, 384>}, {transform_indices = @transform_1, window_bounds = array<i64: 1, 256, 384>}, {transform_indices = @transform_2, window_bounds = array<i64: 1, 256, 384>}, {transform_indices = @transform_3, window_bounds = array<i64: 1, 256, 384>}, {transform_indices = @transform_4, window_bounds = array<i64: 1, 256, 384>}, {transform_indices = @transform_5, window_bounds = array<i64: 1, 256, 384>}, {transform_indices = @transform_6, window_bounds = array<i64: 1, 256, 384>}, {transform_indices = @transform_7, window_bounds = array<i64: 1, 256, 384>}, {transform_indices = @transform_8, window_bounds = array<i64: 1, 256, 384>}, {transform_indices = @transform_9, window_bounds = array<i64: 1, 256, 384>}, {transform_indices = @transform_10, window_bounds = array<i64: 1, 256, 384>}, {transform_indices = @transform_11, window_bounds = array<i64: 1, 256, 384>}, {pipeline_mode = #tpu.pipeline_mode<synchronous>, transform_indices = @transform_12, window_bounds = array<i64: 5, 224, 16>}, {pipeline_mode = #tpu.pipeline_mode<synchronous>, transform_indices = @transform_13, window_bounds = array<i64: 5, 16, 224>}, {transform_indices = @transform_14, window_bounds = array<i64: 1, 224, 224>}, {pipeline_mode = #tpu.pipeline_mode<synchronous>, transform_indices = @transform_15, window_bounds = array<i64: 1, 16>}, {pipeline_mode = #tpu.pipeline_mode<synchronous>, transform_indices = @transform_16, window_bounds = array<i64: 1, 16>}]} {
    %broadcast_in_dim3A = arith.constant 0.000000e+00 : f32
    %broadcast_in_dim3A_0 = vector.broadcast %broadcast_in_dim3A : f32 to vector<16x16xf32>
    %get3A = arith.constant 0 : index
    %get3A_1 = arith.constant 0 : index
    %get3A_2 = arith.constant 0 : index
    %get3A_3 = vector.load %arg2[%get3A, %get3A_1, %get3A_2] : memref<1x256x384xf32, #tpu.memory_space<vmem>>, vector<1x256x384xf32>
    %get3A_4 = vector.shape_cast %get3A_3 : vector<1x256x384xf32> to vector<256x384xf32>
    %mul3A = arith.mulf %get3A_4, %get3A_4 : vector<256x384xf32>
    %reduce_sum3A = arith.constant dense<0.000000e+00> : vector<256xf32>
    %reduce_sum3A_5 = vector.multi_reduction <add>, %mul3A, %reduce_sum3A [1] : vector<256x384xf32> to vector<256xf32>
    %broadcast_in_dim3A_6 = vector.shape_cast %reduce_sum3A_5 : vector<256xf32> to vector<256x1xf32>
    %sqrt3A = math.sqrt %broadcast_in_dim3A_6 : vector<256x1xf32>
    %add3A = arith.constant 9.99999996E-13 : f32
    %add3A_7 = vector.broadcast %add3A : f32 to vector<256x1xf32>
    %add3A_8 = arith.addf %sqrt3A, %add3A_7 : vector<256x1xf32>
    %div3A = vector.broadcast %add3A_8 : vector<256x1xf32> to vector<256x384xf32>
    %div3A_9 = arith.divf %get3A_4, %div3A : vector<256x384xf32>
    %convert_element_type3A = arith.truncf %div3A_9 : vector<256x384xf32> to vector<256x384xbf16>
    %get3A_10 = arith.constant 0 : index
    %get3A_11 = arith.constant 0 : index
    %get3A_12 = arith.constant 0 : index
    %get3A_13 = vector.load %arg4[%get3A_10, %get3A_11, %get3A_12] : memref<1x256x384xf32, #tpu.memory_space<vmem>>, vector<1x256x384xf32>
    %get3A_14 = vector.shape_cast %get3A_13 : vector<1x256x384xf32> to vector<256x384xf32>
    %mul3A_15 = arith.mulf %get3A_14, %get3A_14 : vector<256x384xf32>
    %reduce_sum3A_16 = arith.constant dense<0.000000e+00> : vector<256xf32>
    %reduce_sum3A_17 = vector.multi_reduction <add>, %mul3A_15, %reduce_sum3A_16 [1] : vector<256x384xf32> to vector<256xf32>
    %broadcast_in_dim3A_18 = vector.shape_cast %reduce_sum3A_17 : vector<256xf32> to vector<256x1xf32>
    %sqrt3A_19 = math.sqrt %broadcast_in_dim3A_18 : vector<256x1xf32>
    %add3A_20 = arith.constant 9.99999996E-13 : f32
    %add3A_21 = vector.broadcast %add3A_20 : f32 to vector<256x1xf32>
    %add3A_22 = arith.addf %sqrt3A_19, %add3A_21 : vector<256x1xf32>
    %div3A_23 = vector.broadcast %add3A_22 : vector<256x1xf32> to vector<256x384xf32>
    %div3A_24 = arith.divf %get3A_14, %div3A_23 : vector<256x384xf32>
    %convert_element_type3A_25 = arith.truncf %div3A_24 : vector<256x384xf32> to vector<256x384xbf16>
    %dot_general3A = arith.constant dense<0.000000e+00> : vector<256x256xf32>
    %dot_general3A_26 = tpu.matmul %convert_element_type3A, %convert_element_type3A_25, %dot_general3A {dimension_numbers = #tpu.dot_dimension_numbers<[1], [1], [0], [0], [0, 0, 1, 0], [], []>, transpose_lhs_hint = false} : vector<256x384xbf16>, vector<256x384xbf16>, vector<256x256xf32> -> vector<256x256xf32>
    %reshape3A = vector.shape_cast %dot_general3A_26 : vector<256x256xf32> to vector<16x16x256xf32>
    %reduce_max3A = arith.constant dense<0xFF800000> : vector<16x16xf32>
    %reduce_max3A_27 = vector.multi_reduction <maximumf>, %reshape3A, %reduce_max3A [2] : vector<16x16x256xf32> to vector<16x16xf32>
    %get3A_28 = arith.constant 0 : index
    %get3A_29 = arith.constant 0 : index
    %get3A_30 = arith.constant 0 : index
    %get3A_31 = vector.load %arg5[%get3A_28, %get3A_29, %get3A_30] : memref<1x256x384xf32, #tpu.memory_space<vmem>>, vector<1x256x384xf32>
    %get3A_32 = vector.shape_cast %get3A_31 : vector<1x256x384xf32> to vector<256x384xf32>
    %mul3A_33 = arith.mulf %get3A_32, %get3A_32 : vector<256x384xf32>
    %reduce_sum3A_34 = arith.constant dense<0.000000e+00> : vector<256xf32>
    %reduce_sum3A_35 = vector.multi_reduction <add>, %mul3A_33, %reduce_sum3A_34 [1] : vector<256x384xf32> to vector<256xf32>
    %broadcast_in_dim3A_36 = vector.shape_cast %reduce_sum3A_35 : vector<256xf32> to vector<256x1xf32>
    %sqrt3A_37 = math.sqrt %broadcast_in_dim3A_36 : vector<256x1xf32>
    %add3A_38 = arith.constant 9.99999996E-13 : f32
    %add3A_39 = vector.broadcast %add3A_38 : f32 to vector<256x1xf32>
    %add3A_40 = arith.addf %sqrt3A_37, %add3A_39 : vector<256x1xf32>
    %div3A_41 = vector.broadcast %add3A_40 : vector<256x1xf32> to vector<256x384xf32>
    %div3A_42 = arith.divf %get3A_32, %div3A_41 : vector<256x384xf32>
    %convert_element_type3A_43 = arith.truncf %div3A_42 : vector<256x384xf32> to vector<256x384xbf16>
    %dot_general3A_44 = arith.constant dense<0.000000e+00> : vector<256x256xf32>
    %dot_general3A_45 = tpu.matmul %convert_element_type3A, %convert_element_type3A_43, %dot_general3A_44 {dimension_numbers = #tpu.dot_dimension_numbers<[1], [1], [0], [0], [0, 0, 1, 0], [], []>, transpose_lhs_hint = false} : vector<256x384xbf16>, vector<256x384xbf16>, vector<256x256xf32> -> vector<256x256xf32>
    %reshape3A_46 = vector.shape_cast %dot_general3A_45 : vector<256x256xf32> to vector<16x16x256xf32>
    %reduce_max3A_47 = arith.constant dense<0xFF800000> : vector<16x16xf32>
    %reduce_max3A_48 = vector.multi_reduction <maximumf>, %reshape3A_46, %reduce_max3A_47 [2] : vector<16x16x256xf32> to vector<16x16xf32>
    %max3A = arith.maximumf %reduce_max3A_27, %reduce_max3A_48 : vector<16x16xf32>
    %get3A_49 = arith.constant 0 : index
    %get3A_50 = arith.constant 0 : index
    %get3A_51 = arith.constant 0 : index
    %get3A_52 = vector.load %arg6[%get3A_49, %get3A_50, %get3A_51] : memref<1x256x384xf32, #tpu.memory_space<vmem>>, vector<1x256x384xf32>
    %get3A_53 = vector.shape_cast %get3A_52 : vector<1x256x384xf32> to vector<256x384xf32>
    %mul3A_54 = arith.mulf %get3A_53, %get3A_53 : vector<256x384xf32>
    %reduce_sum3A_55 = arith.constant dense<0.000000e+00> : vector<256xf32>
    %reduce_sum3A_56 = vector.multi_reduction <add>, %mul3A_54, %reduce_sum3A_55 [1] : vector<256x384xf32> to vector<256xf32>
    %broadcast_in_dim3A_57 = vector.shape_cast %reduce_sum3A_56 : vector<256xf32> to vector<256x1xf32>
    %sqrt3A_58 = math.sqrt %broadcast_in_dim3A_57 : vector<256x1xf32>
    %add3A_59 = arith.constant 9.99999996E-13 : f32
    %add3A_60 = vector.broadcast %add3A_59 : f32 to vector<256x1xf32>
    %add3A_61 = arith.addf %sqrt3A_58, %add3A_60 : vector<256x1xf32>
    %div3A_62 = vector.broadcast %add3A_61 : vector<256x1xf32> to vector<256x384xf32>
    %div3A_63 = arith.divf %get3A_53, %div3A_62 : vector<256x384xf32>
    %convert_element_type3A_64 = arith.truncf %div3A_63 : vector<256x384xf32> to vector<256x384xbf16>
    %dot_general3A_65 = arith.constant dense<0.000000e+00> : vector<256x256xf32>
    %dot_general3A_66 = tpu.matmul %convert_element_type3A, %convert_element_type3A_64, %dot_general3A_65 {dimension_numbers = #tpu.dot_dimension_numbers<[1], [1], [0], [0], [0, 0, 1, 0], [], []>, transpose_lhs_hint = false} : vector<256x384xbf16>, vector<256x384xbf16>, vector<256x256xf32> -> vector<256x256xf32>
    %reshape3A_67 = vector.shape_cast %dot_general3A_66 : vector<256x256xf32> to vector<16x16x256xf32>
    %reduce_max3A_68 = arith.constant dense<0xFF800000> : vector<16x16xf32>
    %reduce_max3A_69 = vector.multi_reduction <maximumf>, %reshape3A_67, %reduce_max3A_68 [2] : vector<16x16x256xf32> to vector<16x16xf32>
    %max3A_70 = arith.maximumf %max3A, %reduce_max3A_69 : vector<16x16xf32>
    %get3A_71 = arith.constant 0 : index
    %get3A_72 = arith.constant 0 : index
    %get3A_73 = arith.constant 0 : index
    %get3A_74 = vector.load %arg7[%get3A_71, %get3A_72, %get3A_73] : memref<1x256x384xf32, #tpu.memory_space<vmem>>, vector<1x256x384xf32>
    %get3A_75 = vector.shape_cast %get3A_74 : vector<1x256x384xf32> to vector<256x384xf32>
    %mul3A_76 = arith.mulf %get3A_75, %get3A_75 : vector<256x384xf32>
    %reduce_sum3A_77 = arith.constant dense<0.000000e+00> : vector<256xf32>
    %reduce_sum3A_78 = vector.multi_reduction <add>, %mul3A_76, %reduce_sum3A_77 [1] : vector<256x384xf32> to vector<256xf32>
    %broadcast_in_dim3A_79 = vector.shape_cast %reduce_sum3A_78 : vector<256xf32> to vector<256x1xf32>
    %sqrt3A_80 = math.sqrt %broadcast_in_dim3A_79 : vector<256x1xf32>
    %add3A_81 = arith.constant 9.99999996E-13 : f32
    %add3A_82 = vector.broadcast %add3A_81 : f32 to vector<256x1xf32>
    %add3A_83 = arith.addf %sqrt3A_80, %add3A_82 : vector<256x1xf32>
    %div3A_84 = vector.broadcast %add3A_83 : vector<256x1xf32> to vector<256x384xf32>
    %div3A_85 = arith.divf %get3A_75, %div3A_84 : vector<256x384xf32>
    %convert_element_type3A_86 = arith.truncf %div3A_85 : vector<256x384xf32> to vector<256x384xbf16>
    %dot_general3A_87 = arith.constant dense<0.000000e+00> : vector<256x256xf32>
    %dot_general3A_88 = tpu.matmul %convert_element_type3A, %convert_element_type3A_86, %dot_general3A_87 {dimension_numbers = #tpu.dot_dimension_numbers<[1], [1], [0], [0], [0, 0, 1, 0], [], []>, transpose_lhs_hint = false} : vector<256x384xbf16>, vector<256x384xbf16>, vector<256x256xf32> -> vector<256x256xf32>
    %reshape3A_89 = vector.shape_cast %dot_general3A_88 : vector<256x256xf32> to vector<16x16x256xf32>
    %reduce_max3A_90 = arith.constant dense<0xFF800000> : vector<16x16xf32>
    %reduce_max3A_91 = vector.multi_reduction <maximumf>, %reshape3A_89, %reduce_max3A_90 [2] : vector<16x16x256xf32> to vector<16x16xf32>
    %max3A_92 = arith.maximumf %max3A_70, %reduce_max3A_91 : vector<16x16xf32>
    %get3A_93 = arith.constant 0 : index
    %get3A_94 = arith.constant 0 : index
    %get3A_95 = arith.constant 0 : index
    %get3A_96 = vector.load %arg8[%get3A_93, %get3A_94, %get3A_95] : memref<1x256x384xf32, #tpu.memory_space<vmem>>, vector<1x256x384xf32>
    %get3A_97 = vector.shape_cast %get3A_96 : vector<1x256x384xf32> to vector<256x384xf32>
    %mul3A_98 = arith.mulf %get3A_97, %get3A_97 : vector<256x384xf32>
    %reduce_sum3A_99 = arith.constant dense<0.000000e+00> : vector<256xf32>
    %reduce_sum3A_100 = vector.multi_reduction <add>, %mul3A_98, %reduce_sum3A_99 [1] : vector<256x384xf32> to vector<256xf32>
    %broadcast_in_dim3A_101 = vector.shape_cast %reduce_sum3A_100 : vector<256xf32> to vector<256x1xf32>
    %sqrt3A_102 = math.sqrt %broadcast_in_dim3A_101 : vector<256x1xf32>
    %add3A_103 = arith.constant 9.99999996E-13 : f32
    %add3A_104 = vector.broadcast %add3A_103 : f32 to vector<256x1xf32>
    %add3A_105 = arith.addf %sqrt3A_102, %add3A_104 : vector<256x1xf32>
    %div3A_106 = vector.broadcast %add3A_105 : vector<256x1xf32> to vector<256x384xf32>
    %div3A_107 = arith.divf %get3A_97, %div3A_106 : vector<256x384xf32>
    %convert_element_type3A_108 = arith.truncf %div3A_107 : vector<256x384xf32> to vector<256x384xbf16>
    %dot_general3A_109 = arith.constant dense<0.000000e+00> : vector<256x256xf32>
    %dot_general3A_110 = tpu.matmul %convert_element_type3A, %convert_element_type3A_108, %dot_general3A_109 {dimension_numbers = #tpu.dot_dimension_numbers<[1], [1], [0], [0], [0, 0, 1, 0], [], []>, transpose_lhs_hint = false} : vector<256x384xbf16>, vector<256x384xbf16>, vector<256x256xf32> -> vector<256x256xf32>
    %reshape3A_111 = vector.shape_cast %dot_general3A_110 : vector<256x256xf32> to vector<16x16x256xf32>
    %reduce_max3A_112 = arith.constant dense<0xFF800000> : vector<16x16xf32>
    %reduce_max3A_113 = vector.multi_reduction <maximumf>, %reshape3A_111, %reduce_max3A_112 [2] : vector<16x16x256xf32> to vector<16x16xf32>
    %max3A_114 = arith.maximumf %max3A_92, %reduce_max3A_113 : vector<16x16xf32>
    %sub3A = arith.constant 1.000000e+00 : f32
    %sub3A_115 = vector.broadcast %sub3A : f32 to vector<16x16xf32>
    %sub3A_116 = arith.subf %sub3A_115, %max3A_114 : vector<16x16xf32>
    %mul3A_117 = arith.constant 5.000000e-01 : f32
    %mul3A_118 = vector.broadcast %mul3A_117 : f32 to vector<16x16xf32>
    %mul3A_119 = arith.mulf %mul3A_118, %sub3A_116 : vector<16x16xf32>
    %add3A_120 = arith.addf %broadcast_in_dim3A_0, %mul3A_119 : vector<16x16xf32>
    %get3A_121 = arith.constant 0 : index
    %get3A_122 = arith.constant 0 : index
    %get3A_123 = arith.constant 0 : index
    %get3A_124 = vector.load %arg3[%get3A_121, %get3A_122, %get3A_123] : memref<1x256x384xf32, #tpu.memory_space<vmem>>, vector<1x256x384xf32>
    %get3A_125 = vector.shape_cast %get3A_124 : vector<1x256x384xf32> to vector<256x384xf32>
    %mul3A_126 = arith.mulf %get3A_125, %get3A_125 : vector<256x384xf32>
    %reduce_sum3A_127 = arith.constant dense<0.000000e+00> : vector<256xf32>
    %reduce_sum3A_128 = vector.multi_reduction <add>, %mul3A_126, %reduce_sum3A_127 [1] : vector<256x384xf32> to vector<256xf32>
    %broadcast_in_dim3A_129 = vector.shape_cast %reduce_sum3A_128 : vector<256xf32> to vector<256x1xf32>
    %sqrt3A_130 = math.sqrt %broadcast_in_dim3A_129 : vector<256x1xf32>
    %add3A_131 = arith.constant 9.99999996E-13 : f32
    %add3A_132 = vector.broadcast %add3A_131 : f32 to vector<256x1xf32>
    %add3A_133 = arith.addf %sqrt3A_130, %add3A_132 : vector<256x1xf32>
    %div3A_134 = vector.broadcast %add3A_133 : vector<256x1xf32> to vector<256x384xf32>
    %div3A_135 = arith.divf %get3A_125, %div3A_134 : vector<256x384xf32>
    %convert_element_type3A_136 = arith.truncf %div3A_135 : vector<256x384xf32> to vector<256x384xbf16>
    %get3A_137 = arith.constant 0 : index
    %get3A_138 = arith.constant 0 : index
    %get3A_139 = arith.constant 0 : index
    %get3A_140 = vector.load %arg9[%get3A_137, %get3A_138, %get3A_139] : memref<1x256x384xf32, #tpu.memory_space<vmem>>, vector<1x256x384xf32>
    %get3A_141 = vector.shape_cast %get3A_140 : vector<1x256x384xf32> to vector<256x384xf32>
    %mul3A_142 = arith.mulf %get3A_141, %get3A_141 : vector<256x384xf32>
    %reduce_sum3A_143 = arith.constant dense<0.000000e+00> : vector<256xf32>
    %reduce_sum3A_144 = vector.multi_reduction <add>, %mul3A_142, %reduce_sum3A_143 [1] : vector<256x384xf32> to vector<256xf32>
    %broadcast_in_dim3A_145 = vector.shape_cast %reduce_sum3A_144 : vector<256xf32> to vector<256x1xf32>
    %sqrt3A_146 = math.sqrt %broadcast_in_dim3A_145 : vector<256x1xf32>
    %add3A_147 = arith.constant 9.99999996E-13 : f32
    %add3A_148 = vector.broadcast %add3A_147 : f32 to vector<256x1xf32>
    %add3A_149 = arith.addf %sqrt3A_146, %add3A_148 : vector<256x1xf32>
    %div3A_150 = vector.broadcast %add3A_149 : vector<256x1xf32> to vector<256x384xf32>
    %div3A_151 = arith.divf %get3A_141, %div3A_150 : vector<256x384xf32>
    %convert_element_type3A_152 = arith.truncf %div3A_151 : vector<256x384xf32> to vector<256x384xbf16>
    %dot_general3A_153 = arith.constant dense<0.000000e+00> : vector<256x256xf32>
    %dot_general3A_154 = tpu.matmul %convert_element_type3A_136, %convert_element_type3A_152, %dot_general3A_153 {dimension_numbers = #tpu.dot_dimension_numbers<[1], [1], [0], [0], [0, 0, 1, 0], [], []>, transpose_lhs_hint = false} : vector<256x384xbf16>, vector<256x384xbf16>, vector<256x256xf32> -> vector<256x256xf32>
    %reshape3A_155 = vector.shape_cast %dot_general3A_154 : vector<256x256xf32> to vector<16x16x256xf32>
    %reduce_max3A_156 = arith.constant dense<0xFF800000> : vector<16x16xf32>
    %reduce_max3A_157 = vector.multi_reduction <maximumf>, %reshape3A_155, %reduce_max3A_156 [2] : vector<16x16x256xf32> to vector<16x16xf32>
    %get3A_158 = arith.constant 0 : index
    %get3A_159 = arith.constant 0 : index
    %get3A_160 = arith.constant 0 : index
    %get3A_161 = vector.load %arg10[%get3A_158, %get3A_159, %get3A_160] : memref<1x256x384xf32, #tpu.memory_space<vmem>>, vector<1x256x384xf32>
    %get3A_162 = vector.shape_cast %get3A_161 : vector<1x256x384xf32> to vector<256x384xf32>
    %mul3A_163 = arith.mulf %get3A_162, %get3A_162 : vector<256x384xf32>
    %reduce_sum3A_164 = arith.constant dense<0.000000e+00> : vector<256xf32>
    %reduce_sum3A_165 = vector.multi_reduction <add>, %mul3A_163, %reduce_sum3A_164 [1] : vector<256x384xf32> to vector<256xf32>
    %broadcast_in_dim3A_166 = vector.shape_cast %reduce_sum3A_165 : vector<256xf32> to vector<256x1xf32>
    %sqrt3A_167 = math.sqrt %broadcast_in_dim3A_166 : vector<256x1xf32>
    %add3A_168 = arith.constant 9.99999996E-13 : f32
    %add3A_169 = vector.broadcast %add3A_168 : f32 to vector<256x1xf32>
    %add3A_170 = arith.addf %sqrt3A_167, %add3A_169 : vector<256x1xf32>
    %div3A_171 = vector.broadcast %add3A_170 : vector<256x1xf32> to vector<256x384xf32>
    %div3A_172 = arith.divf %get3A_162, %div3A_171 : vector<256x384xf32>
    %convert_element_type3A_173 = arith.truncf %div3A_172 : vector<256x384xf32> to vector<256x384xbf16>
    %dot_general3A_174 = arith.constant dense<0.000000e+00> : vector<256x256xf32>
    %dot_general3A_175 = tpu.matmul %convert_element_type3A_136, %convert_element_type3A_173, %dot_general3A_174 {dimension_numbers = #tpu.dot_dimension_numbers<[1], [1], [0], [0], [0, 0, 1, 0], [], []>, transpose_lhs_hint = false} : vector<256x384xbf16>, vector<256x384xbf16>, vector<256x256xf32> -> vector<256x256xf32>
    %reshape3A_176 = vector.shape_cast %dot_general3A_175 : vector<256x256xf32> to vector<16x16x256xf32>
    %reduce_max3A_177 = arith.constant dense<0xFF800000> : vector<16x16xf32>
    %reduce_max3A_178 = vector.multi_reduction <maximumf>, %reshape3A_176, %reduce_max3A_177 [2] : vector<16x16x256xf32> to vector<16x16xf32>
    %max3A_179 = arith.maximumf %reduce_max3A_157, %reduce_max3A_178 : vector<16x16xf32>
    %get3A_180 = arith.constant 0 : index
    %get3A_181 = arith.constant 0 : index
    %get3A_182 = arith.constant 0 : index
    %get3A_183 = vector.load %arg11[%get3A_180, %get3A_181, %get3A_182] : memref<1x256x384xf32, #tpu.memory_space<vmem>>, vector<1x256x384xf32>
    %get3A_184 = vector.shape_cast %get3A_183 : vector<1x256x384xf32> to vector<256x384xf32>
    %mul3A_185 = arith.mulf %get3A_184, %get3A_184 : vector<256x384xf32>
    %reduce_sum3A_186 = arith.constant dense<0.000000e+00> : vector<256xf32>
    %reduce_sum3A_187 = vector.multi_reduction <add>, %mul3A_185, %reduce_sum3A_186 [1] : vector<256x384xf32> to vector<256xf32>
    %broadcast_in_dim3A_188 = vector.shape_cast %reduce_sum3A_187 : vector<256xf32> to vector<256x1xf32>
    %sqrt3A_189 = math.sqrt %broadcast_in_dim3A_188 : vector<256x1xf32>
    %add3A_190 = arith.constant 9.99999996E-13 : f32
    %add3A_191 = vector.broadcast %add3A_190 : f32 to vector<256x1xf32>
    %add3A_192 = arith.addf %sqrt3A_189, %add3A_191 : vector<256x1xf32>
    %div3A_193 = vector.broadcast %add3A_192 : vector<256x1xf32> to vector<256x384xf32>
    %div3A_194 = arith.divf %get3A_184, %div3A_193 : vector<256x384xf32>
    %convert_element_type3A_195 = arith.truncf %div3A_194 : vector<256x384xf32> to vector<256x384xbf16>
    %dot_general3A_196 = arith.constant dense<0.000000e+00> : vector<256x256xf32>
    %dot_general3A_197 = tpu.matmul %convert_element_type3A_136, %convert_element_type3A_195, %dot_general3A_196 {dimension_numbers = #tpu.dot_dimension_numbers<[1], [1], [0], [0], [0, 0, 1, 0], [], []>, transpose_lhs_hint = false} : vector<256x384xbf16>, vector<256x384xbf16>, vector<256x256xf32> -> vector<256x256xf32>
    %reshape3A_198 = vector.shape_cast %dot_general3A_197 : vector<256x256xf32> to vector<16x16x256xf32>
    %reduce_max3A_199 = arith.constant dense<0xFF800000> : vector<16x16xf32>
    %reduce_max3A_200 = vector.multi_reduction <maximumf>, %reshape3A_198, %reduce_max3A_199 [2] : vector<16x16x256xf32> to vector<16x16xf32>
    %max3A_201 = arith.maximumf %max3A_179, %reduce_max3A_200 : vector<16x16xf32>
    %get3A_202 = arith.constant 0 : index
    %get3A_203 = arith.constant 0 : index
    %get3A_204 = arith.constant 0 : index
    %get3A_205 = vector.load %arg12[%get3A_202, %get3A_203, %get3A_204] : memref<1x256x384xf32, #tpu.memory_space<vmem>>, vector<1x256x384xf32>
    %get3A_206 = vector.shape_cast %get3A_205 : vector<1x256x384xf32> to vector<256x384xf32>
    %mul3A_207 = arith.mulf %get3A_206, %get3A_206 : vector<256x384xf32>
    %reduce_sum3A_208 = arith.constant dense<0.000000e+00> : vector<256xf32>
    %reduce_sum3A_209 = vector.multi_reduction <add>, %mul3A_207, %reduce_sum3A_208 [1] : vector<256x384xf32> to vector<256xf32>
    %broadcast_in_dim3A_210 = vector.shape_cast %reduce_sum3A_209 : vector<256xf32> to vector<256x1xf32>
    %sqrt3A_211 = math.sqrt %broadcast_in_dim3A_210 : vector<256x1xf32>
    %add3A_212 = arith.constant 9.99999996E-13 : f32
    %add3A_213 = vector.broadcast %add3A_212 : f32 to vector<256x1xf32>
    %add3A_214 = arith.addf %sqrt3A_211, %add3A_213 : vector<256x1xf32>
    %div3A_215 = vector.broadcast %add3A_214 : vector<256x1xf32> to vector<256x384xf32>
    %div3A_216 = arith.divf %get3A_206, %div3A_215 : vector<256x384xf32>
    %convert_element_type3A_217 = arith.truncf %div3A_216 : vector<256x384xf32> to vector<256x384xbf16>
    %dot_general3A_218 = arith.constant dense<0.000000e+00> : vector<256x256xf32>
    %dot_general3A_219 = tpu.matmul %convert_element_type3A_136, %convert_element_type3A_217, %dot_general3A_218 {dimension_numbers = #tpu.dot_dimension_numbers<[1], [1], [0], [0], [0, 0, 1, 0], [], []>, transpose_lhs_hint = false} : vector<256x384xbf16>, vector<256x384xbf16>, vector<256x256xf32> -> vector<256x256xf32>
    %reshape3A_220 = vector.shape_cast %dot_general3A_219 : vector<256x256xf32> to vector<16x16x256xf32>
    %reduce_max3A_221 = arith.constant dense<0xFF800000> : vector<16x16xf32>
    %reduce_max3A_222 = vector.multi_reduction <maximumf>, %reshape3A_220, %reduce_max3A_221 [2] : vector<16x16x256xf32> to vector<16x16xf32>
    %max3A_223 = arith.maximumf %max3A_201, %reduce_max3A_222 : vector<16x16xf32>
    %get3A_224 = arith.constant 0 : index
    %get3A_225 = arith.constant 0 : index
    %get3A_226 = arith.constant 0 : index
    %get3A_227 = vector.load %arg13[%get3A_224, %get3A_225, %get3A_226] : memref<1x256x384xf32, #tpu.memory_space<vmem>>, vector<1x256x384xf32>
    %get3A_228 = vector.shape_cast %get3A_227 : vector<1x256x384xf32> to vector<256x384xf32>
    %mul3A_229 = arith.mulf %get3A_228, %get3A_228 : vector<256x384xf32>
    %reduce_sum3A_230 = arith.constant dense<0.000000e+00> : vector<256xf32>
    %reduce_sum3A_231 = vector.multi_reduction <add>, %mul3A_229, %reduce_sum3A_230 [1] : vector<256x384xf32> to vector<256xf32>
    %broadcast_in_dim3A_232 = vector.shape_cast %reduce_sum3A_231 : vector<256xf32> to vector<256x1xf32>
    %sqrt3A_233 = math.sqrt %broadcast_in_dim3A_232 : vector<256x1xf32>
    %add3A_234 = arith.constant 9.99999996E-13 : f32
    %add3A_235 = vector.broadcast %add3A_234 : f32 to vector<256x1xf32>
    %add3A_236 = arith.addf %sqrt3A_233, %add3A_235 : vector<256x1xf32>
    %div3A_237 = vector.broadcast %add3A_236 : vector<256x1xf32> to vector<256x384xf32>
    %div3A_238 = arith.divf %get3A_228, %div3A_237 : vector<256x384xf32>
    %convert_element_type3A_239 = arith.truncf %div3A_238 : vector<256x384xf32> to vector<256x384xbf16>
    %dot_general3A_240 = arith.constant dense<0.000000e+00> : vector<256x256xf32>
    %dot_general3A_241 = tpu.matmul %convert_element_type3A_136, %convert_element_type3A_239, %dot_general3A_240 {dimension_numbers = #tpu.dot_dimension_numbers<[1], [1], [0], [0], [0, 0, 1, 0], [], []>, transpose_lhs_hint = false} : vector<256x384xbf16>, vector<256x384xbf16>, vector<256x256xf32> -> vector<256x256xf32>
    %reshape3A_242 = vector.shape_cast %dot_general3A_241 : vector<256x256xf32> to vector<16x16x256xf32>
    %reduce_max3A_243 = arith.constant dense<0xFF800000> : vector<16x16xf32>
    %reduce_max3A_244 = vector.multi_reduction <maximumf>, %reshape3A_242, %reduce_max3A_243 [2] : vector<16x16x256xf32> to vector<16x16xf32>
    %max3A_245 = arith.maximumf %max3A_223, %reduce_max3A_244 : vector<16x16xf32>
    %sub3A_246 = arith.constant 1.000000e+00 : f32
    %sub3A_247 = vector.broadcast %sub3A_246 : f32 to vector<16x16xf32>
    %sub3A_248 = arith.subf %sub3A_247, %max3A_245 : vector<16x16xf32>
    %mul3A_249 = arith.constant 5.000000e-01 : f32
    %mul3A_250 = vector.broadcast %mul3A_249 : f32 to vector<16x16xf32>
    %mul3A_251 = arith.mulf %mul3A_250, %sub3A_248 : vector<16x16xf32>
    %add3A_252 = arith.addf %add3A_120, %mul3A_251 : vector<16x16xf32>
    %broadcast_in_dim3A_253 = arith.constant 0.000000e+00 : f32
    %broadcast_in_dim3A_254 = vector.broadcast %broadcast_in_dim3A_253 : f32 to vector<224x224xf32>
    %get3A_255 = arith.constant 0 : index
    %get3A_256 = arith.constant 0 : index
    %get3A_257 = arith.constant 0 : index
    %get3A_258 = vector.load %arg15[%get3A_255, %get3A_256, %get3A_257] : memref<5x16x224xf32, #tpu.memory_space<vmem>>, vector<1x16x224xf32>
    %get3A_259 = vector.shape_cast %get3A_258 : vector<1x16x224xf32> to vector<16x224xf32>
    %dot_general3A_260 = arith.constant dense<0.000000e+00> : vector<16x224xf32>
    %dot_general3A_261 = tpu.matmul %add3A_252, %get3A_259, %dot_general3A_260 {dimension_numbers = #tpu.dot_dimension_numbers<[1], [0], [0], [1], [0, 0, 1, 1], [], []>, transpose_lhs_hint = false} : vector<16x16xf32>, vector<16x224xf32>, vector<16x224xf32> -> vector<16x224xf32>
    %get3A_262 = arith.constant 0 : index
    %get3A_263 = arith.constant 0 : index
    %get3A_264 = arith.constant 0 : index
    %get3A_265 = vector.load %arg14[%get3A_262, %get3A_263, %get3A_264] : memref<5x224x16xf32, #tpu.memory_space<vmem>>, vector<1x224x16xf32>
    %get3A_266 = vector.shape_cast %get3A_265 : vector<1x224x16xf32> to vector<224x16xf32>
    %dot_general3A_267 = arith.constant dense<0.000000e+00> : vector<224x224xf32>
    %dot_general3A_268 = tpu.matmul %get3A_266, %dot_general3A_261, %dot_general3A_267 {dimension_numbers = #tpu.dot_dimension_numbers<[1], [0], [0], [1], [0, 0, 1, 1], [], []>, transpose_lhs_hint = false} : vector<224x16xf32>, vector<16x224xf32>, vector<224x224xf32> -> vector<224x224xf32>
    %add3A_269 = arith.addf %broadcast_in_dim3A_254, %dot_general3A_268 : vector<224x224xf32>
    %get3A_270 = arith.constant 1 : index
    %get3A_271 = arith.constant 0 : index
    %get3A_272 = arith.constant 0 : index
    %get3A_273 = vector.load %arg15[%get3A_270, %get3A_271, %get3A_272] : memref<5x16x224xf32, #tpu.memory_space<vmem>>, vector<1x16x224xf32>
    %get3A_274 = vector.shape_cast %get3A_273 : vector<1x16x224xf32> to vector<16x224xf32>
    %dot_general3A_275 = arith.constant dense<0.000000e+00> : vector<16x224xf32>
    %dot_general3A_276 = tpu.matmul %add3A_252, %get3A_274, %dot_general3A_275 {dimension_numbers = #tpu.dot_dimension_numbers<[1], [0], [0], [1], [0, 0, 1, 1], [], []>, transpose_lhs_hint = false} : vector<16x16xf32>, vector<16x224xf32>, vector<16x224xf32> -> vector<16x224xf32>
    %get3A_277 = arith.constant 1 : index
    %get3A_278 = arith.constant 0 : index
    %get3A_279 = arith.constant 0 : index
    %get3A_280 = vector.load %arg14[%get3A_277, %get3A_278, %get3A_279] : memref<5x224x16xf32, #tpu.memory_space<vmem>>, vector<1x224x16xf32>
    %get3A_281 = vector.shape_cast %get3A_280 : vector<1x224x16xf32> to vector<224x16xf32>
    %dot_general3A_282 = arith.constant dense<0.000000e+00> : vector<224x224xf32>
    %dot_general3A_283 = tpu.matmul %get3A_281, %dot_general3A_276, %dot_general3A_282 {dimension_numbers = #tpu.dot_dimension_numbers<[1], [0], [0], [1], [0, 0, 1, 1], [], []>, transpose_lhs_hint = false} : vector<224x16xf32>, vector<16x224xf32>, vector<224x224xf32> -> vector<224x224xf32>
    %add3A_284 = arith.addf %add3A_269, %dot_general3A_283 : vector<224x224xf32>
    %get3A_285 = arith.constant 2 : index
    %get3A_286 = arith.constant 0 : index
    %get3A_287 = arith.constant 0 : index
    %get3A_288 = vector.load %arg15[%get3A_285, %get3A_286, %get3A_287] : memref<5x16x224xf32, #tpu.memory_space<vmem>>, vector<1x16x224xf32>
    %get3A_289 = vector.shape_cast %get3A_288 : vector<1x16x224xf32> to vector<16x224xf32>
    %dot_general3A_290 = arith.constant dense<0.000000e+00> : vector<16x224xf32>
    %dot_general3A_291 = tpu.matmul %add3A_252, %get3A_289, %dot_general3A_290 {dimension_numbers = #tpu.dot_dimension_numbers<[1], [0], [0], [1], [0, 0, 1, 1], [], []>, transpose_lhs_hint = false} : vector<16x16xf32>, vector<16x224xf32>, vector<16x224xf32> -> vector<16x224xf32>
    %get3A_292 = arith.constant 2 : index
    %get3A_293 = arith.constant 0 : index
    %get3A_294 = arith.constant 0 : index
    %get3A_295 = vector.load %arg14[%get3A_292, %get3A_293, %get3A_294] : memref<5x224x16xf32, #tpu.memory_space<vmem>>, vector<1x224x16xf32>
    %get3A_296 = vector.shape_cast %get3A_295 : vector<1x224x16xf32> to vector<224x16xf32>
    %dot_general3A_297 = arith.constant dense<0.000000e+00> : vector<224x224xf32>
    %dot_general3A_298 = tpu.matmul %get3A_296, %dot_general3A_291, %dot_general3A_297 {dimension_numbers = #tpu.dot_dimension_numbers<[1], [0], [0], [1], [0, 0, 1, 1], [], []>, transpose_lhs_hint = false} : vector<224x16xf32>, vector<16x224xf32>, vector<224x224xf32> -> vector<224x224xf32>
    %add3A_299 = arith.addf %add3A_284, %dot_general3A_298 : vector<224x224xf32>
    %get3A_300 = arith.constant 3 : index
    %get3A_301 = arith.constant 0 : index
    %get3A_302 = arith.constant 0 : index
    %get3A_303 = vector.load %arg15[%get3A_300, %get3A_301, %get3A_302] : memref<5x16x224xf32, #tpu.memory_space<vmem>>, vector<1x16x224xf32>
    %get3A_304 = vector.shape_cast %get3A_303 : vector<1x16x224xf32> to vector<16x224xf32>
    %dot_general3A_305 = arith.constant dense<0.000000e+00> : vector<16x224xf32>
    %dot_general3A_306 = tpu.matmul %add3A_252, %get3A_304, %dot_general3A_305 {dimension_numbers = #tpu.dot_dimension_numbers<[1], [0], [0], [1], [0, 0, 1, 1], [], []>, transpose_lhs_hint = false} : vector<16x16xf32>, vector<16x224xf32>, vector<16x224xf32> -> vector<16x224xf32>
    %get3A_307 = arith.constant 3 : index
    %get3A_308 = arith.constant 0 : index
    %get3A_309 = arith.constant 0 : index
    %get3A_310 = vector.load %arg14[%get3A_307, %get3A_308, %get3A_309] : memref<5x224x16xf32, #tpu.memory_space<vmem>>, vector<1x224x16xf32>
    %get3A_311 = vector.shape_cast %get3A_310 : vector<1x224x16xf32> to vector<224x16xf32>
    %dot_general3A_312 = arith.constant dense<0.000000e+00> : vector<224x224xf32>
    %dot_general3A_313 = tpu.matmul %get3A_311, %dot_general3A_306, %dot_general3A_312 {dimension_numbers = #tpu.dot_dimension_numbers<[1], [0], [0], [1], [0, 0, 1, 1], [], []>, transpose_lhs_hint = false} : vector<224x16xf32>, vector<16x224xf32>, vector<224x224xf32> -> vector<224x224xf32>
    %add3A_314 = arith.addf %add3A_299, %dot_general3A_313 : vector<224x224xf32>
    %get3A_315 = arith.constant 4 : index
    %get3A_316 = arith.constant 0 : index
    %get3A_317 = arith.constant 0 : index
    %get3A_318 = vector.load %arg15[%get3A_315, %get3A_316, %get3A_317] : memref<5x16x224xf32, #tpu.memory_space<vmem>>, vector<1x16x224xf32>
    %get3A_319 = vector.shape_cast %get3A_318 : vector<1x16x224xf32> to vector<16x224xf32>
    %dot_general3A_320 = arith.constant dense<0.000000e+00> : vector<16x224xf32>
    %dot_general3A_321 = tpu.matmul %add3A_252, %get3A_319, %dot_general3A_320 {dimension_numbers = #tpu.dot_dimension_numbers<[1], [0], [0], [1], [0, 0, 1, 1], [], []>, transpose_lhs_hint = false} : vector<16x16xf32>, vector<16x224xf32>, vector<16x224xf32> -> vector<16x224xf32>
    %get3A_322 = arith.constant 4 : index
    %get3A_323 = arith.constant 0 : index
    %get3A_324 = arith.constant 0 : index
    %get3A_325 = vector.load %arg14[%get3A_322, %get3A_323, %get3A_324] : memref<5x224x16xf32, #tpu.memory_space<vmem>>, vector<1x224x16xf32>
    %get3A_326 = vector.shape_cast %get3A_325 : vector<1x224x16xf32> to vector<224x16xf32>
    %dot_general3A_327 = arith.constant dense<0.000000e+00> : vector<224x224xf32>
    %dot_general3A_328 = tpu.matmul %get3A_326, %dot_general3A_321, %dot_general3A_327 {dimension_numbers = #tpu.dot_dimension_numbers<[1], [0], [0], [1], [0, 0, 1, 1], [], []>, transpose_lhs_hint = false} : vector<224x16xf32>, vector<16x224xf32>, vector<224x224xf32> -> vector<224x224xf32>
    %add3A_329 = arith.addf %add3A_314, %dot_general3A_328 : vector<224x224xf32>
    %swap3A = arith.constant 0 : index
    %swap3A_330 = arith.constant 0 : index
    %swap3A_331 = arith.constant 0 : index
    %swap3A_332 = vector.load %arg16[%swap3A, %swap3A_330, %swap3A_331] : memref<1x224x224xf32, #tpu.memory_space<vmem>>, vector<1x224x224xf32>
    %swap3A_333 = vector.shape_cast %swap3A_332 : vector<1x224x224xf32> to vector<224x224xf32>
    %swap3A_334 = vector.shape_cast %add3A_329 : vector<224x224xf32> to vector<1x224x224xf32>
    tpu.vector_store %arg16[%swap3A, %swap3A_330, %swap3A_331], %swap3A_334 {strides = array<i32>} : memref<1x224x224xf32, #tpu.memory_space<vmem>>, vector<1x224x224xf32>,
    %reduce_max3A_335 = vector.shape_cast %add3A_329 : vector<224x224xf32> to vector<1x224x224xf32>
    %reduce_max3A_336 = arith.constant dense<0xFF800000> : vector<1xf32>
    %reduce_max3A_337 = vector.multi_reduction <maximumf>, %reduce_max3A_335, %reduce_max3A_336 [1, 2] : vector<1x224x224xf32> to vector<1xf32>
    %reduce_max3A_338 = vector.shape_cast %reduce_max3A_337 : vector<1xf32> to vector<1x1x1xf32>
    %reduce_max3A_339 = vector.extract %reduce_max3A_338[0, 0, 0] : f32 from vector<1x1x1xf32>
    %sub3A_340 = arith.constant 3.000000e-01 : f32
    %sub3A_341 = arith.subf %reduce_max3A_339, %sub3A_340 : f32
    %div3A_342 = arith.constant 1.000000e-01 : f32
    %div3A_343 = arith.divf %sub3A_341, %div3A_342 : f32
    %iota3A = tpu.iota {dimensions = array<i32: 1>} : vector<1x16xi32>
    %eq3A = vector.broadcast %arg0 : i32 to vector<1x16xi32>
    %eq3A_344 = arith.cmpi eq, %iota3A, %eq3A : vector<1x16xi32>
    %get3A_345 = arith.constant 0 : index
    %get3A_346 = arith.constant 0 : index
    %get3A_347 = vector.load %arg17[%get3A_345, %get3A_346] : memref<1x16xf32, #tpu.memory_space<vmem>>, vector<1x16xf32>
    %broadcast_in_dim3A_348 = vector.broadcast %reduce_max3A_339 : f32 to vector<1x16xf32>
    %select_n3A = arith.select %eq3A_344, %broadcast_in_dim3A_348, %get3A_347 : vector<1x16xi1>, vector<1x16xf32>
    %swap3A_349 = arith.constant 0 : index
    %swap3A_350 = arith.constant 0 : index
    %swap3A_351 = vector.load %arg17[%swap3A_349, %swap3A_350] : memref<1x16xf32, #tpu.memory_space<vmem>>, vector<1x16xf32>
    tpu.vector_store %arg17[%swap3A_349, %swap3A_350], %select_n3A {strides = array<i32>} : memref<1x16xf32, #tpu.memory_space<vmem>>, vector<1x16xf32>,
    %eq3A_352 = vector.broadcast %arg0 : i32 to vector<1x16xi32>
    %eq3A_353 = arith.cmpi eq, %iota3A, %eq3A_352 : vector<1x16xi32>
    %gt3A = arith.constant 2.000000e+00 : f32
    %gt3A_354 = arith.cmpf ogt, %div3A_343, %gt3A : f32
    %convert_element_type3A_355 = arith.extui %gt3A_354 : i1 to i32
    %convert_element_type3A_356 = arith.sitofp %convert_element_type3A_355 : i32 to f32
    %get3A_357 = arith.constant 0 : index
    %get3A_358 = arith.constant 0 : index
    %get3A_359 = vector.load %arg18[%get3A_357, %get3A_358] : memref<1x16xf32, #tpu.memory_space<vmem>>, vector<1x16xf32>
    %broadcast_in_dim3A_360 = vector.broadcast %convert_element_type3A_356 : f32 to vector<1x16xf32>
    %select_n3A_361 = arith.select %eq3A_353, %broadcast_in_dim3A_360, %get3A_359 : vector<1x16xi1>, vector<1x16xf32>
    %swap3A_362 = arith.constant 0 : index
    %swap3A_363 = arith.constant 0 : index
    %swap3A_364 = vector.load %arg18[%swap3A_362, %swap3A_363] : memref<1x16xf32, #tpu.memory_space<vmem>>, vector<1x16xf32>
    tpu.vector_store %arg18[%swap3A_362, %swap3A_363], %select_n3A_361 {strides = array<i32>} : memref<1x16xf32, #tpu.memory_space<vmem>>, vector<1x16xf32>,
    return
  }
  func.func @transform_0(%arg0: i32, %arg1: memref<512xi32, #tpu.memory_space<smem>>) -> (i32, i32, i32) {
    %add3A = arith.constant 0 : i32
    %add3A_0 = arith.addi %add3A, %arg0 : i32
    %c0_i32 = arith.constant 0 : i32
    %c0_i32_1 = arith.constant 0 : i32
    %c0_i32_2 = arith.constant 0 : i32
    return %add3A_0, %c0_i32, %c0_i32_1 : i32, i32, i32
  }
  func.func @transform_1(%arg0: i32, %arg1: memref<512xi32, #tpu.memory_space<smem>>) -> (i32, i32, i32) {
    %add3A = arith.constant 16 : i32
    %add3A_0 = arith.addi %add3A, %arg0 : i32
    %c0_i32 = arith.constant 0 : i32
    %c0_i32_1 = arith.constant 0 : i32
    %c0_i32_2 = arith.constant 0 : i32
    return %add3A_0, %c0_i32, %c0_i32_1 : i32, i32, i32
  }
  func.func @transform_2(%arg0: i32, %arg1: memref<512xi32, #tpu.memory_space<smem>>) -> (i32, i32, i32) {
    %add3A = arith.constant 0 : i32
    %add3A_0 = arith.addi %add3A, %arg0 : i32
    %mul3A = arith.constant 16 : i32
    %mul3A_1 = arith.muli %add3A_0, %mul3A : i32
    %add3A_2 = arith.constant 0 : i32
    %add3A_3 = arith.addi %mul3A_1, %add3A_2 : i32
    %get3A = arith.index_cast %add3A_3 : i32 to index
    %get3A_4 = memref.load %arg1[%get3A] : memref<512xi32, #tpu.memory_space<smem>>
    %add3A_5 = arith.constant 0 : i32
    %add3A_6 = arith.addi %add3A_5, %get3A_4 : i32
    %c0_i32 = arith.constant 0 : i32
    %c0_i32_7 = arith.constant 0 : i32
    %c0_i32_8 = arith.constant 0 : i32
    return %add3A_6, %c0_i32, %c0_i32_7 : i32, i32, i32
  }
  func.func @transform_3(%arg0: i32, %arg1: memref<512xi32, #tpu.memory_space<smem>>) -> (i32, i32, i32) {
    %add3A = arith.constant 0 : i32
    %add3A_0 = arith.addi %add3A, %arg0 : i32
    %mul3A = arith.constant 16 : i32
    %mul3A_1 = arith.muli %add3A_0, %mul3A : i32
    %add3A_2 = arith.constant 1 : i32
    %add3A_3 = arith.addi %mul3A_1, %add3A_2 : i32
    %get3A = arith.index_cast %add3A_3 : i32 to index
    %get3A_4 = memref.load %arg1[%get3A] : memref<512xi32, #tpu.memory_space<smem>>
    %add3A_5 = arith.constant 0 : i32
    %add3A_6 = arith.addi %add3A_5, %get3A_4 : i32
    %c0_i32 = arith.constant 0 : i32
    %c0_i32_7 = arith.constant 0 : i32
    %c0_i32_8 = arith.constant 0 : i32
    return %add3A_6, %c0_i32, %c0_i32_7 : i32, i32, i32
  }
  func.func @transform_4(%arg0: i32, %arg1: memref<512xi32, #tpu.memory_space<smem>>) -> (i32, i32, i32) {
    %add3A = arith.constant 0 : i32
    %add3A_0 = arith.addi %add3A, %arg0 : i32
    %mul3A = arith.constant 16 : i32
    %mul3A_1 = arith.muli %add3A_0, %mul3A : i32
    %add3A_2 = arith.constant 2 : i32
    %add3A_3 = arith.addi %mul3A_1, %add3A_2 : i32
    %get3A = arith.index_cast %add3A_3 : i32 to index
    %get3A_4 = memref.load %arg1[%get3A] : memref<512xi32, #tpu.memory_space<smem>>
    %add3A_5 = arith.constant 0 : i32
    %add3A_6 = arith.addi %add3A_5, %get3A_4 : i32
    %c0_i32 = arith.constant 0 : i32
    %c0_i32_7 = arith.constant 0 : i32
    %c0_i32_8 = arith.constant 0 : i32
    return %add3A_6, %c0_i32, %c0_i32_7 : i32, i32, i32
  }
  func.func @transform_5(%arg0: i32, %arg1: memref<512xi32, #tpu.memory_space<smem>>) -> (i32, i32, i32) {
    %add3A = arith.constant 0 : i32
    %add3A_0 = arith.addi %add3A, %arg0 : i32
    %mul3A = arith.constant 16 : i32
    %mul3A_1 = arith.muli %add3A_0, %mul3A : i32
    %add3A_2 = arith.constant 3 : i32
    %add3A_3 = arith.addi %mul3A_1, %add3A_2 : i32
    %get3A = arith.index_cast %add3A_3 : i32 to index
    %get3A_4 = memref.load %arg1[%get3A] : memref<512xi32, #tpu.memory_space<smem>>
    %add3A_5 = arith.constant 0 : i32
    %add3A_6 = arith.addi %add3A_5, %get3A_4 : i32
    %c0_i32 = arith.constant 0 : i32
    %c0_i32_7 = arith.constant 0 : i32
    %c0_i32_8 = arith.constant 0 : i32
    return %add3A_6, %c0_i32, %c0_i32_7 : i32, i32, i32
  }
  func.func @transform_6(%arg0: i32, %arg1: memref<512xi32, #tpu.memory_space<smem>>) -> (i32, i32, i32) {
    %add3A = arith.constant 0 : i32
    %add3A_0 = arith.addi %add3A, %arg0 : i32
    %mul3A = arith.constant 16 : i32
    %mul3A_1 = arith.muli %add3A_0, %mul3A : i32
    %add3A_2 = arith.constant 4 : i32
    %add3A_3 = arith.addi %mul3A_1, %add3A_2 : i32
    %get3A = arith.index_cast %add3A_3 : i32 to index
    %get3A_4 = memref.load %arg1[%get3A] : memref<512xi32, #tpu.memory_space<smem>>
    %add3A_5 = arith.constant 0 : i32
    %add3A_6 = arith.addi %add3A_5, %get3A_4 : i32
    %c0_i32 = arith.constant 0 : i32
    %c0_i32_7 = arith.constant 0 : i32
    %c0_i32_8 = arith.constant 0 : i32
    return %add3A_6, %c0_i32, %c0_i32_7 : i32, i32, i32
  }
  func.func @transform_7(%arg0: i32, %arg1: memref<512xi32, #tpu.memory_space<smem>>) -> (i32, i32, i32) {
    %add3A = arith.constant 16 : i32
    %add3A_0 = arith.addi %add3A, %arg0 : i32
    %mul3A = arith.constant 16 : i32
    %mul3A_1 = arith.muli %add3A_0, %mul3A : i32
    %add3A_2 = arith.constant 0 : i32
    %add3A_3 = arith.addi %mul3A_1, %add3A_2 : i32
    %get3A = arith.index_cast %add3A_3 : i32 to index
    %get3A_4 = memref.load %arg1[%get3A] : memref<512xi32, #tpu.memory_space<smem>>
    %add3A_5 = arith.constant 200 : i32
    %add3A_6 = arith.addi %add3A_5, %get3A_4 : i32
    %c0_i32 = arith.constant 0 : i32
    %c0_i32_7 = arith.constant 0 : i32
    %c0_i32_8 = arith.constant 0 : i32
    return %add3A_6, %c0_i32, %c0_i32_7 : i32, i32, i32
  }
  func.func @transform_8(%arg0: i32, %arg1: memref<512xi32, #tpu.memory_space<smem>>) -> (i32, i32, i32) {
    %add3A = arith.constant 16 : i32
    %add3A_0 = arith.addi %add3A, %arg0 : i32
    %mul3A = arith.constant 16 : i32
    %mul3A_1 = arith.muli %add3A_0, %mul3A : i32
    %add3A_2 = arith.constant 1 : i32
    %add3A_3 = arith.addi %mul3A_1, %add3A_2 : i32
    %get3A = arith.index_cast %add3A_3 : i32 to index
    %get3A_4 = memref.load %arg1[%get3A] : memref<512xi32, #tpu.memory_space<smem>>
    %add3A_5 = arith.constant 200 : i32
    %add3A_6 = arith.addi %add3A_5, %get3A_4 : i32
    %c0_i32 = arith.constant 0 : i32
    %c0_i32_7 = arith.constant 0 : i32
    %c0_i32_8 = arith.constant 0 : i32
    return %add3A_6, %c0_i32, %c0_i32_7 : i32, i32, i32
  }
  func.func @transform_9(%arg0: i32, %arg1: memref<512xi32, #tpu.memory_space<smem>>) -> (i32, i32, i32) {
    %add3A = arith.constant 16 : i32
    %add3A_0 = arith.addi %add3A, %arg0 : i32
    %mul3A = arith.constant 16 : i32
    %mul3A_1 = arith.muli %add3A_0, %mul3A : i32
    %add3A_2 = arith.constant 2 : i32
    %add3A_3 = arith.addi %mul3A_1, %add3A_2 : i32
    %get3A = arith.index_cast %add3A_3 : i32 to index
    %get3A_4 = memref.load %arg1[%get3A] : memref<512xi32, #tpu.memory_space<smem>>
    %add3A_5 = arith.constant 200 : i32
    %add3A_6 = arith.addi %add3A_5, %get3A_4 : i32
    %c0_i32 = arith.constant 0 : i32
    %c0_i32_7 = arith.constant 0 : i32
    %c0_i32_8 = arith.constant 0 : i32
    return %add3A_6, %c0_i32, %c0_i32_7 : i32, i32, i32
  }
  func.func @transform_10(%arg0: i32, %arg1: memref<512xi32, #tpu.memory_space<smem>>) -> (i32, i32, i32) {
    %add3A = arith.constant 16 : i32
    %add3A_0 = arith.addi %add3A, %arg0 : i32
    %mul3A = arith.constant 16 : i32
    %mul3A_1 = arith.muli %add3A_0, %mul3A : i32
    %add3A_2 = arith.constant 3 : i32
    %add3A_3 = arith.addi %mul3A_1, %add3A_2 : i32
    %get3A = arith.index_cast %add3A_3 : i32 to index
    %get3A_4 = memref.load %arg1[%get3A] : memref<512xi32, #tpu.memory_space<smem>>
    %add3A_5 = arith.constant 200 : i32
    %add3A_6 = arith.addi %add3A_5, %get3A_4 : i32
    %c0_i32 = arith.constant 0 : i32
    %c0_i32_7 = arith.constant 0 : i32
    %c0_i32_8 = arith.constant 0 : i32
    return %add3A_6, %c0_i32, %c0_i32_7 : i32, i32, i32
  }
  func.func @transform_11(%arg0: i32, %arg1: memref<512xi32, #tpu.memory_space<smem>>) -> (i32, i32, i32) {
    %add3A = arith.constant 16 : i32
    %add3A_0 = arith.addi %add3A, %arg0 : i32
    %mul3A = arith.constant 16 : i32
    %mul3A_1 = arith.muli %add3A_0, %mul3A : i32
    %add3A_2 = arith.constant 4 : i32
    %add3A_3 = arith.addi %mul3A_1, %add3A_2 : i32
    %get3A = arith.index_cast %add3A_3 : i32 to index
    %get3A_4 = memref.load %arg1[%get3A] : memref<512xi32, #tpu.memory_space<smem>>
    %add3A_5 = arith.constant 200 : i32
    %add3A_6 = arith.addi %add3A_5, %get3A_4 : i32
    %c0_i32 = arith.constant 0 : i32
    %c0_i32_7 = arith.constant 0 : i32
    %c0_i32_8 = arith.constant 0 : i32
    return %add3A_6, %c0_i32, %c0_i32_7 : i32, i32, i32
  }
  func.func @transform_12(%arg0: i32, %arg1: memref<512xi32, #tpu.memory_space<smem>>) -> (i32, i32, i32) {
    %c0_i32 = arith.constant 0 : i32
    %c0_i32_0 = arith.constant 0 : i32
    %c0_i32_1 = arith.constant 0 : i32
    %c0_i32_2 = arith.constant 0 : i32
    return %c0_i32, %c0_i32_0, %c0_i32_1 : i32, i32, i32
  }
  func.func @transform_13(%arg0: i32, %arg1: memref<512xi32, #tpu.memory_space<smem>>) -> (i32, i32, i32) {
    %c0_i32 = arith.constant 0 : i32
    %c0_i32_0 = arith.constant 0 : i32
    %c0_i32_1 = arith.constant 0 : i32
    %c0_i32_2 = arith.constant 0 : i32
    return %c0_i32, %c0_i32_0, %c0_i32_1 : i32, i32, i32
  }
  func.func @transform_14(%arg0: i32, %arg1: memref<512xi32, #tpu.memory_space<smem>>) -> (i32, i32, i32) {
    %c0_i32 = arith.constant 0 : i32
    %c0_i32_0 = arith.constant 0 : i32
    %c0_i32_1 = arith.constant 0 : i32
    return %arg0, %c0_i32, %c0_i32_0 : i32, i32, i32
  }
  func.func @transform_15(%arg0: i32, %arg1: memref<512xi32, #tpu.memory_space<smem>>) -> (i32, i32) {
    %c0_i32 = arith.constant 0 : i32
    %c0_i32_0 = arith.constant 0 : i32
    %c0_i32_1 = arith.constant 0 : i32
    return %c0_i32, %c0_i32_0 : i32, i32
  }
  func.func @transform_16(%arg0: i32, %arg1: memref<512xi32, #tpu.memory_space<smem>>) -> (i32, i32) {
    %c0_i32 = arith.constant 0 : i32
    %c0_i32_0 = arith.constant 0 : i32
    %c0_i32_1 = arith.constant 0 : i32
    return %c0_i32, %c0_i32_0 : i32, i32
  }
}

</mosaic_0001>

<sc_bundles>
// kernel: kernel.5.cloned.1.call-start
scs
__scs_entry_jumppad:
0x0: {  	(pc) =	sbr.rel $0x88, $3  }
0x1: {  	(tag) =	ssettag $0x0;
	lr =	simm.s32 $0x1  }
0x2: {  	[smem:$0x3F9D] =	sst lr;
	_ =	strace $0xD0000000  }
0x3: {  	_ = 	snop  }
0x4: {  	_ = 	snop  }
0x5: {  	_ = 	snop  }
0x6: {  	_ = 	snop  }
0x7: {  	_ = 	snop  }
__scs_overlays_trampoline_lowered:
0x8: {  	[smem:$0x3FAC] =	sst s0  }
0x9: {  	[smem:$0x3FAD] =	sst s1  }
0xa: {  	[smem:$0x3FAE] =	sst s2  }
0xb: {  	[smem:$0x3FAF] =	sst s3  }
0xc: {  	[smem:$0x3FB0] =	sst s4  }
0xd: {  	[smem:$0x3FB1] =	sst s5  }
0xe: {  	[smem:$0x3FB2] =	sst s6  }
0xf: {  	[smem:$0x3FB3] =	sst s7  }
0x10: {  	[smem:$0x3FB4] =	sst s8  }
0x11: {  	[smem:$0x3FB5] =	sst s9;
	s0 =	simm.s32 @!p0 $0x0  }
0x12: {  	s1 =	sld [smem:$0x3F9B];
	s0 =	simm.s32 @p0 $0x1  }
0x13: {  	[smem:$0x3FB6] =	sst s0;
	s0 =	simm.s32 @!p1 $0x0  }
0x14: {  	s2 =	sld [smem:$0x3F9A];
	s0 =	simm.s32 @p1 $0x1  }
0x15: {  	[smem:$0x3FB7] =	sst s0;
	s0 =	simm.s32 @!p2 $0x0  }
0x16: {  	s3 =	sld [smem:$0x3FDB];
	s0 =	simm.s32 @p2 $0x1  }
0x17: {  	s4 =	simm.s32 $0x1BF5;
	[smem:$0x3FB9] =	sst s0  }
0x18: {  	s0 =	sld [smem:$0x3F9C];
	_ =	swait.ge [sflag:s4], $0x0  }
0x19: {  	s7 =	sld [smem:$0x3F9D]  }
0x1a: {  	s8 =	sadd.s32 $0xFFFFE003, lr  }
0x1b: {  	s9 =	sadd.s32 $0xFFFFFEF7, lr;
	s5 =	simm.s32 $0xFFFFFFFF;
	p2 =	slt.u32 s8, $0xFFFFF086  }
0x1c: {  	p1 =	slt.u32 s9, $0xF7A;
	s5 =	simm.s32 @!p2 $0x0  }
0x1d: {  	s5 =	simm.s32 @p1 $0x1;
	p0 =	seq.s32 s7, s2  }
0x1e: {  	s7 =	smul.u32 @!p0 $0xF7A, s2;
	p2 =	seq.s32 @!p0 s5, $0x0  }
0x1f: {  	s9 =	smul.u32 $0xF7A, s1;
	s8 =	simm.s32 @!p0 $0x1BF5;
	p2 =	por !p2, p0  }
0x20: {  	[sflag:s8] =	ssyncset.s32 @!p0 $0xFFFFF086;
	s6 =	sadd.s32 @!p0 s3, s7;
	s7 =	simm.s32 @!p0 $0x108  }
0x21: {  	s3 =	sadd.s32 s3, s9;
	s6 =	sadd.s32 @!p0 $0x88, s6;
	s7 =	simm.s32 @p2 $0x1082  }
0x22: {  	[simem:s7], [sflag:s8] =	dma.local @!p0 [hbm:s6], $0xF7A  }
0x23: {  	s9 =	sor.u32 $0xD0000000, s2;
	s6 =	simm.s32 $0x108;
	_ =	swait.ge @!p0 [sflag:s8], $0x0  }
0x24: {  	s3 =	sadd.s32 $0x88, s3;
	s6 =	simm.s32 @!p1 $0x1082;
	[sflag:s4] =	ssyncset.s32 $0xFFFFF086  }
0x25: {  	[simem:s6], [sflag:s4] =	dma.local [hbm:s3], $0xF7A  }
0x26: {  	[smem:$0x3F9D] =	sst s1;
	(tag) =	ssettag s2;
	_ =	strace s9  }
0x27: {  	s1 =	sld [smem:$0x3FAD]  }
0x28: {  	s2 =	sld [smem:$0x3FAE]  }
0x29: {  	s4 =	sld [smem:$0x3FB0]  }
0x2a: {  	p0 =	seq.s32 s5, $0x0;
	s5 =	sld [smem:$0x3FB1]  }
0x2b: {  	s6 =	sld [smem:$0x3FB2]  }
0x2c: {  	s7 =	sld [smem:$0x3FB3]  }
0x2d: {  	s3 =	simm.s32 $0x108;
	s8 =	sld [smem:$0x3FB4]  }
0x2e: {  	s3 =	simm.s32 @!p0 $0x1082;
	s9 =	sld [smem:$0x3FB5]  }
0x2f: {  	lr =	sadd.s32 s0, s3;
	s0 =	sld [smem:$0x3FAC]  }
0x30: {  	s3 =	sld [smem:$0x3FAF]  }
0x31: {  	[smem:$0x3FB8] =	sst s10  }
0x32: {  	s10 =	sld [smem:$0x3FB6];
	_ =	sdelay $0x3  }
0x33: {  	p0 =	seq.s32 s10, $0x1;
	s10 =	sld [smem:$0x3FB8];
	_ =	sdelay $0x3  }
0x34: {  	[smem:$0x3FB8] =	sst s10  }
0x35: {  	s10 =	sld [smem:$0x3FB7];
	_ =	sdelay $0x3  }
0x36: {  	p1 =	seq.s32 s10, $0x1;
	s10 =	sld [smem:$0x3FB8];
	_ =	sdelay $0x3  }
0x37: {  	[smem:$0x3FB8] =	sst s10  }
0x38: {  	s10 =	sld [smem:$0x3FB9]  }
0x39: {  	_ = 	snop;
	(pc) =	sbr.ind lr, $3  }
0x3a: {  	_ = 	snop  }
0x3b: {  	_ = 	snop  }
0x3c: {  	p2 =	seq.s32 s10, $0x1;
	s10 =	sld [smem:$0x3FB8]  }
0x3d: {  	_ =	shalt  }
0x3e: {  	_ =	shalt  }
0x3f: {  	_ =	shalt  }
0x40: {  	_ =	shalt  }
0x41: {  	_ =	shalt  }
0x42: {  	_ =	shalt  }
0x43: {  	_ =	shalt  }
0x44: {  	_ =	shalt  }
0x45: {  	_ =	shalt  }
0x46: {  	_ =	shalt  }
0x47: {  	_ =	shalt  }
0x48: {  	_ =	shalt  }
0x49: {  	_ =	shalt  }
0x4a: {  	_ =	shalt  }
0x4b: {  	_ =	shalt  }
0x4c: {  	_ =	shalt  }
0x4d: {  	_ =	shalt  }
0x4e: {  	_ =	shalt  }
0x4f: {  	_ =	shalt  }
0x50: {  	_ =	shalt  }
0x51: {  	_ =	shalt  }
0x52: {  	_ =	shalt  }
0x53: {  	_ =	shalt  }
0x54: {  	_ =	shalt  }
0x55: {  	_ =	shalt  }
0x56: {  	_ =	shalt  }
0x57: {  	_ =	shalt  }
0x58: {  	_ =	shalt  }
0x59: {  	_ =	shalt  }
0x5a: {  	_ =	shalt  }
0x5b: {  	_ =	shalt  }
0x5c: {  	_ =	shalt  }
0x5d: {  	_ =	shalt  }
0x5e: {  	_ =	shalt  }
0x5f: {  	_ =	shalt  }
0x60: {  	_ =	shalt  }
0x61: {  	_ =	shalt  }
0x62: {  	_ =	shalt  }
0x63: {  	_ =	shalt  }
0x64: {  	_ =	shalt  }
0x65: {  	_ =	shalt  }
0x66: {  	_ =	shalt  }
0x67: {  	_ =	shalt  }
0x68: {  	_ =	shalt  }
0x69: {  	_ =	shalt  }
0x6a: {  	_ =	shalt  }
0x6b: {  	_ =	shalt  }
0x6c: {  	_ =	shalt  }
0x6d: {  	_ =	shalt  }
0x6e: {  	_ =	shalt  }
0x6f: {  	_ =	shalt  }
0x70: {  	_ =	shalt  }
0x71: {  	_ =	shalt  }
0x72: {  	_ =	shalt  }
0x73: {  	_ =	shalt  }
0x74: {  	_ =	shalt  }
0x75: {  	_ =	shalt  }
0x76: {  	_ =	shalt  }
0x77: {  	_ =	shalt  }
0x78: {  	_ =	shalt  }
0x79: {  	_ =	shalt  }
0x7a: {  	_ =	shalt  }
0x7b: {  	_ =	shalt  }
0x7c: {  	_ =	shalt  }
0x7d: {  	_ =	shalt  }
0x7e: {  	_ =	shalt  }
0x7f: {  	_ =	shalt  }
0x80: {  	_ =	shalt  }
0x81: {  	_ =	shalt  }
0x82: {  	_ =	shalt  }
0x83: {  	_ =	shalt  }
0x84: {  	_ =	shalt  }
0x85: {  	_ =	shalt  }
0x86: {  	_ =	shalt  }
0x87: {  	_ =	shalt  }
.Lfunc_end0:
.L_simem_size_0:
called_computation_lowered:
.L_overlay_start_0:
0x88: {  	s2 =	sld [smem:$0x3FD9]  }
0x89: {  	s3 =	sld [smem:$0x3FFE];
	_ =	sdelay $0x1  }
0x8a: {  	s1 =	srdreg.scid  }
0x8b: {  	s0 =	sand.u32 $0x1, s1  }
0x8c: {  	s14 =	sshll.u32 s0, $0xA;
	s2 =	sadd.s32 s3, s2  }
0x8d: {  	s2 =	sadd.s32 s2, s14  }
0x8e: {  	[smem:$0x3FC4] =	sst s2  }
0x8f: {  	_ = 	snop  }
0x90: {  	s2 =	sld [smem:$0x3FD0];
	_ =	sdelay $0x2  }
0x91: {  	s15 =	simm.s32 $0xA;
	s4 =	simm.s32 $0x10  }
0x92: {  	[smem:s4], [sflag:s15] =	dma.local [hbm:s2], $0x1  }
0x93: {  	_ =	swait.eq [sflag:s15], $0x1  }
0x94: {  	[sflag:s15] =	ssyncset.done $0x0  }
0x95: {  	[sflag:s15] =	ssyncadd.s32 $0xFFFFFFFF  }
0x96: {  	s16 =	sld [smem:$0x12];
	(tm) =	ssettm $0x1  }
0x97: {  	s17 =	sld [smem:$0x3FFB];
	_ =	sdelay $0x3  }
0x98: {  	_ =	strace s17  }
0x99: {  	s3 =	sld [smem:$0x3FFC];
	_ =	sdelay $0x3  }
0x9a: {  	_ =	strace s3  }
0x9b: {  	s3 =	sld [smem:$0x3FFD];
	_ =	sdelay $0x3  }
0x9c: {  	_ =	strace s3  }
0x9d: {  	_ =	strace $0x8FFFFFFF  }
0x9e: {  	s18 =	sld [smem:$0x3FDB];
	_ =	sdelay $0x1  }
0x9f: {  	s19 =	simm.s32 $_scs_section_size  }
0xa0: {  	s5 =	simm.s32 $_size__tile_overlayer_lowered;
	s6 =	simm.s32 $_tile_overlayer_lowered  }
0xa1: {  	s22 =	simm.s32 $0x1BFF;
	s21 =	sshll.u32 s6, $0x1;
	s3 =	sadd.s32 s19, s18  }
0xa2: {  	s7 =	simm.s32 $0x0;
	s20 =	sshll.u32 s5, $0x1;
	s5 =	sadd.s32 s21, s3  }
0xa3: {  	[timem:s7], [sflag:s22] =	dma.local [hbm:s5], s20  }
0xa4: {  	_ =	swait.ge [sflag:s22], s20  }
0xa5: {  	s4 =	ssub.s32 $0x0, s20;
	[sflag:s22] =	ssyncset.done $0x0  }
0xa6: {  	[sflag:s22] =	ssyncadd.s32 s4;
	_ =	sdelay $0x1  }
0xa7: {  	s23 =	simm.s32 $0x1B8B  }
0xa8: {  	_ =	swait.ge [sflag:s23], $0x1  }
0xa9: {  	[sflag:s23] =	ssyncset.done $0x0  }
0xaa: {  	s25 =	simm.s32 $0x1B8E;
	s24 =	sld [smem:$0x3FFE];
	[sflag:s23] =	ssyncadd.s32 $0xFFFFFFFF  }
0xab: {  	s26 =	simm.s32 $execute0_lowered;
	[smem:$0x3FD2] =	sst s25  }
0xac: {  	s5 =	sshll.u32 s26, $0x1;
	_ =	strace $0x80000046;
	[dreg:$0x1] =	wrdreg $0xFFFFFFFF  }
0xad: {  	s28 =	simm.s32 $_size_execute0_lowered;
	s3 =	sadd.s32 s3, s5;
	[dreg:$0x0] =	wrdreg $0x0  }
0xae: {  	s5 =	sshll.u32 s28, $0x1;
	[dreg:$0x2] =	wrdreg s3  }
0xaf: {  	[dreg:$0x3] =	wrdreg s5  }
0xb0: {  	[dreg:$0x4] =	wrdreg $0xC0  }
0xb1: {  	_ =	task [dreg:s7], $0x5FFFF  }
0xb2: {  	[dreg:$0x1] =	wrdreg $0xFFFFFFFF  }
0xb3: {  	[dreg:$0x0] =	wrdreg $0x60  }
0xb4: {  	[dreg:$0x2] =	wrdreg s16  }
0xb5: {  	[dreg:$0x3] =	wrdreg s24  }
0xb6: {  	[dreg:$0x4] =	wrdreg $0x9  }
0xb7: {  	_ =	task.clear_ibuf [dreg:s7], $0x5FFFF;
	_ =	strace $0x90000046  }
0xb8: {  	s29 =	simm.s32 $0x9;
	_ =	strace $0x80000048  }
0xb9: {  	_ =	swait.ge [sflag:s29], $0x1  }
0xba: {  	[sflag:s29] =	ssyncadd.s32 $0xFFFFFFFF  }
0xbb: {  	_ =	strace $0x90000048  }
0xbc: {  	_ =	sfence  }
0xbd: {  	s30 =	sld [smem:$0x0];
	_ =	sdelay $0x2  }
0xbe: {  	s31 =	sshll.u32 s1, $0xD;
	s1 =	sshrl.u32 s1, $0x2  }
0xbf: {  	s3 =	sand.u32 $0x4000, s31;
	s1 =	sadd.s32 s1, s30  }
0xc0: {  	s0 =	sor.u32 s3, s0;
	s1 =	sshll.u32 s1, $0x11  }
0xc1: {  	s0 =	sor.u32 s1, s0  }
0xc2: {  	s0 =	sadd.s32 $0x8F2B, s0  }
0xc3: {  	[sflag:s0] =	ssyncadd.remote.s32 $0x1  }
0xc4: {  	_ =	sfence.sel $0xFFFF  }
0xc5: {  	[dreg:$0x0] =	wrdreg $0xFFFFFFFF;
	(pc) =	sbr.abs _section_cstart, $3  }
0xc6: {  	[dreg:$0x1] =	wrdreg $0xFFFFFFFF  }
0xc7: {  	_ =	task.clear_ibuf [dreg:s7], $0x2FFFF;
	_ =	strace $0x9FFFFFFF  }
0xc8: {  	(tm) =	ssettm $0x7FFFFFFF  }
0xc9: {  	_ =	shalt  }
tec
execute0_lowered:
.L_overlay_start_1:
0x0: {  	(tag) =	ssettag $0x1  }
0x1: {  	s1 =	srdreg.scid  }
0x2: {  	s0 =	stileid.u32;
	s3 =	rddreg [dreg:$0x0]  }
0x3: {  	s7 =	rddreg [dreg:$0x1];
	s8 =	sand.u32 $0x1, s1;
	s29 =	sshll.u32 s0, $0x8  }
0x4: {  	s9 =	sshrl.u32 s0, $0x2;
	s2 =	sshll.u32 s8, $0x7;
	s1 =	sand.u32 $0x300, s29  }
0x5: {  	s5 =	simm.s32 $0x80;
	s4 =	sshll.u32 s9, $0xB;
	s10 =	sor.u32 s2, s1  }
0x6: {  	s1 =	rddreg [dreg:$0x2];
	s2 =	simm.s32 $0x0;
	s4 =	sor.u32 s4, s10  }
0x7: {  	s6 =	simm.s32 $0x400;
	[smem:$0x7FF] =	sst s2;
	s4 =	sshrl.u32 s4, $0x3  }
0x8: {  	_ =	strace $0x80000047;
	s4 =	sadd.s32 s3, s4;
	s3 =	simm.s32 $0x1  }
0x9: {  	[tilespmem:s2], [sflag:$0x1] =	stream.strided.gather [hbm4b:s4+s5], $0x100, s6, s5, $0x38;
	[tilespmem:$0x180] =	vst v63  }
0xa: {  	_ =	swait.ge [sflag:s3], $0x100  }
0xb: {  	[sflag:s3] =	ssyncset.done $0x0  }
0xc: {  	[sflag:s3] =	ssyncadd.s32 $0xFFFFFF00  }
0xd: {  	v35 =	vld [tilespmem:$0x0]  }
0xe: {  	v36 =	vld [tilespmem:$0x10]  }
0xf: {  	v34 =	vld [tilespmem:$0x20]  }
0x10: {  	v33 =	vld [tilespmem:$0x30]  }
0x11: {  	v32 =	vld [tilespmem:$0x40]  }
0x12: {  	v30 =	vld [tilespmem:$0x50]  }
0x13: {  	v27 =	vld [tilespmem:$0x60];
	v0 =	vmax.f32 v35, v36  }
0x14: {  	v25 =	vld [tilespmem:$0x70];
	v0 =	vmax.f32 v0, v34  }
0x15: {  	v21 =	vld [tilespmem:$0x80];
	v0 =	vmax.f32 v0, v33  }
0x16: {  	v22 =	vld [tilespmem:$0x90];
	v0 =	vmax.f32 v0, v32  }
0x17: {  	v1 =	vimm.s32 $0xFEDCBA98;
	v23 =	vld [tilespmem:$0xA0];
	v0 =	vmax.f32 v0, v30  }
0x18: {  	v2 =	vimm.s32 $0x76543210;
	v3 =	vimm.s32 $0xBA98FEDC;
	v24 =	vld [tilespmem:$0xB0];
	v0 =	vmax.f32 v0, v27  }
0x19: {  	v4 =	vimm.s32 $0x32107654;
	v1 =	vunpack.c.l.s4.s8 v1;
	v26 =	vld [tilespmem:$0xC0];
	v0 =	vmax.f32 v0, v25  }
0x1a: {  	v2 =	vunpack.c.l.s4.s8 v2;
	v3 =	vunpack.c.l.s4.s8 v3;
	v28 =	vld [tilespmem:$0xD0];
	v0 =	vmax.f32 v0, v21  }
0x1b: {  	v4 =	vunpack.c.l.s4.s8 v4;
	v1 =	vunpack.c.0.s8.s32 v1;
	v29 =	vld [tilespmem:$0xE0];
	v0 =	vmax.f32 v0, v22  }
0x1c: {  	v2 =	vunpack.c.0.s8.s32 v2;
	v3 =	vunpack.c.0.s8.s32 v3;
	v31 =	vld [tilespmem:$0xF0];
	v0 =	vmax.f32 v0, v23  }
0x1d: {  	v4 =	vunpack.c.0.s8.s32 v4;
	v1 =	vand.u32 $0xF, v1;
	v5 =	vmax.f32 v0, v24  }
0x1e: {  	v0 =	vcombine.low v1, v2;
	v1 =	vmax.f32 v5, v26  }
0x1f: {  	v2 =	vcombine.low v4, v3;
	v3 =	vimm.s32 $0xDCFE98BA;
	v1 =	vmax.f32 v1, v28  }
0x20: {  	v4 =	vimm.s32 $0x54761032;
	v3 =	vunpack.c.l.s4.s8 v3;
	v1 =	vmax.f32 v1, v29  }
0x21: {  	v4 =	vunpack.c.l.s4.s8 v4;
	v5 =	vmax.f32 v1, v31  }
0x22: {  	v1 =	vand.u32 $0xF, v2;
	v2 =	vunpack.c.0.s8.s32 v3;
	v3 =	vperm.xlane v5, v0  }
0x23: {  	v6 =	vimm.s32 $0xEFCDAB89;
	v7 =	vimm.s32 $0x67452301;
	v4 =	vunpack.c.0.s8.s32 v4  }
0x24: {  	v6 =	vunpack.c.l.s4.s8 v6;
	v7 =	vunpack.c.l.s4.s8 v7;
	v3 =	vmax.f32 v5, v3  }
0x25: {  	v2 =	vcombine.low v4, v2;
	v4 =	vperm.xlane v3, v1  }
0x26: {  	v5 =	vunpack.c.0.s8.s32 v6;
	v6 =	vunpack.c.0.s8.s32 v7  }
0x27: {  	v2 =	vand.u32 $0xF, v2;
	v4 =	vmax.f32 v3, v4  }
0x28: {  	v3 =	vcombine.low v6, v5;
	v5 =	vperm.xlane v4, v2;
	_ =	sdelay $0x1  }
0x29: {  	v3 =	vand.u32 $0xF, v3;
	v5 =	vmax.f32 v4, v5  }
0x2a: {  	v6 =	vperm.xlane v5, v3;
	_ =	sdelay $0x1  }
0x2b: {  	v4 =	vlaneseq.u32;
	v20 =	vmax.f32 v5, v6  }
0x2c: {  	v5 =	vor.u32 $0xF0, v4;
	vm0 =	veq.f32 v31, v20  }
0x2d: {  	v6 =	vor.u32 $0xE0, v4;
	vm1 =	veq.f32 v29, v20;
	v8 =	vnsel vm0, $0x40000000, v5  }
0x2e: {  	v7 =	vor.u32 $0xD0, v4;
	vm0 =	veq.f32 v28, v20;
	v9 =	vsel vm1, v6, v8  }
0x2f: {  	v8 =	vor.u32 $0xC0, v4;
	vm1 =	veq.f32 v26, v20;
	v10 =	vsel vm0, v7, v9  }
0x30: {  	v9 =	vor.u32 $0xB0, v4;
	vm0 =	veq.f32 v24, v20;
	v11 =	vsel vm1, v8, v10  }
0x31: {  	v10 =	vor.u32 $0xA0, v4;
	vm1 =	veq.f32 v23, v20;
	v12 =	vsel vm0, v9, v11  }
0x32: {  	v11 =	vor.u32 $0x90, v4;
	vm0 =	veq.f32 v22, v20;
	v13 =	vsel vm1, v10, v12  }
0x33: {  	v12 =	vor.u32 $0x80, v4;
	vm1 =	veq.f32 v21, v20;
	v14 =	vsel vm0, v11, v13  }
0x34: {  	v13 =	vor.u32 $0x70, v4;
	vm0 =	veq.f32 v25, v20;
	v15 =	vsel vm1, v12, v14  }
0x35: {  	v14 =	vor.u32 $0x60, v4;
	vm1 =	veq.f32 v27, v20;
	v16 =	vsel vm0, v13, v15  }
0x36: {  	v15 =	vor.u32 $0x50, v4;
	vm0 =	veq.f32 v30, v20;
	v17 =	vsel vm1, v14, v16  }
0x37: {  	v16 =	vor.u32 $0x40, v4;
	vm1 =	veq.f32 v32, v20;
	v18 =	vsel vm0, v15, v17  }
0x38: {  	v17 =	vor.u32 $0x30, v4;
	vm0 =	veq.f32 v33, v20;
	v19 =	vsel vm1, v16, v18  }
0x39: {  	v18 =	vor.u32 $0x20, v4;
	vm1 =	veq.f32 v34, v20;
	v37 =	vsel vm0, v17, v19  }
0x3a: {  	v19 =	vor.u32 $0x10, v4;
	vm0 =	veq.f32 v36, v20;
	v37 =	vsel vm1, v18, v37  }
0x3b: {  	vm1 =	veq.f32 v35, v20;
	v20 =	vsel vm0, v19, v37  }
0x3c: {  	v20 =	vsel vm1, v4, v20  }
0x3d: {  	v63 =	vperm.xlane v20, v0;
	_ =	sdelay $0x1  }
0x3e: {  	vm0 =	vlt.s32 v20, v63  }
0x3f: {  	v20 =	vsel vm0, v20, v63  }
0x40: {  	v37 =	vperm.xlane v20, v1;
	_ =	sdelay $0x1  }
0x41: {  	vm0 =	vlt.s32 v20, v37  }
0x42: {  	v20 =	vsel vm0, v20, v37  }
0x43: {  	v37 =	vperm.xlane v20, v2;
	_ =	sdelay $0x1  }
0x44: {  	vm0 =	vlt.s32 v20, v37  }
0x45: {  	v20 =	vsel vm0, v20, v37  }
0x46: {  	v37 =	vperm.xlane v20, v3;
	_ =	sdelay $0x1  }
0x47: {  	vm0 =	vlt.s32 v20, v37  }
0x48: {  	v20 =	vsel vm0, v20, v37  }
0x49: {  	vm0 =	veq.s32 v20, v4;
	vm1 =	veq.s32 v20, v19  }
0x4a: {  	v35 =	vsel vm0, $0xFF800000, v35;
	v36 =	vsel vm1, $0xFF800000, v36;
	vm0 =	veq.s32 v20, v18  }
0x4b: {  	v34 =	vsel vm0, $0xFF800000, v34;
	vm0 =	veq.s32 v20, v17;
	v40 =	vmax.f32 v35, v36  }
0x4c: {  	vm1 =	veq.s32 v20, v16;
	v33 =	vsel vm0, $0xFF800000, v33;
	v37 =	vmax.f32 v40, v34  }
0x4d: {  	v32 =	vsel vm1, $0xFF800000, v32;
	vm0 =	veq.s32 v20, v15;
	v37 =	vmax.f32 v37, v33  }
0x4e: {  	vm1 =	veq.s32 v20, v14;
	v30 =	vsel vm0, $0xFF800000, v30;
	v37 =	vmax.f32 v37, v32  }
0x4f: {  	v27 =	vsel vm1, $0xFF800000, v27;
	vm0 =	veq.s32 v20, v13;
	v37 =	vmax.f32 v37, v30  }
0x50: {  	vm1 =	veq.s32 v20, v12;
	v25 =	vsel vm0, $0xFF800000, v25;
	v37 =	vmax.f32 v37, v27  }
0x51: {  	v38 =	vsel vm1, $0xFF800000, v21;
	vm0 =	veq.s32 v20, v11;
	v41 =	vmax.f32 v37, v25  }
0x52: {  	vm1 =	veq.s32 v20, v10;
	v22 =	vsel vm0, $0xFF800000, v22;
	v21 =	vmax.f32 v41, v38  }
0x53: {  	v23 =	vsel vm1, $0xFF800000, v23;
	vm0 =	veq.s32 v20, v9;
	v21 =	vmax.f32 v21, v22  }
0x54: {  	vm1 =	veq.s32 v20, v8;
	v24 =	vsel vm0, $0xFF800000, v24;
	v21 =	vmax.f32 v21, v23  }
0x55: {  	v26 =	vsel vm1, $0xFF800000, v26;
	vm0 =	veq.s32 v20, v7;
	v21 =	vmax.f32 v21, v24  }
0x56: {  	vm1 =	veq.s32 v20, v6;
	v28 =	vsel vm0, $0xFF800000, v28;
	v21 =	vmax.f32 v21, v26  }
0x57: {  	v29 =	vsel vm1, $0xFF800000, v29;
	vm0 =	veq.s32 v20, v5;
	v21 =	vmax.f32 v21, v28  }
0x58: {  	v31 =	vsel vm0, $0xFF800000, v31;
	v21 =	vmax.f32 v21, v29  }
0x59: {  	v21 =	vmax.f32 v21, v31  }
0x5a: {  	v42 =	vperm.xlane v21, v0;
	_ =	sdelay $0x1  }
0x5b: {  	v21 =	vmax.f32 v21, v42  }
0x5c: {  	v37 =	vperm.xlane v21, v1;
	_ =	sdelay $0x1  }
0x5d: {  	v21 =	vmax.f32 v21, v37  }
0x5e: {  	v37 =	vperm.xlane v21, v2;
	_ =	sdelay $0x1  }
0x5f: {  	v21 =	vmax.f32 v21, v37  }
0x60: {  	v37 =	vperm.xlane v21, v3;
	_ =	sdelay $0x1  }
0x61: {  	v21 =	vmax.f32 v21, v37  }
0x62: {  	vm0 =	veq.f32 v31, v21  }
0x63: {  	vm1 =	veq.f32 v29, v21;
	v43 =	vnsel vm0, $0x40000000, v5  }
0x64: {  	vm0 =	veq.f32 v28, v21;
	v37 =	vsel vm1, v6, v43  }
0x65: {  	vm1 =	veq.f32 v26, v21;
	v37 =	vsel vm0, v7, v37  }
0x66: {  	vm0 =	veq.f32 v24, v21;
	v37 =	vsel vm1, v8, v37  }
0x67: {  	vm1 =	veq.f32 v23, v21;
	v37 =	vsel vm0, v9, v37  }
0x68: {  	vm0 =	veq.f32 v22, v21;
	v37 =	vsel vm1, v10, v37  }
0x69: {  	vm1 =	veq.f32 v38, v21;
	v37 =	vsel vm0, v11, v37  }
0x6a: {  	vm0 =	veq.f32 v25, v21;
	v37 =	vsel vm1, v12, v37  }
0x6b: {  	vm1 =	veq.f32 v27, v21;
	v37 =	vsel vm0, v13, v37  }
0x6c: {  	vm0 =	veq.f32 v30, v21;
	v37 =	vsel vm1, v14, v37  }
0x6d: {  	vm1 =	veq.f32 v32, v21;
	v37 =	vsel vm0, v15, v37  }
0x6e: {  	vm0 =	veq.f32 v33, v21;
	v37 =	vsel vm1, v16, v37  }
0x6f: {  	vm1 =	veq.f32 v34, v21;
	v37 =	vsel vm0, v17, v37  }
0x70: {  	vm0 =	veq.f32 v36, v21;
	v37 =	vsel vm1, v18, v37  }
0x71: {  	vm1 =	veq.f32 v35, v21;
	v44 =	vsel vm0, v19, v37  }
0x72: {  	v21 =	vsel vm1, v4, v44  }
0x73: {  	v45 =	vperm.xlane v21, v0;
	_ =	sdelay $0x1  }
0x74: {  	vm0 =	vlt.s32 v21, v45  }
0x75: {  	v21 =	vsel vm0, v21, v45  }
0x76: {  	v37 =	vperm.xlane v21, v1;
	_ =	sdelay $0x1  }
0x77: {  	vm0 =	vlt.s32 v21, v37  }
0x78: {  	v21 =	vsel vm0, v21, v37  }
0x79: {  	v37 =	vperm.xlane v21, v2;
	_ =	sdelay $0x1  }
0x7a: {  	vm0 =	vlt.s32 v21, v37  }
0x7b: {  	v21 =	vsel vm0, v21, v37  }
0x7c: {  	v37 =	vperm.xlane v21, v3;
	_ =	sdelay $0x1  }
0x7d: {  	vm0 =	vlt.s32 v21, v37  }
0x7e: {  	v21 =	vsel vm0, v21, v37  }
0x7f: {  	vm0 =	veq.s32 v21, v4;
	vm1 =	veq.s32 v21, v19  }
0x80: {  	vm2 =	veq.s32 v21, v18;
	v35 =	vsel vm0, $0xFF800000, v35;
	v36 =	vsel vm1, $0xFF800000, v36  }
0x81: {  	v34 =	vsel vm2, $0xFF800000, v34;
	vm0 =	veq.s32 v21, v17;
	v46 =	vmax.f32 v35, v36  }
0x82: {  	vm1 =	veq.s32 v21, v16;
	v33 =	vsel vm0, $0xFF800000, v33;
	v37 =	vmax.f32 v46, v34  }
0x83: {  	v32 =	vsel vm1, $0xFF800000, v32;
	vm0 =	veq.s32 v21, v15;
	v37 =	vmax.f32 v37, v33  }
0x84: {  	vm1 =	veq.s32 v21, v14;
	v30 =	vsel vm0, $0xFF800000, v30;
	v37 =	vmax.f32 v37, v32  }
0x85: {  	v27 =	vsel vm1, $0xFF800000, v27;
	vm0 =	veq.s32 v21, v13;
	v37 =	vmax.f32 v37, v30  }
0x86: {  	vm1 =	veq.s32 v21, v12;
	v25 =	vsel vm0, $0xFF800000, v25;
	v37 =	vmax.f32 v37, v27  }
0x87: {  	v38 =	vsel vm1, $0xFF800000, v38;
	vm0 =	veq.s32 v21, v11;
	v37 =	vmax.f32 v37, v25  }
0x88: {  	vm1 =	veq.s32 v21, v10;
	v39 =	vsel vm0, $0xFF800000, v22;
	v47 =	vmax.f32 v37, v38  }
0x89: {  	vm0 =	veq.s32 v21, v9;
	v23 =	vsel vm1, $0xFF800000, v23;
	v22 =	vmax.f32 v47, v39  }
0x8a: {  	vm1 =	veq.s32 v21, v8;
	v24 =	vsel vm0, $0xFF800000, v24;
	v22 =	vmax.f32 v22, v23  }
0x8b: {  	vm0 =	veq.s32 v21, v7;
	v26 =	vsel vm1, $0xFF800000, v26;
	v22 =	vmax.f32 v22, v24  }
0x8c: {  	vm1 =	veq.s32 v21, v6;
	v28 =	vsel vm0, $0xFF800000, v28;
	v22 =	vmax.f32 v22, v26  }
0x8d: {  	vm0 =	veq.s32 v21, v5;
	v29 =	vsel vm1, $0xFF800000, v29;
	v22 =	vmax.f32 v22, v28  }
0x8e: {  	v31 =	vsel vm0, $0xFF800000, v31;
	v22 =	vmax.f32 v22, v29  }
0x8f: {  	v22 =	vmax.f32 v22, v31  }
0x90: {  	v48 =	vperm.xlane v22, v0;
	_ =	sdelay $0x1  }
0x91: {  	v22 =	vmax.f32 v22, v48  }
0x92: {  	v37 =	vperm.xlane v22, v1;
	_ =	sdelay $0x1  }
0x93: {  	v22 =	vmax.f32 v22, v37  }
0x94: {  	v37 =	vperm.xlane v22, v2;
	_ =	sdelay $0x1  }
0x95: {  	v22 =	vmax.f32 v22, v37  }
0x96: {  	v37 =	vperm.xlane v22, v3;
	_ =	sdelay $0x1  }
0x97: {  	v22 =	vmax.f32 v22, v37  }
0x98: {  	vm0 =	veq.f32 v31, v22  }
0x99: {  	vm1 =	veq.f32 v29, v22;
	v49 =	vnsel vm0, $0x40000000, v5  }
0x9a: {  	vm0 =	veq.f32 v28, v22;
	v37 =	vsel vm1, v6, v49  }
0x9b: {  	vm1 =	veq.f32 v26, v22;
	v37 =	vsel vm0, v7, v37  }
0x9c: {  	vm0 =	veq.f32 v24, v22;
	v37 =	vsel vm1, v8, v37  }
0x9d: {  	vm1 =	veq.f32 v23, v22;
	v37 =	vsel vm0, v9, v37  }
0x9e: {  	vm0 =	veq.f32 v39, v22;
	v37 =	vsel vm1, v10, v37  }
0x9f: {  	vm1 =	veq.f32 v38, v22;
	v37 =	vsel vm0, v11, v37  }
0xa0: {  	vm0 =	veq.f32 v25, v22;
	v37 =	vsel vm1, v12, v37  }
0xa1: {  	vm1 =	veq.f32 v27, v22;
	v37 =	vsel vm0, v13, v37  }
0xa2: {  	vm0 =	veq.f32 v30, v22;
	v37 =	vsel vm1, v14, v37  }
0xa3: {  	vm1 =	veq.f32 v32, v22;
	v37 =	vsel vm0, v15, v37  }
0xa4: {  	vm0 =	veq.f32 v33, v22;
	v37 =	vsel vm1, v16, v37  }
0xa5: {  	vm1 =	veq.f32 v34, v22;
	v37 =	vsel vm0, v17, v37  }
0xa6: {  	vm0 =	veq.f32 v36, v22;
	v37 =	vsel vm1, v18, v37  }
0xa7: {  	vm1 =	veq.f32 v35, v22;
	v50 =	vsel vm0, v19, v37  }
0xa8: {  	v22 =	vsel vm1, v4, v50  }
0xa9: {  	v51 =	vperm.xlane v22, v0;
	_ =	sdelay $0x1  }
0xaa: {  	vm0 =	vlt.s32 v22, v51  }
0xab: {  	v22 =	vsel vm0, v22, v51  }
0xac: {  	v37 =	vperm.xlane v22, v1;
	_ =	sdelay $0x1  }
0xad: {  	vm0 =	vlt.s32 v22, v37  }
0xae: {  	v22 =	vsel vm0, v22, v37  }
0xaf: {  	v37 =	vperm.xlane v22, v2;
	_ =	sdelay $0x1  }
0xb0: {  	vm0 =	vlt.s32 v22, v37  }
0xb1: {  	v22 =	vsel vm0, v22, v37  }
0xb2: {  	v37 =	vperm.xlane v22, v3;
	_ =	sdelay $0x1  }
0xb3: {  	vm0 =	vlt.s32 v22, v37  }
0xb4: {  	v22 =	vsel vm0, v22, v37  }
0xb5: {  	vm0 =	veq.s32 v22, v4;
	vm1 =	veq.s32 v22, v19  }
0xb6: {  	vm2 =	veq.s32 v22, v18;
	v35 =	vsel vm0, $0xFF800000, v35;
	v36 =	vsel vm1, $0xFF800000, v36  }
0xb7: {  	v34 =	vsel vm2, $0xFF800000, v34;
	vm0 =	veq.s32 v22, v17;
	v52 =	vmax.f32 v35, v36  }
0xb8: {  	vm1 =	veq.s32 v22, v16;
	v33 =	vsel vm0, $0xFF800000, v33;
	v37 =	vmax.f32 v52, v34  }
0xb9: {  	v32 =	vsel vm1, $0xFF800000, v32;
	vm0 =	veq.s32 v22, v15;
	v37 =	vmax.f32 v37, v33  }
0xba: {  	vm1 =	veq.s32 v22, v14;
	v30 =	vsel vm0, $0xFF800000, v30;
	v37 =	vmax.f32 v37, v32  }
0xbb: {  	v27 =	vsel vm1, $0xFF800000, v27;
	vm0 =	veq.s32 v22, v13;
	v37 =	vmax.f32 v37, v30  }
0xbc: {  	vm1 =	veq.s32 v22, v12;
	v25 =	vsel vm0, $0xFF800000, v25;
	v37 =	vmax.f32 v37, v27  }
0xbd: {  	v38 =	vsel vm1, $0xFF800000, v38;
	vm0 =	veq.s32 v22, v11;
	v37 =	vmax.f32 v37, v25  }
0xbe: {  	vm1 =	veq.s32 v22, v10;
	v39 =	vsel vm0, $0xFF800000, v39;
	v37 =	vmax.f32 v37, v38  }
0xbf: {  	vm0 =	veq.s32 v22, v9;
	v23 =	vsel vm1, $0xFF800000, v23;
	v37 =	vmax.f32 v37, v39  }
0xc0: {  	vm1 =	veq.s32 v22, v8;
	v24 =	vsel vm0, $0xFF800000, v24;
	v37 =	vmax.f32 v37, v23  }
0xc1: {  	vm0 =	veq.s32 v22, v7;
	v26 =	vsel vm1, $0xFF800000, v26;
	v37 =	vmax.f32 v37, v24  }
0xc2: {  	vm1 =	veq.s32 v22, v6;
	v28 =	vsel vm0, $0xFF800000, v28;
	v37 =	vmax.f32 v37, v26  }
0xc3: {  	vm0 =	veq.s32 v22, v5;
	v29 =	vsel vm1, $0xFF800000, v29;
	v37 =	vmax.f32 v37, v28  }
0xc4: {  	v31 =	vsel vm0, $0xFF800000, v31;
	v37 =	vmax.f32 v37, v29  }
0xc5: {  	v37 =	vmax.f32 v37, v31  }
0xc6: {  	v40 =	vperm.xlane v37, v0;
	_ =	sdelay $0x1  }
0xc7: {  	v37 =	vmax.f32 v37, v40  }
0xc8: {  	v40 =	vperm.xlane v37, v1;
	_ =	sdelay $0x1  }
0xc9: {  	v37 =	vmax.f32 v37, v40  }
0xca: {  	v40 =	vperm.xlane v37, v2;
	_ =	sdelay $0x1  }
0xcb: {  	v37 =	vmax.f32 v37, v40  }
0xcc: {  	v40 =	vperm.xlane v37, v3;
	_ =	sdelay $0x1  }
0xcd: {  	v37 =	vmax.f32 v37, v40  }
0xce: {  	vm0 =	veq.f32 v31, v37  }
0xcf: {  	vm1 =	veq.f32 v29, v37;
	v53 =	vnsel vm0, $0x40000000, v5  }
0xd0: {  	vm0 =	veq.f32 v28, v37;
	v40 =	vsel vm1, v6, v53  }
0xd1: {  	vm1 =	veq.f32 v26, v37;
	v40 =	vsel vm0, v7, v40  }
0xd2: {  	vm0 =	veq.f32 v24, v37;
	v40 =	vsel vm1, v8, v40  }
0xd3: {  	vm1 =	veq.f32 v23, v37;
	v40 =	vsel vm0, v9, v40  }
0xd4: {  	vm0 =	veq.f32 v39, v37;
	v40 =	vsel vm1, v10, v40  }
0xd5: {  	vm1 =	veq.f32 v38, v37;
	v40 =	vsel vm0, v11, v40  }
0xd6: {  	vm0 =	veq.f32 v25, v37;
	v40 =	vsel vm1, v12, v40  }
0xd7: {  	vm1 =	veq.f32 v27, v37;
	v40 =	vsel vm0, v13, v40  }
0xd8: {  	vm0 =	veq.f32 v30, v37;
	v40 =	vsel vm1, v14, v40  }
0xd9: {  	vm1 =	veq.f32 v32, v37;
	v40 =	vsel vm0, v15, v40  }
0xda: {  	vm0 =	veq.f32 v33, v37;
	v40 =	vsel vm1, v16, v40  }
0xdb: {  	vm1 =	veq.f32 v34, v37;
	v40 =	vsel vm0, v17, v40  }
0xdc: {  	vm0 =	veq.f32 v36, v37;
	v40 =	vsel vm1, v18, v40  }
0xdd: {  	vm1 =	veq.f32 v35, v37;
	v54 =	vsel vm0, v19, v40  }
0xde: {  	v37 =	vsel vm1, v4, v54  }
0xdf: {  	v55 =	vperm.xlane v37, v0;
	_ =	sdelay $0x1  }
0xe0: {  	vm0 =	vlt.s32 v37, v55  }
0xe1: {  	v37 =	vsel vm0, v37, v55  }
0xe2: {  	v40 =	vperm.xlane v37, v1;
	_ =	sdelay $0x1  }
0xe3: {  	vm0 =	vlt.s32 v37, v40  }
0xe4: {  	v37 =	vsel vm0, v37, v40  }
0xe5: {  	v40 =	vperm.xlane v37, v2;
	_ =	sdelay $0x1  }
0xe6: {  	vm0 =	vlt.s32 v37, v40  }
0xe7: {  	v37 =	vsel vm0, v37, v40  }
0xe8: {  	v40 =	vperm.xlane v37, v3;
	_ =	sdelay $0x1  }
0xe9: {  	vm0 =	vlt.s32 v37, v40  }
0xea: {  	v37 =	vsel vm0, v37, v40  }
0xeb: {  	vm0 =	veq.s32 v37, v4;
	vm1 =	veq.s32 v37, v19  }
0xec: {  	vm2 =	veq.s32 v37, v18;
	v35 =	vsel vm0, $0xFF800000, v35;
	v36 =	vsel vm1, $0xFF800000, v36  }
0xed: {  	v34 =	vsel vm2, $0xFF800000, v34;
	vm0 =	veq.s32 v37, v17;
	v56 =	vmax.f32 v35, v36  }
0xee: {  	vm1 =	veq.s32 v37, v16;
	v33 =	vsel vm0, $0xFF800000, v33;
	v40 =	vmax.f32 v56, v34  }
0xef: {  	v32 =	vsel vm1, $0xFF800000, v32;
	vm0 =	veq.s32 v37, v15;
	v40 =	vmax.f32 v40, v33  }
0xf0: {  	vm1 =	veq.s32 v37, v14;
	v30 =	vsel vm0, $0xFF800000, v30;
	v40 =	vmax.f32 v40, v32  }
0xf1: {  	v27 =	vsel vm1, $0xFF800000, v27;
	vm0 =	veq.s32 v37, v13;
	v40 =	vmax.f32 v40, v30  }
0xf2: {  	vm1 =	veq.s32 v37, v12;
	v25 =	vsel vm0, $0xFF800000, v25;
	v40 =	vmax.f32 v40, v27  }
0xf3: {  	v38 =	vsel vm1, $0xFF800000, v38;
	vm0 =	veq.s32 v37, v11;
	v40 =	vmax.f32 v40, v25  }
0xf4: {  	vm1 =	veq.s32 v37, v10;
	v39 =	vsel vm0, $0xFF800000, v39;
	v40 =	vmax.f32 v40, v38  }
0xf5: {  	vm0 =	veq.s32 v37, v9;
	v23 =	vsel vm1, $0xFF800000, v23;
	v40 =	vmax.f32 v40, v39  }
0xf6: {  	vm1 =	veq.s32 v37, v8;
	v24 =	vsel vm0, $0xFF800000, v24;
	v40 =	vmax.f32 v40, v23  }
0xf7: {  	vm0 =	veq.s32 v37, v7;
	v26 =	vsel vm1, $0xFF800000, v26;
	v40 =	vmax.f32 v40, v24  }
0xf8: {  	vm1 =	veq.s32 v37, v6;
	v28 =	vsel vm0, $0xFF800000, v28;
	v40 =	vmax.f32 v40, v26  }
0xf9: {  	vm0 =	veq.s32 v37, v5;
	v29 =	vsel vm1, $0xFF800000, v29;
	v40 =	vmax.f32 v40, v28  }
0xfa: {  	v31 =	vsel vm0, $0xFF800000, v31;
	v40 =	vmax.f32 v40, v29  }
0xfb: {  	v40 =	vmax.f32 v40, v31  }
0xfc: {  	v41 =	vperm.xlane v40, v0;
	_ =	sdelay $0x1  }
0xfd: {  	v40 =	vmax.f32 v40, v41  }
0xfe: {  	v41 =	vperm.xlane v40, v1;
	_ =	sdelay $0x1  }
0xff: {  	v40 =	vmax.f32 v40, v41  }
0x100: {  	v41 =	vperm.xlane v40, v2;
	_ =	sdelay $0x1  }
0x101: {  	v40 =	vmax.f32 v40, v41  }
0x102: {  	v41 =	vperm.xlane v40, v3;
	_ =	sdelay $0x1  }
0x103: {  	v40 =	vmax.f32 v40, v41  }
0x104: {  	vm0 =	veq.f32 v31, v40  }
0x105: {  	vm1 =	veq.f32 v29, v40;
	v57 =	vnsel vm0, $0x40000000, v5  }
0x106: {  	vm0 =	veq.f32 v28, v40;
	v58 =	vsel vm1, v6, v57  }
0x107: {  	vm1 =	veq.f32 v26, v40;
	v59 =	vsel vm0, v7, v58  }
0x108: {  	vm0 =	veq.f32 v24, v40;
	v60 =	vsel vm1, v8, v59  }
0x109: {  	vm1 =	veq.f32 v23, v40;
	v61 =	vsel vm0, v9, v60  }
0x10a: {  	vm0 =	veq.f32 v39, v40;
	v23 =	vsel vm1, v10, v61  }
0x10b: {  	vm1 =	veq.f32 v38, v40;
	v23 =	vsel vm0, v11, v23  }
0x10c: {  	vm0 =	veq.f32 v25, v40;
	v23 =	vsel vm1, v12, v23  }
0x10d: {  	vm1 =	veq.f32 v27, v40;
	v23 =	vsel vm0, v13, v23  }
0x10e: {  	vm0 =	veq.f32 v30, v40;
	v23 =	vsel vm1, v14, v23  }
0x10f: {  	vm1 =	veq.f32 v32, v40;
	v23 =	vsel vm0, v15, v23  }
0x110: {  	vm0 =	veq.f32 v33, v40;
	v23 =	vsel vm1, v16, v23  }
0x111: {  	vm1 =	veq.f32 v34, v40;
	v23 =	vsel vm0, v17, v23  }
0x112: {  	vm0 =	veq.f32 v36, v40;
	v23 =	vsel vm1, v18, v23  }
0x113: {  	vm1 =	veq.f32 v35, v40;
	v23 =	vsel vm0, v19, v23  }
0x114: {  	v23 =	vsel vm1, v4, v23  }
0x115: {  	v62 =	vperm.xlane v23, v0;
	_ =	sdelay $0x1  }
0x116: {  	vm0 =	vlt.s32 v23, v62  }
0x117: {  	v23 =	vsel vm0, v23, v62  }
0x118: {  	v24 =	vperm.xlane v23, v1;
	_ =	sdelay $0x1  }
0x119: {  	vm0 =	vlt.s32 v23, v24  }
0x11a: {  	v23 =	vsel vm0, v23, v24  }
0x11b: {  	v24 =	vperm.xlane v23, v2  }
0x11c: {  	s8 =	ssub.s32 $0x2, s8  }
0x11d: {  	s30 =	sshrl.u32 s8, $0x1;
	vm1 =	vlt.s32 v23, v24  }
0x11e: {  	s8 =	ssub.s32 s8, s30;
	vm0 =	vmmov $0x1;
	v23 =	vsel vm1, v23, v24  }
0x11f: {  	s31 =	smax.u32 s8, $0x1;
	v20 =	vnsel vm0, $0x0, v20;
	vm1 =	vcmask $0x314;
	v24 =	vperm.xlane v23, v3  }
0x120: {  	s9 =	sshll.u32 s9, $0xA;
	p0 =	sne.s32 s31, $0x1;
	vm2 =	vcmask $0x714;
	v20 =	vsel vm1, v20, v21  }
.Ltmp0:
0x121: {  	vm3 =	vcmask $0xB14;
	s9 =	sor.u32 s9, s10;
	v20 =	vsel vm2, v20, v22;
	vm5 =	vlt.s32 v23, v24;
	(pc) =	sbr.rel @!p0 .LBB2_2-.Ltmp0, $4  }
0x122: {  	vm4 =	vcmask $0xF14;
	s9 =	sshrl.u32 s9, $0x3;
	v20 =	vsel vm3, v20, v37;
	v63 =	vsel vm5, v23, v24  }
0x123: {  	s7 =	sadd.s32 s9, s7;
	v20 =	vsel vm4, v20, v63  }
0x124: {  	s8 =	simm.s32 $0x100;
	s9 =	sadd.s32 $0xFFFFFFFF, s31;
	s7 =	sadd.s32 $0x1200, s7;
	[tilespmem:$0x100] =	vst v20  }
0x125: {  	[hbm4b:s7+s2] =	stream.linear.scatter [tilespmem:s8], [sflag:$0x1], $0x80, $0x38;
	[tilespmem:$0x180] =	vst v63  }
.LBB2_1:
0x126: {  	p0 =	sne.s32 s9, $0x1;
	s9 =	sadd.s32 $0xFFFFFFFF, s9;
	_ =	swait.ge [sflag:s3], $0x80  }
0x127: {  	[sflag:s3] =	ssyncset.done $0x0  }
0x128: {  	[sflag:s3] =	ssyncadd.s32 $0xFFFFFF80  }
0x129: {  	[tilespmem:s2], [sflag:$0x1] =	stream.strided.gather [hbm4b:s4+s5], $0x100, s6, s5, $0x38;
	[tilespmem:$0x180] =	vst v63  }
0x12a: {  	_ =	swait.ge [sflag:s3], $0x100  }
0x12b: {  	[sflag:s3] =	ssyncset.done $0x0  }
0x12c: {  	[sflag:s3] =	ssyncadd.s32 $0xFFFFFF00  }
0x12d: {  	v33 =	vld [tilespmem:$0x20]  }
0x12e: {  	v31 =	vld [tilespmem:$0x0]  }
0x12f: {  	v32 =	vld [tilespmem:$0x10];
	_ =	sdelay $0x1  }
0x130: {  	v37 =	vld [tilespmem:$0x30]  }
0x131: {  	v36 =	vld [tilespmem:$0x40]  }
0x132: {  	v34 =	vld [tilespmem:$0x50]  }
0x133: {  	v30 =	vld [tilespmem:$0x60];
	v20 =	vmax.f32 v31, v32  }
0x134: {  	v29 =	vld [tilespmem:$0x70];
	v20 =	vmax.f32 v20, v33  }
0x135: {  	v28 =	vld [tilespmem:$0x80];
	v20 =	vmax.f32 v20, v37  }
0x136: {  	v27 =	vld [tilespmem:$0x90];
	v20 =	vmax.f32 v20, v36  }
0x137: {  	v26 =	vld [tilespmem:$0xA0];
	v20 =	vmax.f32 v20, v34  }
0x138: {  	v25 =	vld [tilespmem:$0xB0];
	v20 =	vmax.f32 v20, v30  }
0x139: {  	v24 =	vld [tilespmem:$0xC0];
	v20 =	vmax.f32 v20, v29  }
0x13a: {  	v23 =	vld [tilespmem:$0xD0];
	v20 =	vmax.f32 v20, v28  }
0x13b: {  	v21 =	vld [tilespmem:$0xE0];
	v20 =	vmax.f32 v20, v27  }
0x13c: {  	v22 =	vld [tilespmem:$0xF0];
	v20 =	vmax.f32 v20, v26  }
0x13d: {  	v20 =	vmax.f32 v20, v25  }
0x13e: {  	v20 =	vmax.f32 v20, v24  }
0x13f: {  	v20 =	vmax.f32 v20, v23  }
0x140: {  	v20 =	vmax.f32 v20, v21  }
0x141: {  	v20 =	vmax.f32 v20, v22  }
0x142: {  	v35 =	vperm.xlane v20, v0;
	_ =	sdelay $0x1  }
0x143: {  	v20 =	vmax.f32 v20, v35  }
0x144: {  	v35 =	vperm.xlane v20, v1;
	_ =	sdelay $0x1  }
0x145: {  	v20 =	vmax.f32 v20, v35  }
0x146: {  	v35 =	vperm.xlane v20, v2;
	_ =	sdelay $0x1  }
0x147: {  	v20 =	vmax.f32 v20, v35  }
0x148: {  	v35 =	vperm.xlane v20, v3;
	_ =	sdelay $0x1  }
0x149: {  	v20 =	vmax.f32 v20, v35  }
0x14a: {  	vm5 =	veq.f32 v30, v20;
	vm7 =	veq.f32 v21, v20;
	vm8 =	veq.f32 v22, v20  }
0x14b: {  	vm6 =	veq.f32 v34, v20;
	vm9 =	veq.f32 v23, v20;
	v35 =	vnsel vm8, $0x40000000, v5  }
0x14c: {  	vm10 =	veq.f32 v24, v20;
	vm8 =	veq.f32 v36, v20;
	v35 =	vsel vm7, v6, v35  }
0x14d: {  	vm11 =	veq.f32 v25, v20;
	vm7 =	veq.f32 v37, v20;
	v35 =	vsel vm9, v7, v35  }
0x14e: {  	vm12 =	veq.f32 v26, v20;
	vm9 =	veq.f32 v33, v20;
	v35 =	vsel vm10, v8, v35  }
0x14f: {  	vm13 =	veq.f32 v27, v20;
	vm10 =	veq.f32 v32, v20;
	v35 =	vsel vm11, v9, v35  }
0x150: {  	vm14 =	veq.f32 v28, v20;
	vm11 =	veq.f32 v31, v20;
	v35 =	vsel vm12, v10, v35  }
0x151: {  	vm12 =	veq.f32 v29, v20;
	v20 =	vsel vm13, v11, v35  }
0x152: {  	v20 =	vsel vm14, v12, v20  }
0x153: {  	v20 =	vsel vm12, v13, v20  }
0x154: {  	v20 =	vsel vm5, v14, v20  }
0x155: {  	v20 =	vsel vm6, v15, v20  }
0x156: {  	v20 =	vsel vm8, v16, v20  }
0x157: {  	v20 =	vsel vm7, v17, v20  }
0x158: {  	v20 =	vsel vm9, v18, v20  }
0x159: {  	v20 =	vsel vm10, v19, v20  }
0x15a: {  	v20 =	vsel vm11, v4, v20  }
0x15b: {  	v35 =	vperm.xlane v20, v0;
	_ =	sdelay $0x1  }
0x15c: {  	vm5 =	vlt.s32 v20, v35  }
0x15d: {  	v20 =	vsel vm5, v20, v35  }
0x15e: {  	v35 =	vperm.xlane v20, v1;
	_ =	sdelay $0x1  }
0x15f: {  	vm5 =	vlt.s32 v20, v35  }
0x160: {  	v20 =	vsel vm5, v20, v35  }
0x161: {  	v35 =	vperm.xlane v20, v2;
	_ =	sdelay $0x1  }
0x162: {  	vm5 =	vlt.s32 v20, v35  }
0x163: {  	v20 =	vsel vm5, v20, v35  }
0x164: {  	v35 =	vperm.xlane v20, v3;
	_ =	sdelay $0x1  }
0x165: {  	vm5 =	vlt.s32 v20, v35  }
0x166: {  	v20 =	vsel vm5, v20, v35  }
0x167: {  	vm5 =	veq.s32 v20, v4;
	vm6 =	veq.s32 v20, v19;
	vm7 =	veq.s32 v20, v16  }
0x168: {  	v31 =	vsel vm5, $0xFF800000, v31;
	v32 =	vsel vm6, $0xFF800000, v32;
	vm5 =	veq.s32 v20, v18  }
0x169: {  	v35 =	vsel vm5, $0xFF800000, v33;
	vm5 =	veq.s32 v20, v17;
	v38 =	vmax.f32 v31, v32  }
0x16a: {  	v33 =	vsel vm5, $0xFF800000, v37;
	vm5 =	veq.s32 v20, v15;
	v37 =	vmax.f32 v38, v35  }
0x16b: {  	v36 =	vsel vm7, $0xFF800000, v36;
	vm6 =	veq.s32 v20, v14;
	v37 =	vmax.f32 v37, v33  }
0x16c: {  	v34 =	vsel vm5, $0xFF800000, v34;
	vm5 =	veq.s32 v20, v13;
	v38 =	vmax.f32 v37, v36  }
0x16d: {  	v37 =	vsel vm6, $0xFF800000, v30;
	vm6 =	veq.s32 v20, v12;
	v30 =	vmax.f32 v38, v34  }
0x16e: {  	v29 =	vsel vm5, $0xFF800000, v29;
	vm5 =	veq.s32 v20, v11;
	v30 =	vmax.f32 v30, v37  }
0x16f: {  	v38 =	vsel vm6, $0xFF800000, v28;
	vm6 =	veq.s32 v20, v10;
	v28 =	vmax.f32 v30, v29  }
0x170: {  	v27 =	vsel vm5, $0xFF800000, v27;
	vm5 =	veq.s32 v20, v9;
	v28 =	vmax.f32 v28, v38  }
0x171: {  	v26 =	vsel vm6, $0xFF800000, v26;
	vm6 =	veq.s32 v20, v8;
	v28 =	vmax.f32 v28, v27  }
0x172: {  	v25 =	vsel vm5, $0xFF800000, v25;
	vm5 =	veq.s32 v20, v7;
	v28 =	vmax.f32 v28, v26  }
0x173: {  	v24 =	vsel vm6, $0xFF800000, v24;
	vm6 =	veq.s32 v20, v6;
	v28 =	vmax.f32 v28, v25  }
0x174: {  	v23 =	vsel vm5, $0xFF800000, v23;
	vm5 =	veq.s32 v20, v5;
	v30 =	vmax.f32 v28, v24  }
0x175: {  	v28 =	vsel vm6, $0xFF800000, v21;
	v21 =	vmax.f32 v30, v23  }
0x176: {  	v22 =	vsel vm5, $0xFF800000, v22;
	v21 =	vmax.f32 v21, v28  }
0x177: {  	v21 =	vmax.f32 v21, v22  }
0x178: {  	v30 =	vperm.xlane v21, v0;
	_ =	sdelay $0x1  }
0x179: {  	v21 =	vmax.f32 v21, v30  }
0x17a: {  	v30 =	vperm.xlane v21, v1;
	_ =	sdelay $0x1  }
0x17b: {  	v21 =	vmax.f32 v21, v30  }
0x17c: {  	v30 =	vperm.xlane v21, v2;
	_ =	sdelay $0x1  }
0x17d: {  	v21 =	vmax.f32 v21, v30  }
0x17e: {  	v30 =	vperm.xlane v21, v3;
	_ =	sdelay $0x1  }
0x17f: {  	v21 =	vmax.f32 v21, v30  }
0x180: {  	vm5 =	veq.f32 v29, v21;
	vm6 =	veq.f32 v38, v21;
	vm7 =	veq.f32 v22, v21  }
0x181: {  	vm8 =	veq.f32 v37, v21;
	vm9 =	veq.f32 v28, v21;
	v30 =	vnsel vm7, $0x40000000, v5  }
0x182: {  	vm10 =	veq.f32 v23, v21;
	vm7 =	veq.f32 v34, v21;
	v30 =	vsel vm9, v6, v30  }
0x183: {  	vm11 =	veq.f32 v24, v21;
	vm9 =	veq.f32 v36, v21;
	v30 =	vsel vm10, v7, v30  }
0x184: {  	vm12 =	veq.f32 v25, v21;
	vm10 =	veq.f32 v33, v21;
	v30 =	vsel vm11, v8, v30  }
0x185: {  	vm13 =	veq.f32 v26, v21;
	vm11 =	veq.f32 v35, v21;
	v30 =	vsel vm12, v9, v30  }
0x186: {  	vm14 =	veq.f32 v27, v21;
	vm12 =	veq.f32 v32, v21;
	v30 =	vsel vm13, v10, v30  }
0x187: {  	vm13 =	veq.f32 v31, v21;
	v21 =	vsel vm14, v11, v30  }
0x188: {  	v21 =	vsel vm6, v12, v21  }
0x189: {  	v21 =	vsel vm5, v13, v21  }
0x18a: {  	v21 =	vsel vm8, v14, v21  }
0x18b: {  	v21 =	vsel vm7, v15, v21  }
0x18c: {  	v21 =	vsel vm9, v16, v21  }
0x18d: {  	v21 =	vsel vm10, v17, v21  }
0x18e: {  	v21 =	vsel vm11, v18, v21  }
0x18f: {  	v21 =	vsel vm12, v19, v21  }
0x190: {  	v21 =	vsel vm13, v4, v21  }
0x191: {  	v30 =	vperm.xlane v21, v0;
	_ =	sdelay $0x1  }
0x192: {  	vm5 =	vlt.s32 v21, v30  }
0x193: {  	v21 =	vsel vm5, v21, v30  }
0x194: {  	v30 =	vperm.xlane v21, v1;
	_ =	sdelay $0x1  }
0x195: {  	vm5 =	vlt.s32 v21, v30  }
0x196: {  	v21 =	vsel vm5, v21, v30  }
0x197: {  	v30 =	vperm.xlane v21, v2;
	_ =	sdelay $0x1  }
0x198: {  	vm5 =	vlt.s32 v21, v30  }
0x199: {  	v21 =	vsel vm5, v21, v30  }
0x19a: {  	v30 =	vperm.xlane v21, v3;
	_ =	sdelay $0x1  }
0x19b: {  	vm5 =	vlt.s32 v21, v30  }
0x19c: {  	v21 =	vsel vm5, v21, v30  }
0x19d: {  	vm5 =	veq.s32 v21, v4;
	vm6 =	veq.s32 v21, v19;
	vm7 =	veq.s32 v21, v18  }
0x19e: {  	v30 =	vsel vm5, $0xFF800000, v31;
	v31 =	vsel vm6, $0xFF800000, v32;
	v32 =	vsel vm7, $0xFF800000, v35  }
0x19f: {  	vm5 =	veq.s32 v21, v17;
	vm6 =	veq.s32 v21, v16;
	v39 =	vmax.f32 v30, v31  }
0x1a0: {  	v33 =	vsel vm5, $0xFF800000, v33;
	v35 =	vsel vm6, $0xFF800000, v36;
	v36 =	vmax.f32 v39, v32  }
0x1a1: {  	vm5 =	veq.s32 v21, v15;
	vm6 =	veq.s32 v21, v14;
	v39 =	vmax.f32 v36, v33  }
0x1a2: {  	v34 =	vsel vm5, $0xFF800000, v34;
	v36 =	vsel vm6, $0xFF800000, v37;
	v37 =	vmax.f32 v39, v35  }
0x1a3: {  	vm5 =	veq.s32 v21, v13;
	vm6 =	veq.s32 v21, v12;
	v39 =	vmax.f32 v37, v34  }
0x1a4: {  	v29 =	vsel vm5, $0xFF800000, v29;
	v37 =	vsel vm6, $0xFF800000, v38;
	v38 =	vmax.f32 v39, v36  }
0x1a5: {  	vm5 =	veq.s32 v21, v11;
	vm6 =	veq.s32 v21, v10;
	v38 =	vmax.f32 v38, v29  }
0x1a6: {  	v27 =	vsel vm5, $0xFF800000, v27;
	vm5 =	veq.s32 v21, v9;
	v38 =	vmax.f32 v38, v37  }
0x1a7: {  	v26 =	vsel vm6, $0xFF800000, v26;
	vm6 =	veq.s32 v21, v8;
	v38 =	vmax.f32 v38, v27  }
0x1a8: {  	v25 =	vsel vm5, $0xFF800000, v25;
	vm5 =	veq.s32 v21, v7;
	v38 =	vmax.f32 v38, v26  }
0x1a9: {  	v24 =	vsel vm6, $0xFF800000, v24;
	vm6 =	veq.s32 v21, v6;
	v38 =	vmax.f32 v38, v25  }
0x1aa: {  	v23 =	vsel vm5, $0xFF800000, v23;
	vm5 =	veq.s32 v21, v5;
	v38 =	vmax.f32 v38, v24  }
0x1ab: {  	v28 =	vsel vm6, $0xFF800000, v28;
	v39 =	vmax.f32 v38, v23  }
0x1ac: {  	v38 =	vsel vm5, $0xFF800000, v22;
	v22 =	vmax.f32 v39, v28  }
0x1ad: {  	v22 =	vmax.f32 v22, v38  }
0x1ae: {  	v39 =	vperm.xlane v22, v0;
	_ =	sdelay $0x1  }
0x1af: {  	v22 =	vmax.f32 v22, v39  }
0x1b0: {  	v39 =	vperm.xlane v22, v1;
	_ =	sdelay $0x1  }
0x1b1: {  	v22 =	vmax.f32 v22, v39  }
0x1b2: {  	v39 =	vperm.xlane v22, v2;
	_ =	sdelay $0x1  }
0x1b3: {  	v22 =	vmax.f32 v22, v39  }
0x1b4: {  	v39 =	vperm.xlane v22, v3;
	_ =	sdelay $0x1  }
0x1b5: {  	v22 =	vmax.f32 v22, v39  }
0x1b6: {  	vm5 =	veq.f32 v29, v22;
	vm6 =	veq.f32 v37, v22;
	vm7 =	veq.f32 v38, v22  }
0x1b7: {  	vm8 =	veq.f32 v36, v22;
	vm9 =	veq.f32 v28, v22;
	v39 =	vnsel vm7, $0x40000000, v5  }
0x1b8: {  	vm10 =	veq.f32 v23, v22;
	vm7 =	veq.f32 v34, v22;
	v39 =	vsel vm9, v6, v39  }
0x1b9: {  	vm11 =	veq.f32 v24, v22;
	vm9 =	veq.f32 v35, v22;
	v39 =	vsel vm10, v7, v39  }
0x1ba: {  	vm12 =	veq.f32 v25, v22;
	vm10 =	veq.f32 v33, v22;
	v39 =	vsel vm11, v8, v39  }
0x1bb: {  	vm13 =	veq.f32 v26, v22;
	vm11 =	veq.f32 v32, v22;
	v39 =	vsel vm12, v9, v39  }
0x1bc: {  	vm14 =	veq.f32 v27, v22;
	vm12 =	veq.f32 v31, v22;
	v39 =	vsel vm13, v10, v39  }
0x1bd: {  	vm13 =	veq.f32 v30, v22;
	v22 =	vsel vm14, v11, v39  }
0x1be: {  	v22 =	vsel vm6, v12, v22  }
0x1bf: {  	v22 =	vsel vm5, v13, v22  }
0x1c0: {  	v22 =	vsel vm8, v14, v22  }
0x1c1: {  	v22 =	vsel vm7, v15, v22  }
0x1c2: {  	v22 =	vsel vm9, v16, v22  }
0x1c3: {  	v22 =	vsel vm10, v17, v22  }
0x1c4: {  	v22 =	vsel vm11, v18, v22  }
0x1c5: {  	v22 =	vsel vm12, v19, v22  }
0x1c6: {  	v22 =	vsel vm13, v4, v22  }
0x1c7: {  	v39 =	vperm.xlane v22, v0;
	_ =	sdelay $0x1  }
0x1c8: {  	vm5 =	vlt.s32 v22, v39  }
0x1c9: {  	v22 =	vsel vm5, v22, v39  }
0x1ca: {  	v39 =	vperm.xlane v22, v1;
	_ =	sdelay $0x1  }
0x1cb: {  	vm5 =	vlt.s32 v22, v39  }
0x1cc: {  	v22 =	vsel vm5, v22, v39  }
0x1cd: {  	v39 =	vperm.xlane v22, v2;
	_ =	sdelay $0x1  }
0x1ce: {  	vm5 =	vlt.s32 v22, v39  }
0x1cf: {  	v22 =	vsel vm5, v22, v39  }
0x1d0: {  	v39 =	vperm.xlane v22, v3;
	_ =	sdelay $0x1  }
0x1d1: {  	vm5 =	vlt.s32 v22, v39  }
0x1d2: {  	v22 =	vsel vm5, v22, v39  }
0x1d3: {  	vm5 =	veq.s32 v22, v4;
	vm6 =	veq.s32 v22, v19;
	vm7 =	veq.s32 v22, v18  }
0x1d4: {  	v30 =	vsel vm5, $0xFF800000, v30;
	v31 =	vsel vm6, $0xFF800000, v31;
	v32 =	vsel vm7, $0xFF800000, v32  }
0x1d5: {  	vm5 =	veq.s32 v22, v17;
	vm6 =	veq.s32 v22, v16;
	v39 =	vmax.f32 v30, v31  }
0x1d6: {  	v33 =	vsel vm5, $0xFF800000, v33;
	v35 =	vsel vm6, $0xFF800000, v35;
	v39 =	vmax.f32 v39, v32  }
0x1d7: {  	vm5 =	veq.s32 v22, v15;
	vm6 =	veq.s32 v22, v14;
	v39 =	vmax.f32 v39, v33  }
0x1d8: {  	v34 =	vsel vm5, $0xFF800000, v34;
	v36 =	vsel vm6, $0xFF800000, v36;
	v39 =	vmax.f32 v39, v35  }
0x1d9: {  	vm5 =	veq.s32 v22, v13;
	vm6 =	veq.s32 v22, v12;
	v39 =	vmax.f32 v39, v34  }
0x1da: {  	v29 =	vsel vm5, $0xFF800000, v29;
	v37 =	vsel vm6, $0xFF800000, v37;
	v39 =	vmax.f32 v39, v36  }
0x1db: {  	vm5 =	veq.s32 v22, v11;
	vm6 =	veq.s32 v22, v10;
	v39 =	vmax.f32 v39, v29  }
0x1dc: {  	v27 =	vsel vm5, $0xFF800000, v27;
	vm5 =	veq.s32 v22, v9;
	v39 =	vmax.f32 v39, v37  }
0x1dd: {  	v26 =	vsel vm6, $0xFF800000, v26;
	vm6 =	veq.s32 v22, v8;
	v39 =	vmax.f32 v39, v27  }
0x1de: {  	v25 =	vsel vm5, $0xFF800000, v25;
	vm5 =	veq.s32 v22, v7;
	v39 =	vmax.f32 v39, v26  }
0x1df: {  	v24 =	vsel vm6, $0xFF800000, v24;
	vm6 =	veq.s32 v22, v6;
	v40 =	vmax.f32 v39, v25  }
0x1e0: {  	v39 =	vsel vm5, $0xFF800000, v23;
	vm5 =	veq.s32 v22, v5;
	v23 =	vmax.f32 v40, v24  }
0x1e1: {  	v28 =	vsel vm6, $0xFF800000, v28;
	v23 =	vmax.f32 v23, v39  }
0x1e2: {  	v38 =	vsel vm5, $0xFF800000, v38;
	v23 =	vmax.f32 v23, v28  }
0x1e3: {  	v23 =	vmax.f32 v23, v38  }
0x1e4: {  	v40 =	vperm.xlane v23, v0;
	_ =	sdelay $0x1  }
0x1e5: {  	v23 =	vmax.f32 v23, v40  }
0x1e6: {  	v40 =	vperm.xlane v23, v1;
	_ =	sdelay $0x1  }
0x1e7: {  	v23 =	vmax.f32 v23, v40  }
0x1e8: {  	v40 =	vperm.xlane v23, v2;
	_ =	sdelay $0x1  }
0x1e9: {  	v23 =	vmax.f32 v23, v40  }
0x1ea: {  	v40 =	vperm.xlane v23, v3;
	_ =	sdelay $0x1  }
0x1eb: {  	v23 =	vmax.f32 v23, v40  }
0x1ec: {  	vm5 =	veq.f32 v29, v23;
	vm6 =	veq.f32 v37, v23;
	vm7 =	veq.f32 v38, v23  }
0x1ed: {  	vm8 =	veq.f32 v36, v23;
	vm9 =	veq.f32 v28, v23;
	v40 =	vnsel vm7, $0x40000000, v5  }
0x1ee: {  	vm10 =	veq.f32 v39, v23;
	vm7 =	veq.f32 v34, v23;
	v40 =	vsel vm9, v6, v40  }
0x1ef: {  	vm11 =	veq.f32 v24, v23;
	vm9 =	veq.f32 v35, v23;
	v40 =	vsel vm10, v7, v40  }
0x1f0: {  	vm12 =	veq.f32 v25, v23;
	vm10 =	veq.f32 v33, v23;
	v40 =	vsel vm11, v8, v40  }
0x1f1: {  	vm13 =	veq.f32 v26, v23;
	vm11 =	veq.f32 v32, v23;
	v40 =	vsel vm12, v9, v40  }
0x1f2: {  	vm14 =	veq.f32 v27, v23;
	vm12 =	veq.f32 v31, v23;
	v40 =	vsel vm13, v10, v40  }
0x1f3: {  	vm13 =	veq.f32 v30, v23;
	v23 =	vsel vm14, v11, v40  }
0x1f4: {  	v23 =	vsel vm6, v12, v23  }
0x1f5: {  	v23 =	vsel vm5, v13, v23  }
0x1f6: {  	v23 =	vsel vm8, v14, v23  }
0x1f7: {  	v23 =	vsel vm7, v15, v23  }
0x1f8: {  	v23 =	vsel vm9, v16, v23  }
0x1f9: {  	v23 =	vsel vm10, v17, v23  }
0x1fa: {  	v23 =	vsel vm11, v18, v23  }
0x1fb: {  	v23 =	vsel vm12, v19, v23  }
0x1fc: {  	v23 =	vsel vm13, v4, v23  }
0x1fd: {  	v40 =	vperm.xlane v23, v0;
	_ =	sdelay $0x1  }
0x1fe: {  	vm5 =	vlt.s32 v23, v40  }
0x1ff: {  	v23 =	vsel vm5, v23, v40  }
0x200: {  	v40 =	vperm.xlane v23, v1;
	_ =	sdelay $0x1  }
0x201: {  	vm5 =	vlt.s32 v23, v40  }
0x202: {  	v23 =	vsel vm5, v23, v40  }
0x203: {  	v40 =	vperm.xlane v23, v2;
	_ =	sdelay $0x1  }
0x204: {  	vm5 =	vlt.s32 v23, v40  }
0x205: {  	v23 =	vsel vm5, v23, v40  }
0x206: {  	v40 =	vperm.xlane v23, v3;
	_ =	sdelay $0x1  }
0x207: {  	vm5 =	vlt.s32 v23, v40  }
0x208: {  	v23 =	vsel vm5, v23, v40  }
0x209: {  	vm5 =	veq.s32 v23, v4;
	vm6 =	veq.s32 v23, v19;
	vm7 =	veq.s32 v23, v18  }
0x20a: {  	v30 =	vsel vm5, $0xFF800000, v30;
	v31 =	vsel vm6, $0xFF800000, v31;
	v32 =	vsel vm7, $0xFF800000, v32  }
0x20b: {  	vm5 =	veq.s32 v23, v17;
	vm6 =	veq.s32 v23, v16;
	v40 =	vmax.f32 v30, v31  }
0x20c: {  	v33 =	vsel vm5, $0xFF800000, v33;
	v35 =	vsel vm6, $0xFF800000, v35;
	v40 =	vmax.f32 v40, v32  }
0x20d: {  	vm5 =	veq.s32 v23, v15;
	vm6 =	veq.s32 v23, v14;
	v40 =	vmax.f32 v40, v33  }
0x20e: {  	v34 =	vsel vm5, $0xFF800000, v34;
	v36 =	vsel vm6, $0xFF800000, v36;
	v40 =	vmax.f32 v40, v35  }
0x20f: {  	vm5 =	veq.s32 v23, v13;
	vm6 =	veq.s32 v23, v12;
	v40 =	vmax.f32 v40, v34  }
0x210: {  	v29 =	vsel vm5, $0xFF800000, v29;
	v37 =	vsel vm6, $0xFF800000, v37;
	v40 =	vmax.f32 v40, v36  }
0x211: {  	vm5 =	veq.s32 v23, v11;
	vm6 =	veq.s32 v23, v10;
	v40 =	vmax.f32 v40, v29  }
0x212: {  	v27 =	vsel vm5, $0xFF800000, v27;
	vm5 =	veq.s32 v23, v9;
	v40 =	vmax.f32 v40, v37  }
0x213: {  	v26 =	vsel vm6, $0xFF800000, v26;
	vm6 =	veq.s32 v23, v8;
	v40 =	vmax.f32 v40, v27  }
0x214: {  	v25 =	vsel vm5, $0xFF800000, v25;
	vm5 =	veq.s32 v23, v7;
	v40 =	vmax.f32 v40, v26  }
0x215: {  	v24 =	vsel vm6, $0xFF800000, v24;
	vm6 =	veq.s32 v23, v6;
	v40 =	vmax.f32 v40, v25  }
0x216: {  	v39 =	vsel vm5, $0xFF800000, v39;
	vm5 =	veq.s32 v23, v5;
	v40 =	vmax.f32 v40, v24  }
0x217: {  	v28 =	vsel vm6, $0xFF800000, v28;
	v40 =	vmax.f32 v40, v39  }
0x218: {  	v38 =	vsel vm5, $0xFF800000, v38;
	v40 =	vmax.f32 v40, v28  }
0x219: {  	v40 =	vmax.f32 v40, v38  }
0x21a: {  	v41 =	vperm.xlane v40, v0;
	_ =	sdelay $0x1  }
0x21b: {  	v40 =	vmax.f32 v40, v41  }
0x21c: {  	v41 =	vperm.xlane v40, v1;
	_ =	sdelay $0x1  }
0x21d: {  	v40 =	vmax.f32 v40, v41  }
0x21e: {  	v41 =	vperm.xlane v40, v2;
	_ =	sdelay $0x1  }
0x21f: {  	v40 =	vmax.f32 v40, v41  }
0x220: {  	v41 =	vperm.xlane v40, v3;
	_ =	sdelay $0x1  }
0x221: {  	v40 =	vmax.f32 v40, v41  }
0x222: {  	vm5 =	veq.f32 v29, v40;
	vm6 =	veq.f32 v37, v40;
	vm7 =	veq.f32 v38, v40  }
0x223: {  	vm8 =	veq.f32 v36, v40;
	vm9 =	veq.f32 v28, v40;
	v28 =	vnsel vm7, $0x40000000, v5  }
0x224: {  	vm10 =	veq.f32 v39, v40;
	vm7 =	veq.f32 v34, v40;
	v28 =	vsel vm9, v6, v28  }
0x225: {  	vm11 =	veq.f32 v24, v40;
	vm9 =	veq.f32 v35, v40;
	v24 =	vsel vm10, v7, v28  }
0x226: {  	vm12 =	veq.f32 v25, v40;
	vm10 =	veq.f32 v33, v40;
	v24 =	vsel vm11, v8, v24  }
0x227: {  	vm13 =	veq.f32 v26, v40;
	vm11 =	veq.f32 v32, v40;
	v24 =	vsel vm12, v9, v24  }
0x228: {  	vm14 =	veq.f32 v27, v40;
	vm12 =	veq.f32 v31, v40;
	v24 =	vsel vm13, v10, v24  }
0x229: {  	vm13 =	veq.f32 v30, v40;
	v24 =	vsel vm14, v11, v24  }
0x22a: {  	v24 =	vsel vm6, v12, v24  }
0x22b: {  	v24 =	vsel vm5, v13, v24  }
0x22c: {  	v24 =	vsel vm8, v14, v24  }
0x22d: {  	v24 =	vsel vm7, v15, v24  }
0x22e: {  	v24 =	vsel vm9, v16, v24  }
0x22f: {  	v24 =	vsel vm10, v17, v24  }
0x230: {  	v24 =	vsel vm11, v18, v24  }
0x231: {  	v24 =	vsel vm12, v19, v24  }
0x232: {  	v24 =	vsel vm13, v4, v24  }
0x233: {  	v25 =	vperm.xlane v24, v0;
	_ =	sdelay $0x1  }
0x234: {  	vm5 =	vlt.s32 v24, v25  }
0x235: {  	v24 =	vsel vm5, v24, v25  }
0x236: {  	v25 =	vperm.xlane v24, v1;
	_ =	sdelay $0x1  }
0x237: {  	vm5 =	vlt.s32 v24, v25  }
0x238: {  	v24 =	vsel vm5, v24, v25  }
0x239: {  	v25 =	vperm.xlane v24, v2;
	_ =	sdelay $0x1  }
0x23a: {  	vm5 =	vlt.s32 v24, v25  }
0x23b: {  	v24 =	vsel vm5, v24, v25  }
0x23c: {  	v20 =	vnsel vm0, $0x0, v20;
	v25 =	vperm.xlane v24, v3  }
0x23d: {  	v20 =	vsel vm1, v20, v21  }
.Ltmp1:
0x23e: {  	v20 =	vsel vm2, v20, v22;
	vm5 =	vlt.s32 v24, v25;
	(pc) =	sbr.rel @p0 .LBB2_1-.Ltmp1, $4  }
0x23f: {  	v20 =	vsel vm3, v20, v23;
	v21 =	vsel vm5, v24, v25  }
0x240: {  	v20 =	vsel vm4, v20, v21  }
0x241: {  	[tilespmem:$0x100] =	vst v20  }
0x242: {  	[hbm4b:s7+s2] =	stream.linear.scatter [tilespmem:s8], [sflag:$0x1], $0x80, $0x38;
	[tilespmem:$0x180] =	vst v63  }
.LBB2_2:
0x243: {  	_ =	swait.ge [sflag:s3], $0x80  }
0x244: {  	[sflag:s3] =	ssyncset.done $0x0  }
0x245: {  	[sflag:s3] =	ssyncadd.s32 $0xFFFFFF80  }
0x246: {  	_ =	sfence.sel $0x180000  }
0x247: {  	[bflag:$0x0] =	sbarrier.arrive $0xFFFF  }
0x248: {  	p0 =	sne.s32 s0, $0x0;
	_ =	strace $0x90000047  }
0x249: {  	s0 =	sadd.s32 @!p0 $0x100000, s1;
	[bflag:$0x2] =	sbarrier.arrive $0xFFFF  }
0x24a: {  	[sflag:s0] =	ssyncadd.tile.s32 @!p0 $0x1;
	_ =	shalt  }
.Lfunc_end2:
_tile_overlayer_lowered:
.L_overlay_start_2:
0x24b: {  	(tag) =	ssettag $0x2  }
0x24c: {  	s0 =	rddreg [dreg:$0x0];
	s2 =	stileid.u32  }
0x24d: {  	s1 =	rddreg [dreg:$0x1];
	p0 =	sne.s32 s2, $0x0  }
0x24e: {  	s3 =	rddreg [dreg:$0x2];
	[bflag:$0x3] =	sbarrier.arrive $0xFFFF;
	s2 =	simm.s32 @!p0 $0x1C01  }
0x24f: {  	[timem:s3], [sflag:s2] =	dma.local @!p0 [hbm:s0], s1  }
0x250: {  	s0 =	simm.s32 @!p0 $0x1  }
0x251: {  	_ =	swait.ge @!p0 [sflag:s0], s1  }
0x252: {  	s1 =	ssub.s32 @!p0 $0x0, s1;
	[sflag:s0] =	ssyncset.done @!p0 $0x0  }
0x253: {  	[sflag:s0] =	ssyncadd.s32 @!p0 s1  }
0x254: {  	[bflag:$0x3] =	sbarrier.arrive $0xFFFF  }
0x255: {  	_ =	shalt  }

</sc_bundles>
